<compile_context>
chip_gen: v7x
topology: tpu7x:2x2x1
jax: 0.10.2.dev20260603
libtpu: 0.0.44.dev20260713+nightly
codegen_flags: <defaults>
</compile_context>

<pallas_src>
import jax
import jax.numpy as jnp
from jax import lax
from jax.experimental import pallas as pl
from jax.experimental.pallas import tpu as pltpu
from jax.experimental.pallas import tpu_sc as plsc

_K = 32
_C = 384
_B = 16
_H = 56
_W = 56
_HW = _H * _W
_COLS_PER_W = _HW // 2
_P = 112
_NBLK = _COLS_PER_W // _P


def _sort_desc(x):
    return plsc.sort_key_val(x, x, descending=True)[0]


def _topk_body(x_hbm, out_hbm, buf0, buf1, outbuf, sem):
    cid = lax.axis_index("c")
    sid = lax.axis_index("s")
    b = sid
    col0 = cid * _COLS_PER_W
    last_lane = lax.iota(jnp.int32, 16) == 15

    def start(blk, buf):
        pltpu.make_async_copy(
            x_hbm.at[b, pl.ds((col0 + blk * _P) * _C, _P * _C)], buf, sem
        ).start()

    def wait(buf):
        pltpu.make_async_copy(
            x_hbm.at[b, pl.ds(col0 * _C, _P * _C)], buf, sem
        ).wait()

    def process(buf, blk):
        @plsc.parallel_loop(0, _P, 1, unroll=2)
        def _pos_loop(pos):
            base = pos * _C

            def load(k):
                return buf[pl.ds(base + 16 * k, 16)]

            s1d = _sort_desc(load(0))
            s2a = jnp.sort(load(1))
            p = jnp.maximum(s1d, s2a)
            q = jnp.minimum(s1d, s2a)
            t0 = _sort_desc(p)
            t1 = _sort_desc(q)
            nblk32 = _C // 32
            for k in range(1, nblk32):
                s1d = _sort_desc(load(2 * k))
                s2a = jnp.sort(load(2 * k + 1))
                p = jnp.maximum(s1d, s2a)
                q = jnp.minimum(s1d, s2a)
                pa = jnp.sort(p)
                qa = jnp.sort(q)
                w0 = jnp.maximum(t0, qa)
                w1 = jnp.maximum(t1, pa)
                if k < nblk32 - 1:
                    a = jnp.maximum(w0, w1)
                    bt = jnp.minimum(w0, w1)
                    t0 = _sort_desc(a)
                    t1 = _sort_desc(bt)
                else:
                    t0, t1 = w0, w1
            acc = plsc.cumsum(t0 + t1) * (1.0 / _K)
            plsc.store_scatter(
                outbuf,
                [jnp.full((16,), blk * _P + pos, jnp.int32)],
                acc,
                mask=last_lane,
            )

    start(0, buf0)

    def panel_pair(gg, _):
        for j, (buf_a, buf_b) in enumerate(((buf0, buf1), (buf1, buf0))):
            blk = gg * 2 + j
            wait(buf_a)
            nxt = blk + 1

            @pl.when(nxt < _NBLK)
            def _():
                start(nxt, buf_b)

            process(buf_a, blk)
        return 0

    lax.fori_loop(0, _NBLK // 2, panel_pair, 0)
    pltpu.sync_copy(outbuf, out_hbm.at[b, pl.ds(col0, _COLS_PER_W)])


def _make_kernel(interpret=False):
    return pl.kernel(
        _topk_body,
        out_type=jax.ShapeDtypeStruct((_B, _HW), jnp.float32),
        mesh=plsc.VectorSubcoreMesh(
            core_axis_name="c",
            subcore_axis_name="s",
            num_cores=2,
            num_subcores=16,
        ),
        scratch_types=[
            pltpu.VMEM((_P * _C,), jnp.float32),
            pltpu.VMEM((_P * _C,), jnp.float32),
            pltpu.VMEM((_COLS_PER_W,), jnp.float32),
            pltpu.SemaphoreType.DMA,
        ],
        compiler_params=pltpu.CompilerParams(
            use_tc_tiling_on_sc=False, needs_layout_passes=False
        ),
        interpret=interpret,
    )


@jax.jit
def kernel(input):
    x = input.reshape(_B, _C, _HW).transpose(0, 2, 1).reshape(_B, _HW * _C)
    out = _make_kernel()(x)
    return out.reshape(_B, 1, _H, _W)

# --- scband reference (transcript-rebuilt; emitter-appended) ---
"""Pipeline reference for scband-top-kspatial-pool2d-45878840656452 (READ-ONLY COPY).

The authoritative reference and input builder live on the scoring server;
editing this copy changes nothing except your own understanding.
"""

import jax, jax.numpy as jnp
import numpy as np

K = 32

def setup_inputs(seed: int = 0) -> dict:
    key = jax.random.key(seed)
    x = jax.random.normal(key, (16, 384, 56, 56), dtype=jnp.float32)
    return {"input": x}

def reference(input):
    B, C, H, W = input.shape
    s = input.reshape((B, C, H * W))
    # descending sort over channel dim, take top-K channels per spatial location, mean
    s_sorted = jnp.sort(s, axis=1)[:, ::-1, :]
    out = s_sorted[:, :K, :].mean(axis=1)
    out = out.reshape((B, -1, H, W))
    return out

if __name__ == "__main__":
    import jax
    _d = setup_inputs()
    print(jax.jit(kernel)(*tuple(_d.values())))

</pallas_src>

<mosaic_0001>
#map = affine_map<(d0, d1) -> (0, 0)>
module attributes {stable_mosaic.version = 14 : i64} {
  func.func @_topk_body(%arg0: i32, %arg1: i32, %arg2: memref<16x1204224xf32, #tpu.memory_space<hbm>>, %arg3: memref<16x3136xf32, #tpu.memory_space<hbm>>, %arg4: memref<43008xf32, #tpu.memory_space<vmem>>, %arg5: memref<43008xf32, #tpu.memory_space<vmem>>, %arg6: memref<1568xf32, #tpu.memory_space<vmem>>, %arg7: memref<!tpu.dma_semaphore, #tpu.memory_space<semaphore_mem>>) attributes {dimension_semantics = [#tpu.dimension_semantics<core_parallel>, #tpu.dimension_semantics<subcore_parallel>], iteration_bounds = array<i64: 2, 16>, scalar_prefetch = 0 : i64, scratch_operands = 4 : i64, tpu.core_type = #tpu.core_type<sc_vector_subcore>, window_params = [{transform_indices = #map}, {transform_indices = #map}]} {
    %mul3A = arith.constant 1568 : i32
    %mul3A_0 = arith.muli %arg0, %mul3A : i32
    %iota3A = tpu.iota {dimensions = array<i32: 0>} : vector<16xi32>
    %eq3A = arith.constant 15 : i32
    %eq3A_1 = vector.broadcast %eq3A : i32 to vector<16xi32>
    %eq3A_2 = arith.cmpi eq, %iota3A, %eq3A_1 : vector<16xi32>
    %add3A = arith.constant 0 : i32
    %add3A_3 = arith.addi %mul3A_0, %add3A : i32
    %mul3A_4 = arith.constant 384 : i32
    %mul3A_5 = arith.muli %add3A_3, %mul3A_4 : i32
    %dma_start3A = tpu.memref_slice %arg2[%arg1, %mul3A_5] : memref<16x1204224xf32, #tpu.memory_space<hbm>> -> memref<1x43008xf32, #tpu.memory_space<hbm>>
    %dma_start3A_6 = tpu.memref_squeeze %dma_start3A : memref<1x43008xf32, #tpu.memory_space<hbm>> -> memref<43008xf32, #tpu.memory_space<hbm>>
    %dma_start3A_7 = tpu.memref_slice %arg2[%arg1, %mul3A_5] : memref<16x1204224xf32, #tpu.memory_space<hbm>> -> memref<1x43008xf32, #tpu.memory_space<hbm>>
    %dma_start3A_8 = tpu.memref_squeeze %dma_start3A_7 : memref<1x43008xf32, #tpu.memory_space<hbm>> -> memref<43008xf32, #tpu.memory_space<hbm>>
    tpu.enqueue_dma source(%dma_start3A_8 : memref<43008xf32, #tpu.memory_space<hbm>>) target(%arg4 : memref<43008xf32, #tpu.memory_space<vmem>>) target_semaphore(%arg7 : memref<!tpu.dma_semaphore, #tpu.memory_space<semaphore_mem>>)
    %scan3A = arith.constant 0 : i32
    %scan3A_9 = arith.constant 0 : i32
    %scan3A_10 = arith.constant 7 : i32
    %scan3A_11 = arith.addi %scan3A_9, %scan3A_10 : i32
    %scan3A_12 = arith.constant 1 : i32
    %scan3A_13 = scf.for %scan3A_15 = %scan3A_9 to %scan3A_11 step %scan3A_12 iter_args(%scan3A_16 = %scan3A) -> (i32)  : i32 {
      %mul3A_17 = arith.constant 2 : i32
      %mul3A_18 = arith.muli %scan3A_15, %mul3A_17 : i32
      %add3A_19 = arith.constant 0 : i32
      %add3A_20 = arith.addi %mul3A_18, %add3A_19 : i32
      %mul3A_21 = arith.constant 384 : i32
      %mul3A_22 = arith.muli %mul3A_0, %mul3A_21 : i32
      %dma_wait3A = tpu.memref_slice %arg2[%arg1, %mul3A_22] : memref<16x1204224xf32, #tpu.memory_space<hbm>> -> memref<1x43008xf32, #tpu.memory_space<hbm>>
      %dma_wait3A_23 = tpu.memref_squeeze %dma_wait3A : memref<1x43008xf32, #tpu.memory_space<hbm>> -> memref<43008xf32, #tpu.memory_space<hbm>>
      %dma_wait3A_24 = tpu.memref_slice %arg2[%arg1, %mul3A_22] : memref<16x1204224xf32, #tpu.memory_space<hbm>> -> memref<1x43008xf32, #tpu.memory_space<hbm>>
      %dma_wait3A_25 = tpu.memref_squeeze %dma_wait3A_24 : memref<1x43008xf32, #tpu.memory_space<hbm>> -> memref<43008xf32, #tpu.memory_space<hbm>>
      tpu.wait_dma2 semaphore(%arg7 : memref<!tpu.dma_semaphore, #tpu.memory_space<semaphore_mem>>) src(%dma_wait3A_25 : memref<43008xf32, #tpu.memory_space<hbm>>) dst(%arg4 : memref<43008xf32, #tpu.memory_space<vmem>>)
      %add3A_26 = arith.constant 1 : i32
      %add3A_27 = arith.addi %add3A_20, %add3A_26 : i32
      %lt3A = arith.constant 14 : i32
      %lt3A_28 = arith.cmpi slt, %add3A_27, %lt3A : i32
      %convert_element_type3A = arith.extui %lt3A_28 : i1 to i32
      %cond3A = arith.constant 0 : i32
      %cond3A_29 = arith.cmpi ne, %convert_element_type3A, %cond3A : i32
      scf.if %cond3A_29 {
        %mul3A_53 = arith.constant 112 : i32
        %mul3A_54 = arith.muli %add3A_27, %mul3A_53 : i32
        %add3A_55 = arith.addi %mul3A_0, %mul3A_54 : i32
        %mul3A_56 = arith.constant 384 : i32
        %mul3A_57 = arith.muli %add3A_55, %mul3A_56 : i32
        %dma_start3A_58 = tpu.memref_slice %arg2[%arg1, %mul3A_57] : memref<16x1204224xf32, #tpu.memory_space<hbm>> -> memref<1x43008xf32, #tpu.memory_space<hbm>>
        %dma_start3A_59 = tpu.memref_squeeze %dma_start3A_58 : memref<1x43008xf32, #tpu.memory_space<hbm>> -> memref<43008xf32, #tpu.memory_space<hbm>>
        %dma_start3A_60 = tpu.memref_slice %arg2[%arg1, %mul3A_57] : memref<16x1204224xf32, #tpu.memory_space<hbm>> -> memref<1x43008xf32, #tpu.memory_space<hbm>>
        %dma_start3A_61 = tpu.memref_squeeze %dma_start3A_60 : memref<1x43008xf32, #tpu.memory_space<hbm>> -> memref<43008xf32, #tpu.memory_space<hbm>>
        tpu.enqueue_dma source(%dma_start3A_61 : memref<43008xf32, #tpu.memory_space<hbm>>) target(%arg5 : memref<43008xf32, #tpu.memory_space<vmem>>) target_semaphore(%arg7 : memref<!tpu.dma_semaphore, #tpu.memory_space<semaphore_mem>>)
      } else {
      }
      %parallel_loop3A = arith.constant 0 : i32
      %parallel_loop3A_30 = arith.constant 112 : i32
      %parallel_loop3A_31 = arith.constant 1 : i32
      scf.for %parallel_loop3A_53 = %parallel_loop3A to %parallel_loop3A_30 step %parallel_loop3A_31  : i32 {
        %parallel_loop3A_54 = arith.constant 384 : i32
        %parallel_loop3A_55 = arith.muli %parallel_loop3A_53, %parallel_loop3A_54 : i32
        %parallel_loop3A_56 = arith.constant 0 : i32
        %parallel_loop3A_57 = arith.addi %parallel_loop3A_55, %parallel_loop3A_56 : i32
        %parallel_loop3A_58 = arith.index_cast %parallel_loop3A_57 : i32 to index
        %parallel_loop3A_59 = tpu.vector_load %arg4[%parallel_loop3A_58] {strides = array<i32>} : memref<43008xf32, #tpu.memory_space<vmem>>, vector<16xf32>,
        %parallel_loop3A_60 = arith.constant dense<true> : vector<16xi1>
        %parallel_loop3A_61, %parallel_loop3A_62, %parallel_loop3A_63 = tpu.sort %parallel_loop3A_59, %parallel_loop3A_59 masked %parallel_loop3A_60 {descending = true} : (vector<16xf32>, vector<16xf32>, vector<16xi1>) -> (vector<16xi1>, vector<16xf32>, vector<16xf32>)
        %parallel_loop3A_64 = arith.constant 16 : i32
        %parallel_loop3A_65 = arith.addi %parallel_loop3A_55, %parallel_loop3A_64 : i32
        %parallel_loop3A_66 = arith.index_cast %parallel_loop3A_65 : i32 to index
        %parallel_loop3A_67 = tpu.vector_load %arg4[%parallel_loop3A_66] {strides = array<i32>} : memref<43008xf32, #tpu.memory_space<vmem>>, vector<16xf32>,
        %parallel_loop3A_68 = arith.constant dense<true> : vector<16xi1>
        %parallel_loop3A_69, %parallel_loop3A_70, %parallel_loop3A_71 = tpu.sort %parallel_loop3A_67, %parallel_loop3A_67 masked %parallel_loop3A_68 : (vector<16xf32>, vector<16xf32>, vector<16xi1>) -> (vector<16xi1>, vector<16xf32>, vector<16xf32>)
        %parallel_loop3A_72 = arith.maximumf %parallel_loop3A_62, %parallel_loop3A_70 : vector<16xf32>
        %parallel_loop3A_73 = arith.minimumf %parallel_loop3A_62, %parallel_loop3A_70 : vector<16xf32>
        %parallel_loop3A_74 = arith.constant dense<true> : vector<16xi1>
        %parallel_loop3A_75, %parallel_loop3A_76, %parallel_loop3A_77 = tpu.sort %parallel_loop3A_72, %parallel_loop3A_72 masked %parallel_loop3A_74 {descending = true} : (vector<16xf32>, vector<16xf32>, vector<16xi1>) -> (vector<16xi1>, vector<16xf32>, vector<16xf32>)
        %parallel_loop3A_78 = arith.constant dense<true> : vector<16xi1>
        %parallel_loop3A_79, %parallel_loop3A_80, %parallel_loop3A_81 = tpu.sort %parallel_loop3A_73, %parallel_loop3A_73 masked %parallel_loop3A_78 {descending = true} : (vector<16xf32>, vector<16xf32>, vector<16xi1>) -> (vector<16xi1>, vector<16xf32>, vector<16xf32>)
        %parallel_loop3A_82 = arith.constant 32 : i32
        %parallel_loop3A_83 = arith.addi %parallel_loop3A_55, %parallel_loop3A_82 : i32
        %parallel_loop3A_84 = arith.index_cast %parallel_loop3A_83 : i32 to index
        %parallel_loop3A_85 = tpu.vector_load %arg4[%parallel_loop3A_84] {strides = array<i32>} : memref<43008xf32, #tpu.memory_space<vmem>>, vector<16xf32>,
        %parallel_loop3A_86 = arith.constant dense<true> : vector<16xi1>
        %parallel_loop3A_87, %parallel_loop3A_88, %parallel_loop3A_89 = tpu.sort %parallel_loop3A_85, %parallel_loop3A_85 masked %parallel_loop3A_86 {descending = true} : (vector<16xf32>, vector<16xf32>, vector<16xi1>) -> (vector<16xi1>, vector<16xf32>, vector<16xf32>)
        %parallel_loop3A_90 = arith.constant 48 : i32
        %parallel_loop3A_91 = arith.addi %parallel_loop3A_55, %parallel_loop3A_90 : i32
        %parallel_loop3A_92 = arith.index_cast %parallel_loop3A_91 : i32 to index
        %parallel_loop3A_93 = tpu.vector_load %arg4[%parallel_loop3A_92] {strides = array<i32>} : memref<43008xf32, #tpu.memory_space<vmem>>, vector<16xf32>,
        %parallel_loop3A_94 = arith.constant dense<true> : vector<16xi1>
        %parallel_loop3A_95, %parallel_loop3A_96, %parallel_loop3A_97 = tpu.sort %parallel_loop3A_93, %parallel_loop3A_93 masked %parallel_loop3A_94 : (vector<16xf32>, vector<16xf32>, vector<16xi1>) -> (vector<16xi1>, vector<16xf32>, vector<16xf32>)
        %parallel_loop3A_98 = arith.maximumf %parallel_loop3A_88, %parallel_loop3A_96 : vector<16xf32>
        %parallel_loop3A_99 = arith.minimumf %parallel_loop3A_88, %parallel_loop3A_96 : vector<16xf32>
        %parallel_loop3A_100 = arith.constant dense<true> : vector<16xi1>
        %parallel_loop3A_101, %parallel_loop3A_102, %parallel_loop3A_103 = tpu.sort %parallel_loop3A_98, %parallel_loop3A_98 masked %parallel_loop3A_100 : (vector<16xf32>, vector<16xf32>, vector<16xi1>) -> (vector<16xi1>, vector<16xf32>, vector<16xf32>)
        %parallel_loop3A_104 = arith.constant dense<true> : vector<16xi1>
        %parallel_loop3A_105, %parallel_loop3A_106, %parallel_loop3A_107 = tpu.sort %parallel_loop3A_99, %parallel_loop3A_99 masked %parallel_loop3A_104 : (vector<16xf32>, vector<16xf32>, vector<16xi1>) -> (vector<16xi1>, vector<16xf32>, vector<16xf32>)
        %parallel_loop3A_108 = arith.maximumf %parallel_loop3A_76, %parallel_loop3A_106 : vector<16xf32>
        %parallel_loop3A_109 = arith.maximumf %parallel_loop3A_80, %parallel_loop3A_102 : vector<16xf32>
        %parallel_loop3A_110 = arith.maximumf %parallel_loop3A_108, %parallel_loop3A_109 : vector<16xf32>
        %parallel_loop3A_111 = arith.minimumf %parallel_loop3A_108, %parallel_loop3A_109 : vector<16xf32>
        %parallel_loop3A_112 = arith.constant dense<true> : vector<16xi1>
        %parallel_loop3A_113, %parallel_loop3A_114, %parallel_loop3A_115 = tpu.sort %parallel_loop3A_110, %parallel_loop3A_110 masked %parallel_loop3A_112 {descending = true} : (vector<16xf32>, vector<16xf32>, vector<16xi1>) -> (vector<16xi1>, vector<16xf32>, vector<16xf32>)
        %parallel_loop3A_116 = arith.constant dense<true> : vector<16xi1>
        %parallel_loop3A_117, %parallel_loop3A_118, %parallel_loop3A_119 = tpu.sort %parallel_loop3A_111, %parallel_loop3A_111 masked %parallel_loop3A_116 {descending = true} : (vector<16xf32>, vector<16xf32>, vector<16xi1>) -> (vector<16xi1>, vector<16xf32>, vector<16xf32>)
        %parallel_loop3A_120 = arith.constant 64 : i32
        %parallel_loop3A_121 = arith.addi %parallel_loop3A_55, %parallel_loop3A_120 : i32
        %parallel_loop3A_122 = arith.index_cast %parallel_loop3A_121 : i32 to index
        %parallel_loop3A_123 = tpu.vector_load %arg4[%parallel_loop3A_122] {strides = array<i32>} : memref<43008xf32, #tpu.memory_space<vmem>>, vector<16xf32>,
        %parallel_loop3A_124 = arith.constant dense<true> : vector<16xi1>
        %parallel_loop3A_125, %parallel_loop3A_126, %parallel_loop3A_127 = tpu.sort %parallel_loop3A_123, %parallel_loop3A_123 masked %parallel_loop3A_124 {descending = true} : (vector<16xf32>, vector<16xf32>, vector<16xi1>) -> (vector<16xi1>, vector<16xf32>, vector<16xf32>)
        %parallel_loop3A_128 = arith.constant 80 : i32
        %parallel_loop3A_129 = arith.addi %parallel_loop3A_55, %parallel_loop3A_128 : i32
        %parallel_loop3A_130 = arith.index_cast %parallel_loop3A_129 : i32 to index
        %parallel_loop3A_131 = tpu.vector_load %arg4[%parallel_loop3A_130] {strides = array<i32>} : memref<43008xf32, #tpu.memory_space<vmem>>, vector<16xf32>,
        %parallel_loop3A_132 = arith.constant dense<true> : vector<16xi1>
        %parallel_loop3A_133, %parallel_loop3A_134, %parallel_loop3A_135 = tpu.sort %parallel_loop3A_131, %parallel_loop3A_131 masked %parallel_loop3A_132 : (vector<16xf32>, vector<16xf32>, vector<16xi1>) -> (vector<16xi1>, vector<16xf32>, vector<16xf32>)
        %parallel_loop3A_136 = arith.maximumf %parallel_loop3A_126, %parallel_loop3A_134 : vector<16xf32>
        %parallel_loop3A_137 = arith.minimumf %parallel_loop3A_126, %parallel_loop3A_134 : vector<16xf32>
        %parallel_loop3A_138 = arith.constant dense<true> : vector<16xi1>
        %parallel_loop3A_139, %parallel_loop3A_140, %parallel_loop3A_141 = tpu.sort %parallel_loop3A_136, %parallel_loop3A_136 masked %parallel_loop3A_138 : (vector<16xf32>, vector<16xf32>, vector<16xi1>) -> (vector<16xi1>, vector<16xf32>, vector<16xf32>)
        %parallel_loop3A_142 = arith.constant dense<true> : vector<16xi1>
        %parallel_loop3A_143, %parallel_loop3A_144, %parallel_loop3A_145 = tpu.sort %parallel_loop3A_137, %parallel_loop3A_137 masked %parallel_loop3A_142 : (vector<16xf32>, vector<16xf32>, vector<16xi1>) -> (vector<16xi1>, vector<16xf32>, vector<16xf32>)
        %parallel_loop3A_146 = arith.maximumf %parallel_loop3A_114, %parallel_loop3A_144 : vector<16xf32>
        %parallel_loop3A_147 = arith.maximumf %parallel_loop3A_118, %parallel_loop3A_140 : vector<16xf32>
        %parallel_loop3A_148 = arith.maximumf %parallel_loop3A_146, %parallel_loop3A_147 : vector<16xf32>
        %parallel_loop3A_149 = arith.minimumf %parallel_loop3A_146, %parallel_loop3A_147 : vector<16xf32>
        %parallel_loop3A_150 = arith.constant dense<true> : vector<16xi1>
        %parallel_loop3A_151, %parallel_loop3A_152, %parallel_loop3A_153 = tpu.sort %parallel_loop3A_148, %parallel_loop3A_148 masked %parallel_loop3A_150 {descending = true} : (vector<16xf32>, vector<16xf32>, vector<16xi1>) -> (vector<16xi1>, vector<16xf32>, vector<16xf32>)
        %parallel_loop3A_154 = arith.constant dense<true> : vector<16xi1>
        %parallel_loop3A_155, %parallel_loop3A_156, %parallel_loop3A_157 = tpu.sort %parallel_loop3A_149, %parallel_loop3A_149 masked %parallel_loop3A_154 {descending = true} : (vector<16xf32>, vector<16xf32>, vector<16xi1>) -> (vector<16xi1>, vector<16xf32>, vector<16xf32>)
        %parallel_loop3A_158 = arith.constant 96 : i32
        %parallel_loop3A_159 = arith.addi %parallel_loop3A_55, %parallel_loop3A_158 : i32
        %parallel_loop3A_160 = arith.index_cast %parallel_loop3A_159 : i32 to index
        %parallel_loop3A_161 = tpu.vector_load %arg4[%parallel_loop3A_160] {strides = array<i32>} : memref<43008xf32, #tpu.memory_space<vmem>>, vector<16xf32>,
        %parallel_loop3A_162 = arith.constant dense<true> : vector<16xi1>
        %parallel_loop3A_163, %parallel_loop3A_164, %parallel_loop3A_165 = tpu.sort %parallel_loop3A_161, %parallel_loop3A_161 masked %parallel_loop3A_162 {descending = true} : (vector<16xf32>, vector<16xf32>, vector<16xi1>) -> (vector<16xi1>, vector<16xf32>, vector<16xf32>)
        %parallel_loop3A_166 = arith.constant 112 : i32
        %parallel_loop3A_167 = arith.addi %parallel_loop3A_55, %parallel_loop3A_166 : i32
        %parallel_loop3A_168 = arith.index_cast %parallel_loop3A_167 : i32 to index
        %parallel_loop3A_169 = tpu.vector_load %arg4[%parallel_loop3A_168] {strides = array<i32>} : memref<43008xf32, #tpu.memory_space<vmem>>, vector<16xf32>,
        %parallel_loop3A_170 = arith.constant dense<true> : vector<16xi1>
        %parallel_loop3A_171, %parallel_loop3A_172, %parallel_loop3A_173 = tpu.sort %parallel_loop3A_169, %parallel_loop3A_169 masked %parallel_loop3A_170 : (vector<16xf32>, vector<16xf32>, vector<16xi1>) -> (vector<16xi1>, vector<16xf32>, vector<16xf32>)
        %parallel_loop3A_174 = arith.maximumf %parallel_loop3A_164, %parallel_loop3A_172 : vector<16xf32>
        %parallel_loop3A_175 = arith.minimumf %parallel_loop3A_164, %parallel_loop3A_172 : vector<16xf32>
        %parallel_loop3A_176 = arith.constant dense<true> : vector<16xi1>
        %parallel_loop3A_177, %parallel_loop3A_178, %parallel_loop3A_179 = tpu.sort %parallel_loop3A_174, %parallel_loop3A_174 masked %parallel_loop3A_176 : (vector<16xf32>, vector<16xf32>, vector<16xi1>) -> (vector<16xi1>, vector<16xf32>, vector<16xf32>)
        %parallel_loop3A_180 = arith.constant dense<true> : vector<16xi1>
        %parallel_loop3A_181, %parallel_loop3A_182, %parallel_loop3A_183 = tpu.sort %parallel_loop3A_175, %parallel_loop3A_175 masked %parallel_loop3A_180 : (vector<16xf32>, vector<16xf32>, vector<16xi1>) -> (vector<16xi1>, vector<16xf32>, vector<16xf32>)
        %parallel_loop3A_184 = arith.maximumf %parallel_loop3A_152, %parallel_loop3A_182 : vector<16xf32>
        %parallel_loop3A_185 = arith.maximumf %parallel_loop3A_156, %parallel_loop3A_178 : vector<16xf32>
        %parallel_loop3A_186 = arith.maximumf %parallel_loop3A_184, %parallel_loop3A_185 : vector<16xf32>
        %parallel_loop3A_187 = arith.minimumf %parallel_loop3A_184, %parallel_loop3A_185 : vector<16xf32>
        %parallel_loop3A_188 = arith.constant dense<true> : vector<16xi1>
        %parallel_loop3A_189, %parallel_loop3A_190, %parallel_loop3A_191 = tpu.sort %parallel_loop3A_186, %parallel_loop3A_186 masked %parallel_loop3A_188 {descending = true} : (vector<16xf32>, vector<16xf32>, vector<16xi1>) -> (vector<16xi1>, vector<16xf32>, vector<16xf32>)
        %parallel_loop3A_192 = arith.constant dense<true> : vector<16xi1>
        %parallel_loop3A_193, %parallel_loop3A_194, %parallel_loop3A_195 = tpu.sort %parallel_loop3A_187, %parallel_loop3A_187 masked %parallel_loop3A_192 {descending = true} : (vector<16xf32>, vector<16xf32>, vector<16xi1>) -> (vector<16xi1>, vector<16xf32>, vector<16xf32>)
        %parallel_loop3A_196 = arith.constant 128 : i32
        %parallel_loop3A_197 = arith.addi %parallel_loop3A_55, %parallel_loop3A_196 : i32
        %parallel_loop3A_198 = arith.index_cast %parallel_loop3A_197 : i32 to index
        %parallel_loop3A_199 = tpu.vector_load %arg4[%parallel_loop3A_198] {strides = array<i32>} : memref<43008xf32, #tpu.memory_space<vmem>>, vector<16xf32>,
        %parallel_loop3A_200 = arith.constant dense<true> : vector<16xi1>
        %parallel_loop3A_201, %parallel_loop3A_202, %parallel_loop3A_203 = tpu.sort %parallel_loop3A_199, %parallel_loop3A_199 masked %parallel_loop3A_200 {descending = true} : (vector<16xf32>, vector<16xf32>, vector<16xi1>) -> (vector<16xi1>, vector<16xf32>, vector<16xf32>)
        %parallel_loop3A_204 = arith.constant 144 : i32
        %parallel_loop3A_205 = arith.addi %parallel_loop3A_55, %parallel_loop3A_204 : i32
        %parallel_loop3A_206 = arith.index_cast %parallel_loop3A_205 : i32 to index
        %parallel_loop3A_207 = tpu.vector_load %arg4[%parallel_loop3A_206] {strides = array<i32>} : memref<43008xf32, #tpu.memory_space<vmem>>, vector<16xf32>,
        %parallel_loop3A_208 = arith.constant dense<true> : vector<16xi1>
        %parallel_loop3A_209, %parallel_loop3A_210, %parallel_loop3A_211 = tpu.sort %parallel_loop3A_207, %parallel_loop3A_207 masked %parallel_loop3A_208 : (vector<16xf32>, vector<16xf32>, vector<16xi1>) -> (vector<16xi1>, vector<16xf32>, vector<16xf32>)
        %parallel_loop3A_212 = arith.maximumf %parallel_loop3A_202, %parallel_loop3A_210 : vector<16xf32>
        %parallel_loop3A_213 = arith.minimumf %parallel_loop3A_202, %parallel_loop3A_210 : vector<16xf32>
        %parallel_loop3A_214 = arith.constant dense<true> : vector<16xi1>
        %parallel_loop3A_215, %parallel_loop3A_216, %parallel_loop3A_217 = tpu.sort %parallel_loop3A_212, %parallel_loop3A_212 masked %parallel_loop3A_214 : (vector<16xf32>, vector<16xf32>, vector<16xi1>) -> (vector<16xi1>, vector<16xf32>, vector<16xf32>)
        %parallel_loop3A_218 = arith.constant dense<true> : vector<16xi1>
        %parallel_loop3A_219, %parallel_loop3A_220, %parallel_loop3A_221 = tpu.sort %parallel_loop3A_213, %parallel_loop3A_213 masked %parallel_loop3A_218 : (vector<16xf32>, vector<16xf32>, vector<16xi1>) -> (vector<16xi1>, vector<16xf32>, vector<16xf32>)
        %parallel_loop3A_222 = arith.maximumf %parallel_loop3A_190, %parallel_loop3A_220 : vector<16xf32>
        %parallel_loop3A_223 = arith.maximumf %parallel_loop3A_194, %parallel_loop3A_216 : vector<16xf32>
        %parallel_loop3A_224 = arith.maximumf %parallel_loop3A_222, %parallel_loop3A_223 : vector<16xf32>
        %parallel_loop3A_225 = arith.minimumf %parallel_loop3A_222, %parallel_loop3A_223 : vector<16xf32>
        %parallel_loop3A_226 = arith.constant dense<true> : vector<16xi1>
        %parallel_loop3A_227, %parallel_loop3A_228, %parallel_loop3A_229 = tpu.sort %parallel_loop3A_224, %parallel_loop3A_224 masked %parallel_loop3A_226 {descending = true} : (vector<16xf32>, vector<16xf32>, vector<16xi1>) -> (vector<16xi1>, vector<16xf32>, vector<16xf32>)
        %parallel_loop3A_230 = arith.constant dense<true> : vector<16xi1>
        %parallel_loop3A_231, %parallel_loop3A_232, %parallel_loop3A_233 = tpu.sort %parallel_loop3A_225, %parallel_loop3A_225 masked %parallel_loop3A_230 {descending = true} : (vector<16xf32>, vector<16xf32>, vector<16xi1>) -> (vector<16xi1>, vector<16xf32>, vector<16xf32>)
        %parallel_loop3A_234 = arith.constant 160 : i32
        %parallel_loop3A_235 = arith.addi %parallel_loop3A_55, %parallel_loop3A_234 : i32
        %parallel_loop3A_236 = arith.index_cast %parallel_loop3A_235 : i32 to index
        %parallel_loop3A_237 = tpu.vector_load %arg4[%parallel_loop3A_236] {strides = array<i32>} : memref<43008xf32, #tpu.memory_space<vmem>>, vector<16xf32>,
        %parallel_loop3A_238 = arith.constant dense<true> : vector<16xi1>
        %parallel_loop3A_239, %parallel_loop3A_240, %parallel_loop3A_241 = tpu.sort %parallel_loop3A_237, %parallel_loop3A_237 masked %parallel_loop3A_238 {descending = true} : (vector<16xf32>, vector<16xf32>, vector<16xi1>) -> (vector<16xi1>, vector<16xf32>, vector<16xf32>)
        %parallel_loop3A_242 = arith.constant 176 : i32
        %parallel_loop3A_243 = arith.addi %parallel_loop3A_55, %parallel_loop3A_242 : i32
        %parallel_loop3A_244 = arith.index_cast %parallel_loop3A_243 : i32 to index
        %parallel_loop3A_245 = tpu.vector_load %arg4[%parallel_loop3A_244] {strides = array<i32>} : memref<43008xf32, #tpu.memory_space<vmem>>, vector<16xf32>,
        %parallel_loop3A_246 = arith.constant dense<true> : vector<16xi1>
        %parallel_loop3A_247, %parallel_loop3A_248, %parallel_loop3A_249 = tpu.sort %parallel_loop3A_245, %parallel_loop3A_245 masked %parallel_loop3A_246 : (vector<16xf32>, vector<16xf32>, vector<16xi1>) -> (vector<16xi1>, vector<16xf32>, vector<16xf32>)
        %parallel_loop3A_250 = arith.maximumf %parallel_loop3A_240, %parallel_loop3A_248 : vector<16xf32>
        %parallel_loop3A_251 = arith.minimumf %parallel_loop3A_240, %parallel_loop3A_248 : vector<16xf32>
        %parallel_loop3A_252 = arith.constant dense<true> : vector<16xi1>
        %parallel_loop3A_253, %parallel_loop3A_254, %parallel_loop3A_255 = tpu.sort %parallel_loop3A_250, %parallel_loop3A_250 masked %parallel_loop3A_252 : (vector<16xf32>, vector<16xf32>, vector<16xi1>) -> (vector<16xi1>, vector<16xf32>, vector<16xf32>)
        %parallel_loop3A_256 = arith.constant dense<true> : vector<16xi1>
        %parallel_loop3A_257, %parallel_loop3A_258, %parallel_loop3A_259 = tpu.sort %parallel_loop3A_251, %parallel_loop3A_251 masked %parallel_loop3A_256 : (vector<16xf32>, vector<16xf32>, vector<16xi1>) -> (vector<16xi1>, vector<16xf32>, vector<16xf32>)
        %parallel_loop3A_260 = arith.maximumf %parallel_loop3A_228, %parallel_loop3A_258 : vector<16xf32>
        %parallel_loop3A_261 = arith.maximumf %parallel_loop3A_232, %parallel_loop3A_254 : vector<16xf32>
        %parallel_loop3A_262 = arith.maximumf %parallel_loop3A_260, %parallel_loop3A_261 : vector<16xf32>
        %parallel_loop3A_263 = arith.minimumf %parallel_loop3A_260, %parallel_loop3A_261 : vector<16xf32>
        %parallel_loop3A_264 = arith.constant dense<true> : vector<16xi1>
        %parallel_loop3A_265, %parallel_loop3A_266, %parallel_loop3A_267 = tpu.sort %parallel_loop3A_262, %parallel_loop3A_262 masked %parallel_loop3A_264 {descending = true} : (vector<16xf32>, vector<16xf32>, vector<16xi1>) -> (vector<16xi1>, vector<16xf32>, vector<16xf32>)
        %parallel_loop3A_268 = arith.constant dense<true> : vector<16xi1>
        %parallel_loop3A_269, %parallel_loop3A_270, %parallel_loop3A_271 = tpu.sort %parallel_loop3A_263, %parallel_loop3A_263 masked %parallel_loop3A_268 {descending = true} : (vector<16xf32>, vector<16xf32>, vector<16xi1>) -> (vector<16xi1>, vector<16xf32>, vector<16xf32>)
        %parallel_loop3A_272 = arith.constant 192 : i32
        %parallel_loop3A_273 = arith.addi %parallel_loop3A_55, %parallel_loop3A_272 : i32
        %parallel_loop3A_274 = arith.index_cast %parallel_loop3A_273 : i32 to index
        %parallel_loop3A_275 = tpu.vector_load %arg4[%parallel_loop3A_274] {strides = array<i32>} : memref<43008xf32, #tpu.memory_space<vmem>>, vector<16xf32>,
        %parallel_loop3A_276 = arith.constant dense<true> : vector<16xi1>
        %parallel_loop3A_277, %parallel_loop3A_278, %parallel_loop3A_279 = tpu.sort %parallel_loop3A_275, %parallel_loop3A_275 masked %parallel_loop3A_276 {descending = true} : (vector<16xf32>, vector<16xf32>, vector<16xi1>) -> (vector<16xi1>, vector<16xf32>, vector<16xf32>)
        %parallel_loop3A_280 = arith.constant 208 : i32
        %parallel_loop3A_281 = arith.addi %parallel_loop3A_55, %parallel_loop3A_280 : i32
        %parallel_loop3A_282 = arith.index_cast %parallel_loop3A_281 : i32 to index
        %parallel_loop3A_283 = tpu.vector_load %arg4[%parallel_loop3A_282] {strides = array<i32>} : memref<43008xf32, #tpu.memory_space<vmem>>, vector<16xf32>,
        %parallel_loop3A_284 = arith.constant dense<true> : vector<16xi1>
        %parallel_loop3A_285, %parallel_loop3A_286, %parallel_loop3A_287 = tpu.sort %parallel_loop3A_283, %parallel_loop3A_283 masked %parallel_loop3A_284 : (vector<16xf32>, vector<16xf32>, vector<16xi1>) -> (vector<16xi1>, vector<16xf32>, vector<16xf32>)
        %parallel_loop3A_288 = arith.maximumf %parallel_loop3A_278, %parallel_loop3A_286 : vector<16xf32>
        %parallel_loop3A_289 = arith.minimumf %parallel_loop3A_278, %parallel_loop3A_286 : vector<16xf32>
        %parallel_loop3A_290 = arith.constant dense<true> : vector<16xi1>
        %parallel_loop3A_291, %parallel_loop3A_292, %parallel_loop3A_293 = tpu.sort %parallel_loop3A_288, %parallel_loop3A_288 masked %parallel_loop3A_290 : (vector<16xf32>, vector<16xf32>, vector<16xi1>) -> (vector<16xi1>, vector<16xf32>, vector<16xf32>)
        %parallel_loop3A_294 = arith.constant dense<true> : vector<16xi1>
        %parallel_loop3A_295, %parallel_loop3A_296, %parallel_loop3A_297 = tpu.sort %parallel_loop3A_289, %parallel_loop3A_289 masked %parallel_loop3A_294 : (vector<16xf32>, vector<16xf32>, vector<16xi1>) -> (vector<16xi1>, vector<16xf32>, vector<16xf32>)
        %parallel_loop3A_298 = arith.maximumf %parallel_loop3A_266, %parallel_loop3A_296 : vector<16xf32>
        %parallel_loop3A_299 = arith.maximumf %parallel_loop3A_270, %parallel_loop3A_292 : vector<16xf32>
        %parallel_loop3A_300 = arith.maximumf %parallel_loop3A_298, %parallel_loop3A_299 : vector<16xf32>
        %parallel_loop3A_301 = arith.minimumf %parallel_loop3A_298, %parallel_loop3A_299 : vector<16xf32>
        %parallel_loop3A_302 = arith.constant dense<true> : vector<16xi1>
        %parallel_loop3A_303, %parallel_loop3A_304, %parallel_loop3A_305 = tpu.sort %parallel_loop3A_300, %parallel_loop3A_300 masked %parallel_loop3A_302 {descending = true} : (vector<16xf32>, vector<16xf32>, vector<16xi1>) -> (vector<16xi1>, vector<16xf32>, vector<16xf32>)
        %parallel_loop3A_306 = arith.constant dense<true> : vector<16xi1>
        %parallel_loop3A_307, %parallel_loop3A_308, %parallel_loop3A_309 = tpu.sort %parallel_loop3A_301, %parallel_loop3A_301 masked %parallel_loop3A_306 {descending = true} : (vector<16xf32>, vector<16xf32>, vector<16xi1>) -> (vector<16xi1>, vector<16xf32>, vector<16xf32>)
        %parallel_loop3A_310 = arith.constant 224 : i32
        %parallel_loop3A_311 = arith.addi %parallel_loop3A_55, %parallel_loop3A_310 : i32
        %parallel_loop3A_312 = arith.index_cast %parallel_loop3A_311 : i32 to index
        %parallel_loop3A_313 = tpu.vector_load %arg4[%parallel_loop3A_312] {strides = array<i32>} : memref<43008xf32, #tpu.memory_space<vmem>>, vector<16xf32>,
        %parallel_loop3A_314 = arith.constant dense<true> : vector<16xi1>
        %parallel_loop3A_315, %parallel_loop3A_316, %parallel_loop3A_317 = tpu.sort %parallel_loop3A_313, %parallel_loop3A_313 masked %parallel_loop3A_314 {descending = true} : (vector<16xf32>, vector<16xf32>, vector<16xi1>) -> (vector<16xi1>, vector<16xf32>, vector<16xf32>)
        %parallel_loop3A_318 = arith.constant 240 : i32
        %parallel_loop3A_319 = arith.addi %parallel_loop3A_55, %parallel_loop3A_318 : i32
        %parallel_loop3A_320 = arith.index_cast %parallel_loop3A_319 : i32 to index
        %parallel_loop3A_321 = tpu.vector_load %arg4[%parallel_loop3A_320] {strides = array<i32>} : memref<43008xf32, #tpu.memory_space<vmem>>, vector<16xf32>,
        %parallel_loop3A_322 = arith.constant dense<true> : vector<16xi1>
        %parallel_loop3A_323, %parallel_loop3A_324, %parallel_loop3A_325 = tpu.sort %parallel_loop3A_321, %parallel_loop3A_321 masked %parallel_loop3A_322 : (vector<16xf32>, vector<16xf32>, vector<16xi1>) -> (vector<16xi1>, vector<16xf32>, vector<16xf32>)
        %parallel_loop3A_326 = arith.maximumf %parallel_loop3A_316, %parallel_loop3A_324 : vector<16xf32>
        %parallel_loop3A_327 = arith.minimumf %parallel_loop3A_316, %parallel_loop3A_324 : vector<16xf32>
        %parallel_loop3A_328 = arith.constant dense<true> : vector<16xi1>
        %parallel_loop3A_329, %parallel_loop3A_330, %parallel_loop3A_331 = tpu.sort %parallel_loop3A_326, %parallel_loop3A_326 masked %parallel_loop3A_328 : (vector<16xf32>, vector<16xf32>, vector<16xi1>) -> (vector<16xi1>, vector<16xf32>, vector<16xf32>)
        %parallel_loop3A_332 = arith.constant dense<true> : vector<16xi1>
        %parallel_loop3A_333, %parallel_loop3A_334, %parallel_loop3A_335 = tpu.sort %parallel_loop3A_327, %parallel_loop3A_327 masked %parallel_loop3A_332 : (vector<16xf32>, vector<16xf32>, vector<16xi1>) -> (vector<16xi1>, vector<16xf32>, vector<16xf32>)
        %parallel_loop3A_336 = arith.maximumf %parallel_loop3A_304, %parallel_loop3A_334 : vector<16xf32>
        %parallel_loop3A_337 = arith.maximumf %parallel_loop3A_308, %parallel_loop3A_330 : vector<16xf32>
        %parallel_loop3A_338 = arith.maximumf %parallel_loop3A_336, %parallel_loop3A_337 : vector<16xf32>
        %parallel_loop3A_339 = arith.minimumf %parallel_loop3A_336, %parallel_loop3A_337 : vector<16xf32>
        %parallel_loop3A_340 = arith.constant dense<true> : vector<16xi1>
        %parallel_loop3A_341, %parallel_loop3A_342, %parallel_loop3A_343 = tpu.sort %parallel_loop3A_338, %parallel_loop3A_338 masked %parallel_loop3A_340 {descending = true} : (vector<16xf32>, vector<16xf32>, vector<16xi1>) -> (vector<16xi1>, vector<16xf32>, vector<16xf32>)
        %parallel_loop3A_344 = arith.constant dense<true> : vector<16xi1>
        %parallel_loop3A_345, %parallel_loop3A_346, %parallel_loop3A_347 = tpu.sort %parallel_loop3A_339, %parallel_loop3A_339 masked %parallel_loop3A_344 {descending = true} : (vector<16xf32>, vector<16xf32>, vector<16xi1>) -> (vector<16xi1>, vector<16xf32>, vector<16xf32>)
        %parallel_loop3A_348 = arith.constant 256 : i32
        %parallel_loop3A_349 = arith.addi %parallel_loop3A_55, %parallel_loop3A_348 : i32
        %parallel_loop3A_350 = arith.index_cast %parallel_loop3A_349 : i32 to index
        %parallel_loop3A_351 = tpu.vector_load %arg4[%parallel_loop3A_350] {strides = array<i32>} : memref<43008xf32, #tpu.memory_space<vmem>>, vector<16xf32>,
        %parallel_loop3A_352 = arith.constant dense<true> : vector<16xi1>
        %parallel_loop3A_353, %parallel_loop3A_354, %parallel_loop3A_355 = tpu.sort %parallel_loop3A_351, %parallel_loop3A_351 masked %parallel_loop3A_352 {descending = true} : (vector<16xf32>, vector<16xf32>, vector<16xi1>) -> (vector<16xi1>, vector<16xf32>, vector<16xf32>)
        %parallel_loop3A_356 = arith.constant 272 : i32
        %parallel_loop3A_357 = arith.addi %parallel_loop3A_55, %parallel_loop3A_356 : i32
        %parallel_loop3A_358 = arith.index_cast %parallel_loop3A_357 : i32 to index
        %parallel_loop3A_359 = tpu.vector_load %arg4[%parallel_loop3A_358] {strides = array<i32>} : memref<43008xf32, #tpu.memory_space<vmem>>, vector<16xf32>,
        %parallel_loop3A_360 = arith.constant dense<true> : vector<16xi1>
        %parallel_loop3A_361, %parallel_loop3A_362, %parallel_loop3A_363 = tpu.sort %parallel_loop3A_359, %parallel_loop3A_359 masked %parallel_loop3A_360 : (vector<16xf32>, vector<16xf32>, vector<16xi1>) -> (vector<16xi1>, vector<16xf32>, vector<16xf32>)
        %parallel_loop3A_364 = arith.maximumf %parallel_loop3A_354, %parallel_loop3A_362 : vector<16xf32>
        %parallel_loop3A_365 = arith.minimumf %parallel_loop3A_354, %parallel_loop3A_362 : vector<16xf32>
        %parallel_loop3A_366 = arith.constant dense<true> : vector<16xi1>
        %parallel_loop3A_367, %parallel_loop3A_368, %parallel_loop3A_369 = tpu.sort %parallel_loop3A_364, %parallel_loop3A_364 masked %parallel_loop3A_366 : (vector<16xf32>, vector<16xf32>, vector<16xi1>) -> (vector<16xi1>, vector<16xf32>, vector<16xf32>)
        %parallel_loop3A_370 = arith.constant dense<true> : vector<16xi1>
        %parallel_loop3A_371, %parallel_loop3A_372, %parallel_loop3A_373 = tpu.sort %parallel_loop3A_365, %parallel_loop3A_365 masked %parallel_loop3A_370 : (vector<16xf32>, vector<16xf32>, vector<16xi1>) -> (vector<16xi1>, vector<16xf32>, vector<16xf32>)
        %parallel_loop3A_374 = arith.maximumf %parallel_loop3A_342, %parallel_loop3A_372 : vector<16xf32>
        %parallel_loop3A_375 = arith.maximumf %parallel_loop3A_346, %parallel_loop3A_368 : vector<16xf32>
        %parallel_loop3A_376 = arith.maximumf %parallel_loop3A_374, %parallel_loop3A_375 : vector<16xf32>
        %parallel_loop3A_377 = arith.minimumf %parallel_loop3A_374, %parallel_loop3A_375 : vector<16xf32>
        %parallel_loop3A_378 = arith.constant dense<true> : vector<16xi1>
        %parallel_loop3A_379, %parallel_loop3A_380, %parallel_loop3A_381 = tpu.sort %parallel_loop3A_376, %parallel_loop3A_376 masked %parallel_loop3A_378 {descending = true} : (vector<16xf32>, vector<16xf32>, vector<16xi1>) -> (vector<16xi1>, vector<16xf32>, vector<16xf32>)
        %parallel_loop3A_382 = arith.constant dense<true> : vector<16xi1>
        %parallel_loop3A_383, %parallel_loop3A_384, %parallel_loop3A_385 = tpu.sort %parallel_loop3A_377, %parallel_loop3A_377 masked %parallel_loop3A_382 {descending = true} : (vector<16xf32>, vector<16xf32>, vector<16xi1>) -> (vector<16xi1>, vector<16xf32>, vector<16xf32>)
        %parallel_loop3A_386 = arith.constant 288 : i32
        %parallel_loop3A_387 = arith.addi %parallel_loop3A_55, %parallel_loop3A_386 : i32
        %parallel_loop3A_388 = arith.index_cast %parallel_loop3A_387 : i32 to index
        %parallel_loop3A_389 = tpu.vector_load %arg4[%parallel_loop3A_388] {strides = array<i32>} : memref<43008xf32, #tpu.memory_space<vmem>>, vector<16xf32>,
        %parallel_loop3A_390 = arith.constant dense<true> : vector<16xi1>
        %parallel_loop3A_391, %parallel_loop3A_392, %parallel_loop3A_393 = tpu.sort %parallel_loop3A_389, %parallel_loop3A_389 masked %parallel_loop3A_390 {descending = true} : (vector<16xf32>, vector<16xf32>, vector<16xi1>) -> (vector<16xi1>, vector<16xf32>, vector<16xf32>)
        %parallel_loop3A_394 = arith.constant 304 : i32
        %parallel_loop3A_395 = arith.addi %parallel_loop3A_55, %parallel_loop3A_394 : i32
        %parallel_loop3A_396 = arith.index_cast %parallel_loop3A_395 : i32 to index
        %parallel_loop3A_397 = tpu.vector_load %arg4[%parallel_loop3A_396] {strides = array<i32>} : memref<43008xf32, #tpu.memory_space<vmem>>, vector<16xf32>,
        %parallel_loop3A_398 = arith.constant dense<true> : vector<16xi1>
        %parallel_loop3A_399, %parallel_loop3A_400, %parallel_loop3A_401 = tpu.sort %parallel_loop3A_397, %parallel_loop3A_397 masked %parallel_loop3A_398 : (vector<16xf32>, vector<16xf32>, vector<16xi1>) -> (vector<16xi1>, vector<16xf32>, vector<16xf32>)
        %parallel_loop3A_402 = arith.maximumf %parallel_loop3A_392, %parallel_loop3A_400 : vector<16xf32>
        %parallel_loop3A_403 = arith.minimumf %parallel_loop3A_392, %parallel_loop3A_400 : vector<16xf32>
        %parallel_loop3A_404 = arith.constant dense<true> : vector<16xi1>
        %parallel_loop3A_405, %parallel_loop3A_406, %parallel_loop3A_407 = tpu.sort %parallel_loop3A_402, %parallel_loop3A_402 masked %parallel_loop3A_404 : (vector<16xf32>, vector<16xf32>, vector<16xi1>) -> (vector<16xi1>, vector<16xf32>, vector<16xf32>)
        %parallel_loop3A_408 = arith.constant dense<true> : vector<16xi1>
        %parallel_loop3A_409, %parallel_loop3A_410, %parallel_loop3A_411 = tpu.sort %parallel_loop3A_403, %parallel_loop3A_403 masked %parallel_loop3A_408 : (vector<16xf32>, vector<16xf32>, vector<16xi1>) -> (vector<16xi1>, vector<16xf32>, vector<16xf32>)
        %parallel_loop3A_412 = arith.maximumf %parallel_loop3A_380, %parallel_loop3A_410 : vector<16xf32>
        %parallel_loop3A_413 = arith.maximumf %parallel_loop3A_384, %parallel_loop3A_406 : vector<16xf32>
        %parallel_loop3A_414 = arith.maximumf %parallel_loop3A_412, %parallel_loop3A_413 : vector<16xf32>
        %parallel_loop3A_415 = arith.minimumf %parallel_loop3A_412, %parallel_loop3A_413 : vector<16xf32>
        %parallel_loop3A_416 = arith.constant dense<true> : vector<16xi1>
        %parallel_loop3A_417, %parallel_loop3A_418, %parallel_loop3A_419 = tpu.sort %parallel_loop3A_414, %parallel_loop3A_414 masked %parallel_loop3A_416 {descending = true} : (vector<16xf32>, vector<16xf32>, vector<16xi1>) -> (vector<16xi1>, vector<16xf32>, vector<16xf32>)
        %parallel_loop3A_420 = arith.constant dense<true> : vector<16xi1>
        %parallel_loop3A_421, %parallel_loop3A_422, %parallel_loop3A_423 = tpu.sort %parallel_loop3A_415, %parallel_loop3A_415 masked %parallel_loop3A_420 {descending = true} : (vector<16xf32>, vector<16xf32>, vector<16xi1>) -> (vector<16xi1>, vector<16xf32>, vector<16xf32>)
        %parallel_loop3A_424 = arith.constant 320 : i32
        %parallel_loop3A_425 = arith.addi %parallel_loop3A_55, %parallel_loop3A_424 : i32
        %parallel_loop3A_426 = arith.index_cast %parallel_loop3A_425 : i32 to index
        %parallel_loop3A_427 = tpu.vector_load %arg4[%parallel_loop3A_426] {strides = array<i32>} : memref<43008xf32, #tpu.memory_space<vmem>>, vector<16xf32>,
        %parallel_loop3A_428 = arith.constant dense<true> : vector<16xi1>
        %parallel_loop3A_429, %parallel_loop3A_430, %parallel_loop3A_431 = tpu.sort %parallel_loop3A_427, %parallel_loop3A_427 masked %parallel_loop3A_428 {descending = true} : (vector<16xf32>, vector<16xf32>, vector<16xi1>) -> (vector<16xi1>, vector<16xf32>, vector<16xf32>)
        %parallel_loop3A_432 = arith.constant 336 : i32
        %parallel_loop3A_433 = arith.addi %parallel_loop3A_55, %parallel_loop3A_432 : i32
        %parallel_loop3A_434 = arith.index_cast %parallel_loop3A_433 : i32 to index
        %parallel_loop3A_435 = tpu.vector_load %arg4[%parallel_loop3A_434] {strides = array<i32>} : memref<43008xf32, #tpu.memory_space<vmem>>, vector<16xf32>,
        %parallel_loop3A_436 = arith.constant dense<true> : vector<16xi1>
        %parallel_loop3A_437, %parallel_loop3A_438, %parallel_loop3A_439 = tpu.sort %parallel_loop3A_435, %parallel_loop3A_435 masked %parallel_loop3A_436 : (vector<16xf32>, vector<16xf32>, vector<16xi1>) -> (vector<16xi1>, vector<16xf32>, vector<16xf32>)
        %parallel_loop3A_440 = arith.maximumf %parallel_loop3A_430, %parallel_loop3A_438 : vector<16xf32>
        %parallel_loop3A_441 = arith.minimumf %parallel_loop3A_430, %parallel_loop3A_438 : vector<16xf32>
        %parallel_loop3A_442 = arith.constant dense<true> : vector<16xi1>
        %parallel_loop3A_443, %parallel_loop3A_444, %parallel_loop3A_445 = tpu.sort %parallel_loop3A_440, %parallel_loop3A_440 masked %parallel_loop3A_442 : (vector<16xf32>, vector<16xf32>, vector<16xi1>) -> (vector<16xi1>, vector<16xf32>, vector<16xf32>)
        %parallel_loop3A_446 = arith.constant dense<true> : vector<16xi1>
        %parallel_loop3A_447, %parallel_loop3A_448, %parallel_loop3A_449 = tpu.sort %parallel_loop3A_441, %parallel_loop3A_441 masked %parallel_loop3A_446 : (vector<16xf32>, vector<16xf32>, vector<16xi1>) -> (vector<16xi1>, vector<16xf32>, vector<16xf32>)
        %parallel_loop3A_450 = arith.maximumf %parallel_loop3A_418, %parallel_loop3A_448 : vector<16xf32>
        %parallel_loop3A_451 = arith.maximumf %parallel_loop3A_422, %parallel_loop3A_444 : vector<16xf32>
        %parallel_loop3A_452 = arith.maximumf %parallel_loop3A_450, %parallel_loop3A_451 : vector<16xf32>
        %parallel_loop3A_453 = arith.minimumf %parallel_loop3A_450, %parallel_loop3A_451 : vector<16xf32>
        %parallel_loop3A_454 = arith.constant dense<true> : vector<16xi1>
        %parallel_loop3A_455, %parallel_loop3A_456, %parallel_loop3A_457 = tpu.sort %parallel_loop3A_452, %parallel_loop3A_452 masked %parallel_loop3A_454 {descending = true} : (vector<16xf32>, vector<16xf32>, vector<16xi1>) -> (vector<16xi1>, vector<16xf32>, vector<16xf32>)
        %parallel_loop3A_458 = arith.constant dense<true> : vector<16xi1>
        %parallel_loop3A_459, %parallel_loop3A_460, %parallel_loop3A_461 = tpu.sort %parallel_loop3A_453, %parallel_loop3A_453 masked %parallel_loop3A_458 {descending = true} : (vector<16xf32>, vector<16xf32>, vector<16xi1>) -> (vector<16xi1>, vector<16xf32>, vector<16xf32>)
        %parallel_loop3A_462 = arith.constant 352 : i32
        %parallel_loop3A_463 = arith.addi %parallel_loop3A_55, %parallel_loop3A_462 : i32
        %parallel_loop3A_464 = arith.index_cast %parallel_loop3A_463 : i32 to index
        %parallel_loop3A_465 = tpu.vector_load %arg4[%parallel_loop3A_464] {strides = array<i32>} : memref<43008xf32, #tpu.memory_space<vmem>>, vector<16xf32>,
        %parallel_loop3A_466 = arith.constant dense<true> : vector<16xi1>
        %parallel_loop3A_467, %parallel_loop3A_468, %parallel_loop3A_469 = tpu.sort %parallel_loop3A_465, %parallel_loop3A_465 masked %parallel_loop3A_466 {descending = true} : (vector<16xf32>, vector<16xf32>, vector<16xi1>) -> (vector<16xi1>, vector<16xf32>, vector<16xf32>)
        %parallel_loop3A_470 = arith.constant 368 : i32
        %parallel_loop3A_471 = arith.addi %parallel_loop3A_55, %parallel_loop3A_470 : i32
        %parallel_loop3A_472 = arith.index_cast %parallel_loop3A_471 : i32 to index
        %parallel_loop3A_473 = tpu.vector_load %arg4[%parallel_loop3A_472] {strides = array<i32>} : memref<43008xf32, #tpu.memory_space<vmem>>, vector<16xf32>,
        %parallel_loop3A_474 = arith.constant dense<true> : vector<16xi1>
        %parallel_loop3A_475, %parallel_loop3A_476, %parallel_loop3A_477 = tpu.sort %parallel_loop3A_473, %parallel_loop3A_473 masked %parallel_loop3A_474 : (vector<16xf32>, vector<16xf32>, vector<16xi1>) -> (vector<16xi1>, vector<16xf32>, vector<16xf32>)
        %parallel_loop3A_478 = arith.maximumf %parallel_loop3A_468, %parallel_loop3A_476 : vector<16xf32>
        %parallel_loop3A_479 = arith.minimumf %parallel_loop3A_468, %parallel_loop3A_476 : vector<16xf32>
        %parallel_loop3A_480 = arith.constant dense<true> : vector<16xi1>
        %parallel_loop3A_481, %parallel_loop3A_482, %parallel_loop3A_483 = tpu.sort %parallel_loop3A_478, %parallel_loop3A_478 masked %parallel_loop3A_480 : (vector<16xf32>, vector<16xf32>, vector<16xi1>) -> (vector<16xi1>, vector<16xf32>, vector<16xf32>)
        %parallel_loop3A_484 = arith.constant dense<true> : vector<16xi1>
        %parallel_loop3A_485, %parallel_loop3A_486, %parallel_loop3A_487 = tpu.sort %parallel_loop3A_479, %parallel_loop3A_479 masked %parallel_loop3A_484 : (vector<16xf32>, vector<16xf32>, vector<16xi1>) -> (vector<16xi1>, vector<16xf32>, vector<16xf32>)
        %parallel_loop3A_488 = arith.maximumf %parallel_loop3A_456, %parallel_loop3A_486 : vector<16xf32>
        %parallel_loop3A_489 = arith.maximumf %parallel_loop3A_460, %parallel_loop3A_482 : vector<16xf32>
        %parallel_loop3A_490 = arith.addf %parallel_loop3A_488, %parallel_loop3A_489 : vector<16xf32>
        %parallel_loop3A_491 = arith.constant true
        %parallel_loop3A_492 = vector.broadcast %parallel_loop3A_491 : i1 to vector<16xi1>
        %parallel_loop3A_493 = tpu.scan <sum>, %parallel_loop3A_490 masked %parallel_loop3A_492 : vector<16xf32>, vector<16xi1> -> vector<16xf32>
        %parallel_loop3A_494 = arith.constant 3.125000e-02 : f32
        %parallel_loop3A_495 = vector.broadcast %parallel_loop3A_494 : f32 to vector<16xf32>
        %parallel_loop3A_496 = arith.mulf %parallel_loop3A_493, %parallel_loop3A_495 : vector<16xf32>
        %parallel_loop3A_497 = arith.constant 112 : i32
        %parallel_loop3A_498 = arith.muli %add3A_20, %parallel_loop3A_497 : i32
        %parallel_loop3A_499 = arith.addi %parallel_loop3A_498, %parallel_loop3A_53 : i32
        %parallel_loop3A_500 = vector.broadcast %parallel_loop3A_499 : i32 to vector<16xi32>
        tpu.vector_store_idx %arg6[%parallel_loop3A_500], %parallel_loop3A_496 masked %eq3A_2 : memref<1568xf32, #tpu.memory_space<vmem>>[vector<16xi32>], vector<16xf32>, vector<16xi1>
      } {sc.loop_unroll_factor = 2 : i64, sc.parallel_access}
      %mul3A_32 = arith.constant 2 : i32
      %mul3A_33 = arith.muli %scan3A_15, %mul3A_32 : i32
      %add3A_34 = arith.constant 1 : i32
      %add3A_35 = arith.addi %mul3A_33, %add3A_34 : i32
      %mul3A_36 = arith.constant 384 : i32
      %mul3A_37 = arith.muli %mul3A_0, %mul3A_36 : i32
      %dma_wait3A_38 = tpu.memref_slice %arg2[%arg1, %mul3A_37] : memref<16x1204224xf32, #tpu.memory_space<hbm>> -> memref<1x43008xf32, #tpu.memory_space<hbm>>
      %dma_wait3A_39 = tpu.memref_squeeze %dma_wait3A_38 : memref<1x43008xf32, #tpu.memory_space<hbm>> -> memref<43008xf32, #tpu.memory_space<hbm>>
      %dma_wait3A_40 = tpu.memref_slice %arg2[%arg1, %mul3A_37] : memref<16x1204224xf32, #tpu.memory_space<hbm>> -> memref<1x43008xf32, #tpu.memory_space<hbm>>
      %dma_wait3A_41 = tpu.memref_squeeze %dma_wait3A_40 : memref<1x43008xf32, #tpu.memory_space<hbm>> -> memref<43008xf32, #tpu.memory_space<hbm>>
      tpu.wait_dma2 semaphore(%arg7 : memref<!tpu.dma_semaphore, #tpu.memory_space<semaphore_mem>>) src(%dma_wait3A_41 : memref<43008xf32, #tpu.memory_space<hbm>>) dst(%arg5 : memref<43008xf32, #tpu.memory_space<vmem>>)
      %add3A_42 = arith.constant 1 : i32
      %add3A_43 = arith.addi %add3A_35, %add3A_42 : i32
      %lt3A_44 = arith.constant 14 : i32
      %lt3A_45 = arith.cmpi slt, %add3A_43, %lt3A_44 : i32
      %convert_element_type3A_46 = arith.extui %lt3A_45 : i1 to i32
      %cond3A_47 = arith.constant 0 : i32
      %cond3A_48 = arith.cmpi ne, %convert_element_type3A_46, %cond3A_47 : i32
      scf.if %cond3A_48 {
        %mul3A_53 = arith.constant 112 : i32
        %mul3A_54 = arith.muli %add3A_43, %mul3A_53 : i32
        %add3A_55 = arith.addi %mul3A_0, %mul3A_54 : i32
        %mul3A_56 = arith.constant 384 : i32
        %mul3A_57 = arith.muli %add3A_55, %mul3A_56 : i32
        %dma_start3A_58 = tpu.memref_slice %arg2[%arg1, %mul3A_57] : memref<16x1204224xf32, #tpu.memory_space<hbm>> -> memref<1x43008xf32, #tpu.memory_space<hbm>>
        %dma_start3A_59 = tpu.memref_squeeze %dma_start3A_58 : memref<1x43008xf32, #tpu.memory_space<hbm>> -> memref<43008xf32, #tpu.memory_space<hbm>>
        %dma_start3A_60 = tpu.memref_slice %arg2[%arg1, %mul3A_57] : memref<16x1204224xf32, #tpu.memory_space<hbm>> -> memref<1x43008xf32, #tpu.memory_space<hbm>>
        %dma_start3A_61 = tpu.memref_squeeze %dma_start3A_60 : memref<1x43008xf32, #tpu.memory_space<hbm>> -> memref<43008xf32, #tpu.memory_space<hbm>>
        tpu.enqueue_dma source(%dma_start3A_61 : memref<43008xf32, #tpu.memory_space<hbm>>) target(%arg4 : memref<43008xf32, #tpu.memory_space<vmem>>) target_semaphore(%arg7 : memref<!tpu.dma_semaphore, #tpu.memory_space<semaphore_mem>>)
      } else {
      }
      %parallel_loop3A_49 = arith.constant 0 : i32
      %parallel_loop3A_50 = arith.constant 112 : i32
      %parallel_loop3A_51 = arith.constant 1 : i32
      scf.for %parallel_loop3A_53 = %parallel_loop3A_49 to %parallel_loop3A_50 step %parallel_loop3A_51  : i32 {
        %parallel_loop3A_54 = arith.constant 384 : i32
        %parallel_loop3A_55 = arith.muli %parallel_loop3A_53, %parallel_loop3A_54 : i32
        %parallel_loop3A_56 = arith.constant 0 : i32
        %parallel_loop3A_57 = arith.addi %parallel_loop3A_55, %parallel_loop3A_56 : i32
        %parallel_loop3A_58 = arith.index_cast %parallel_loop3A_57 : i32 to index
        %parallel_loop3A_59 = tpu.vector_load %arg5[%parallel_loop3A_58] {strides = array<i32>} : memref<43008xf32, #tpu.memory_space<vmem>>, vector<16xf32>,
        %parallel_loop3A_60 = arith.constant dense<true> : vector<16xi1>
        %parallel_loop3A_61, %parallel_loop3A_62, %parallel_loop3A_63 = tpu.sort %parallel_loop3A_59, %parallel_loop3A_59 masked %parallel_loop3A_60 {descending = true} : (vector<16xf32>, vector<16xf32>, vector<16xi1>) -> (vector<16xi1>, vector<16xf32>, vector<16xf32>)
        %parallel_loop3A_64 = arith.constant 16 : i32
        %parallel_loop3A_65 = arith.addi %parallel_loop3A_55, %parallel_loop3A_64 : i32
        %parallel_loop3A_66 = arith.index_cast %parallel_loop3A_65 : i32 to index
        %parallel_loop3A_67 = tpu.vector_load %arg5[%parallel_loop3A_66] {strides = array<i32>} : memref<43008xf32, #tpu.memory_space<vmem>>, vector<16xf32>,
        %parallel_loop3A_68 = arith.constant dense<true> : vector<16xi1>
        %parallel_loop3A_69, %parallel_loop3A_70, %parallel_loop3A_71 = tpu.sort %parallel_loop3A_67, %parallel_loop3A_67 masked %parallel_loop3A_68 : (vector<16xf32>, vector<16xf32>, vector<16xi1>) -> (vector<16xi1>, vector<16xf32>, vector<16xf32>)
        %parallel_loop3A_72 = arith.maximumf %parallel_loop3A_62, %parallel_loop3A_70 : vector<16xf32>
        %parallel_loop3A_73 = arith.minimumf %parallel_loop3A_62, %parallel_loop3A_70 : vector<16xf32>
        %parallel_loop3A_74 = arith.constant dense<true> : vector<16xi1>
        %parallel_loop3A_75, %parallel_loop3A_76, %parallel_loop3A_77 = tpu.sort %parallel_loop3A_72, %parallel_loop3A_72 masked %parallel_loop3A_74 {descending = true} : (vector<16xf32>, vector<16xf32>, vector<16xi1>) -> (vector<16xi1>, vector<16xf32>, vector<16xf32>)
        %parallel_loop3A_78 = arith.constant dense<true> : vector<16xi1>
        %parallel_loop3A_79, %parallel_loop3A_80, %parallel_loop3A_81 = tpu.sort %parallel_loop3A_73, %parallel_loop3A_73 masked %parallel_loop3A_78 {descending = true} : (vector<16xf32>, vector<16xf32>, vector<16xi1>) -> (vector<16xi1>, vector<16xf32>, vector<16xf32>)
        %parallel_loop3A_82 = arith.constant 32 : i32
        %parallel_loop3A_83 = arith.addi %parallel_loop3A_55, %parallel_loop3A_82 : i32
        %parallel_loop3A_84 = arith.index_cast %parallel_loop3A_83 : i32 to index
        %parallel_loop3A_85 = tpu.vector_load %arg5[%parallel_loop3A_84] {strides = array<i32>} : memref<43008xf32, #tpu.memory_space<vmem>>, vector<16xf32>,
        %parallel_loop3A_86 = arith.constant dense<true> : vector<16xi1>
        %parallel_loop3A_87, %parallel_loop3A_88, %parallel_loop3A_89 = tpu.sort %parallel_loop3A_85, %parallel_loop3A_85 masked %parallel_loop3A_86 {descending = true} : (vector<16xf32>, vector<16xf32>, vector<16xi1>) -> (vector<16xi1>, vector<16xf32>, vector<16xf32>)
        %parallel_loop3A_90 = arith.constant 48 : i32
        %parallel_loop3A_91 = arith.addi %parallel_loop3A_55, %parallel_loop3A_90 : i32
        %parallel_loop3A_92 = arith.index_cast %parallel_loop3A_91 : i32 to index
        %parallel_loop3A_93 = tpu.vector_load %arg5[%parallel_loop3A_92] {strides = array<i32>} : memref<43008xf32, #tpu.memory_space<vmem>>, vector<16xf32>,
        %parallel_loop3A_94 = arith.constant dense<true> : vector<16xi1>
        %parallel_loop3A_95, %parallel_loop3A_96, %parallel_loop3A_97 = tpu.sort %parallel_loop3A_93, %parallel_loop3A_93 masked %parallel_loop3A_94 : (vector<16xf32>, vector<16xf32>, vector<16xi1>) -> (vector<16xi1>, vector<16xf32>, vector<16xf32>)
        %parallel_loop3A_98 = arith.maximumf %parallel_loop3A_88, %parallel_loop3A_96 : vector<16xf32>
        %parallel_loop3A_99 = arith.minimumf %parallel_loop3A_88, %parallel_loop3A_96 : vector<16xf32>
        %parallel_loop3A_100 = arith.constant dense<true> : vector<16xi1>
        %parallel_loop3A_101, %parallel_loop3A_102, %parallel_loop3A_103 = tpu.sort %parallel_loop3A_98, %parallel_loop3A_98 masked %parallel_loop3A_100 : (vector<16xf32>, vector<16xf32>, vector<16xi1>) -> (vector<16xi1>, vector<16xf32>, vector<16xf32>)
        %parallel_loop3A_104 = arith.constant dense<true> : vector<16xi1>
        %parallel_loop3A_105, %parallel_loop3A_106, %parallel_loop3A_107 = tpu.sort %parallel_loop3A_99, %parallel_loop3A_99 masked %parallel_loop3A_104 : (vector<16xf32>, vector<16xf32>, vector<16xi1>) -> (vector<16xi1>, vector<16xf32>, vector<16xf32>)
        %parallel_loop3A_108 = arith.maximumf %parallel_loop3A_76, %parallel_loop3A_106 : vector<16xf32>
        %parallel_loop3A_109 = arith.maximumf %parallel_loop3A_80, %parallel_loop3A_102 : vector<16xf32>
        %parallel_loop3A_110 = arith.maximumf %parallel_loop3A_108, %parallel_loop3A_109 : vector<16xf32>
        %parallel_loop3A_111 = arith.minimumf %parallel_loop3A_108, %parallel_loop3A_109 : vector<16xf32>
        %parallel_loop3A_112 = arith.constant dense<true> : vector<16xi1>
        %parallel_loop3A_113, %parallel_loop3A_114, %parallel_loop3A_115 = tpu.sort %parallel_loop3A_110, %parallel_loop3A_110 masked %parallel_loop3A_112 {descending = true} : (vector<16xf32>, vector<16xf32>, vector<16xi1>) -> (vector<16xi1>, vector<16xf32>, vector<16xf32>)
        %parallel_loop3A_116 = arith.constant dense<true> : vector<16xi1>
        %parallel_loop3A_117, %parallel_loop3A_118, %parallel_loop3A_119 = tpu.sort %parallel_loop3A_111, %parallel_loop3A_111 masked %parallel_loop3A_116 {descending = true} : (vector<16xf32>, vector<16xf32>, vector<16xi1>) -> (vector<16xi1>, vector<16xf32>, vector<16xf32>)
        %parallel_loop3A_120 = arith.constant 64 : i32
        %parallel_loop3A_121 = arith.addi %parallel_loop3A_55, %parallel_loop3A_120 : i32
        %parallel_loop3A_122 = arith.index_cast %parallel_loop3A_121 : i32 to index
        %parallel_loop3A_123 = tpu.vector_load %arg5[%parallel_loop3A_122] {strides = array<i32>} : memref<43008xf32, #tpu.memory_space<vmem>>, vector<16xf32>,
        %parallel_loop3A_124 = arith.constant dense<true> : vector<16xi1>
        %parallel_loop3A_125, %parallel_loop3A_126, %parallel_loop3A_127 = tpu.sort %parallel_loop3A_123, %parallel_loop3A_123 masked %parallel_loop3A_124 {descending = true} : (vector<16xf32>, vector<16xf32>, vector<16xi1>) -> (vector<16xi1>, vector<16xf32>, vector<16xf32>)
        %parallel_loop3A_128 = arith.constant 80 : i32
        %parallel_loop3A_129 = arith.addi %parallel_loop3A_55, %parallel_loop3A_128 : i32
        %parallel_loop3A_130 = arith.index_cast %parallel_loop3A_129 : i32 to index
        %parallel_loop3A_131 = tpu.vector_load %arg5[%parallel_loop3A_130] {strides = array<i32>} : memref<43008xf32, #tpu.memory_space<vmem>>, vector<16xf32>,
        %parallel_loop3A_132 = arith.constant dense<true> : vector<16xi1>
        %parallel_loop3A_133, %parallel_loop3A_134, %parallel_loop3A_135 = tpu.sort %parallel_loop3A_131, %parallel_loop3A_131 masked %parallel_loop3A_132 : (vector<16xf32>, vector<16xf32>, vector<16xi1>) -> (vector<16xi1>, vector<16xf32>, vector<16xf32>)
        %parallel_loop3A_136 = arith.maximumf %parallel_loop3A_126, %parallel_loop3A_134 : vector<16xf32>
        %parallel_loop3A_137 = arith.minimumf %parallel_loop3A_126, %parallel_loop3A_134 : vector<16xf32>
        %parallel_loop3A_138 = arith.constant dense<true> : vector<16xi1>
        %parallel_loop3A_139, %parallel_loop3A_140, %parallel_loop3A_141 = tpu.sort %parallel_loop3A_136, %parallel_loop3A_136 masked %parallel_loop3A_138 : (vector<16xf32>, vector<16xf32>, vector<16xi1>) -> (vector<16xi1>, vector<16xf32>, vector<16xf32>)
        %parallel_loop3A_142 = arith.constant dense<true> : vector<16xi1>
        %parallel_loop3A_143, %parallel_loop3A_144, %parallel_loop3A_145 = tpu.sort %parallel_loop3A_137, %parallel_loop3A_137 masked %parallel_loop3A_142 : (vector<16xf32>, vector<16xf32>, vector<16xi1>) -> (vector<16xi1>, vector<16xf32>, vector<16xf32>)
        %parallel_loop3A_146 = arith.maximumf %parallel_loop3A_114, %parallel_loop3A_144 : vector<16xf32>
        %parallel_loop3A_147 = arith.maximumf %parallel_loop3A_118, %parallel_loop3A_140 : vector<16xf32>
        %parallel_loop3A_148 = arith.maximumf %parallel_loop3A_146, %parallel_loop3A_147 : vector<16xf32>
        %parallel_loop3A_149 = arith.minimumf %parallel_loop3A_146, %parallel_loop3A_147 : vector<16xf32>
        %parallel_loop3A_150 = arith.constant dense<true> : vector<16xi1>
        %parallel_loop3A_151, %parallel_loop3A_152, %parallel_loop3A_153 = tpu.sort %parallel_loop3A_148, %parallel_loop3A_148 masked %parallel_loop3A_150 {descending = true} : (vector<16xf32>, vector<16xf32>, vector<16xi1>) -> (vector<16xi1>, vector<16xf32>, vector<16xf32>)
        %parallel_loop3A_154 = arith.constant dense<true> : vector<16xi1>
        %parallel_loop3A_155, %parallel_loop3A_156, %parallel_loop3A_157 = tpu.sort %parallel_loop3A_149, %parallel_loop3A_149 masked %parallel_loop3A_154 {descending = true} : (vector<16xf32>, vector<16xf32>, vector<16xi1>) -> (vector<16xi1>, vector<16xf32>, vector<16xf32>)
        %parallel_loop3A_158 = arith.constant 96 : i32
        %parallel_loop3A_159 = arith.addi %parallel_loop3A_55, %parallel_loop3A_158 : i32
        %parallel_loop3A_160 = arith.index_cast %parallel_loop3A_159 : i32 to index
        %parallel_loop3A_161 = tpu.vector_load %arg5[%parallel_loop3A_160] {strides = array<i32>} : memref<43008xf32, #tpu.memory_space<vmem>>, vector<16xf32>,
        %parallel_loop3A_162 = arith.constant dense<true> : vector<16xi1>
        %parallel_loop3A_163, %parallel_loop3A_164, %parallel_loop3A_165 = tpu.sort %parallel_loop3A_161, %parallel_loop3A_161 masked %parallel_loop3A_162 {descending = true} : (vector<16xf32>, vector<16xf32>, vector<16xi1>) -> (vector<16xi1>, vector<16xf32>, vector<16xf32>)
        %parallel_loop3A_166 = arith.constant 112 : i32
        %parallel_loop3A_167 = arith.addi %parallel_loop3A_55, %parallel_loop3A_166 : i32
        %parallel_loop3A_168 = arith.index_cast %parallel_loop3A_167 : i32 to index
        %parallel_loop3A_169 = tpu.vector_load %arg5[%parallel_loop3A_168] {strides = array<i32>} : memref<43008xf32, #tpu.memory_space<vmem>>, vector<16xf32>,
        %parallel_loop3A_170 = arith.constant dense<true> : vector<16xi1>
        %parallel_loop3A_171, %parallel_loop3A_172, %parallel_loop3A_173 = tpu.sort %parallel_loop3A_169, %parallel_loop3A_169 masked %parallel_loop3A_170 : (vector<16xf32>, vector<16xf32>, vector<16xi1>) -> (vector<16xi1>, vector<16xf32>, vector<16xf32>)
        %parallel_loop3A_174 = arith.maximumf %parallel_loop3A_164, %parallel_loop3A_172 : vector<16xf32>
        %parallel_loop3A_175 = arith.minimumf %parallel_loop3A_164, %parallel_loop3A_172 : vector<16xf32>
        %parallel_loop3A_176 = arith.constant dense<true> : vector<16xi1>
        %parallel_loop3A_177, %parallel_loop3A_178, %parallel_loop3A_179 = tpu.sort %parallel_loop3A_174, %parallel_loop3A_174 masked %parallel_loop3A_176 : (vector<16xf32>, vector<16xf32>, vector<16xi1>) -> (vector<16xi1>, vector<16xf32>, vector<16xf32>)
        %parallel_loop3A_180 = arith.constant dense<true> : vector<16xi1>
        %parallel_loop3A_181, %parallel_loop3A_182, %parallel_loop3A_183 = tpu.sort %parallel_loop3A_175, %parallel_loop3A_175 masked %parallel_loop3A_180 : (vector<16xf32>, vector<16xf32>, vector<16xi1>) -> (vector<16xi1>, vector<16xf32>, vector<16xf32>)
        %parallel_loop3A_184 = arith.maximumf %parallel_loop3A_152, %parallel_loop3A_182 : vector<16xf32>
        %parallel_loop3A_185 = arith.maximumf %parallel_loop3A_156, %parallel_loop3A_178 : vector<16xf32>
        %parallel_loop3A_186 = arith.maximumf %parallel_loop3A_184, %parallel_loop3A_185 : vector<16xf32>
        %parallel_loop3A_187 = arith.minimumf %parallel_loop3A_184, %parallel_loop3A_185 : vector<16xf32>
        %parallel_loop3A_188 = arith.constant dense<true> : vector<16xi1>
        %parallel_loop3A_189, %parallel_loop3A_190, %parallel_loop3A_191 = tpu.sort %parallel_loop3A_186, %parallel_loop3A_186 masked %parallel_loop3A_188 {descending = true} : (vector<16xf32>, vector<16xf32>, vector<16xi1>) -> (vector<16xi1>, vector<16xf32>, vector<16xf32>)
        %parallel_loop3A_192 = arith.constant dense<true> : vector<16xi1>
        %parallel_loop3A_193, %parallel_loop3A_194, %parallel_loop3A_195 = tpu.sort %parallel_loop3A_187, %parallel_loop3A_187 masked %parallel_loop3A_192 {descending = true} : (vector<16xf32>, vector<16xf32>, vector<16xi1>) -> (vector<16xi1>, vector<16xf32>, vector<16xf32>)
        %parallel_loop3A_196 = arith.constant 128 : i32
        %parallel_loop3A_197 = arith.addi %parallel_loop3A_55, %parallel_loop3A_196 : i32
        %parallel_loop3A_198 = arith.index_cast %parallel_loop3A_197 : i32 to index
        %parallel_loop3A_199 = tpu.vector_load %arg5[%parallel_loop3A_198] {strides = array<i32>} : memref<43008xf32, #tpu.memory_space<vmem>>, vector<16xf32>,
        %parallel_loop3A_200 = arith.constant dense<true> : vector<16xi1>
        %parallel_loop3A_201, %parallel_loop3A_202, %parallel_loop3A_203 = tpu.sort %parallel_loop3A_199, %parallel_loop3A_199 masked %parallel_loop3A_200 {descending = true} : (vector<16xf32>, vector<16xf32>, vector<16xi1>) -> (vector<16xi1>, vector<16xf32>, vector<16xf32>)
        %parallel_loop3A_204 = arith.constant 144 : i32
        %parallel_loop3A_205 = arith.addi %parallel_loop3A_55, %parallel_loop3A_204 : i32
        %parallel_loop3A_206 = arith.index_cast %parallel_loop3A_205 : i32 to index
        %parallel_loop3A_207 = tpu.vector_load %arg5[%parallel_loop3A_206] {strides = array<i32>} : memref<43008xf32, #tpu.memory_space<vmem>>, vector<16xf32>,
        %parallel_loop3A_208 = arith.constant dense<true> : vector<16xi1>
        %parallel_loop3A_209, %parallel_loop3A_210, %parallel_loop3A_211 = tpu.sort %parallel_loop3A_207, %parallel_loop3A_207 masked %parallel_loop3A_208 : (vector<16xf32>, vector<16xf32>, vector<16xi1>) -> (vector<16xi1>, vector<16xf32>, vector<16xf32>)
        %parallel_loop3A_212 = arith.maximumf %parallel_loop3A_202, %parallel_loop3A_210 : vector<16xf32>
        %parallel_loop3A_213 = arith.minimumf %parallel_loop3A_202, %parallel_loop3A_210 : vector<16xf32>
        %parallel_loop3A_214 = arith.constant dense<true> : vector<16xi1>
        %parallel_loop3A_215, %parallel_loop3A_216, %parallel_loop3A_217 = tpu.sort %parallel_loop3A_212, %parallel_loop3A_212 masked %parallel_loop3A_214 : (vector<16xf32>, vector<16xf32>, vector<16xi1>) -> (vector<16xi1>, vector<16xf32>, vector<16xf32>)
        %parallel_loop3A_218 = arith.constant dense<true> : vector<16xi1>
        %parallel_loop3A_219, %parallel_loop3A_220, %parallel_loop3A_221 = tpu.sort %parallel_loop3A_213, %parallel_loop3A_213 masked %parallel_loop3A_218 : (vector<16xf32>, vector<16xf32>, vector<16xi1>) -> (vector<16xi1>, vector<16xf32>, vector<16xf32>)
        %parallel_loop3A_222 = arith.maximumf %parallel_loop3A_190, %parallel_loop3A_220 : vector<16xf32>
        %parallel_loop3A_223 = arith.maximumf %parallel_loop3A_194, %parallel_loop3A_216 : vector<16xf32>
        %parallel_loop3A_224 = arith.maximumf %parallel_loop3A_222, %parallel_loop3A_223 : vector<16xf32>
        %parallel_loop3A_225 = arith.minimumf %parallel_loop3A_222, %parallel_loop3A_223 : vector<16xf32>
        %parallel_loop3A_226 = arith.constant dense<true> : vector<16xi1>
        %parallel_loop3A_227, %parallel_loop3A_228, %parallel_loop3A_229 = tpu.sort %parallel_loop3A_224, %parallel_loop3A_224 masked %parallel_loop3A_226 {descending = true} : (vector<16xf32>, vector<16xf32>, vector<16xi1>) -> (vector<16xi1>, vector<16xf32>, vector<16xf32>)
        %parallel_loop3A_230 = arith.constant dense<true> : vector<16xi1>
        %parallel_loop3A_231, %parallel_loop3A_232, %parallel_loop3A_233 = tpu.sort %parallel_loop3A_225, %parallel_loop3A_225 masked %parallel_loop3A_230 {descending = true} : (vector<16xf32>, vector<16xf32>, vector<16xi1>) -> (vector<16xi1>, vector<16xf32>, vector<16xf32>)
        %parallel_loop3A_234 = arith.constant 160 : i32
        %parallel_loop3A_235 = arith.addi %parallel_loop3A_55, %parallel_loop3A_234 : i32
        %parallel_loop3A_236 = arith.index_cast %parallel_loop3A_235 : i32 to index
        %parallel_loop3A_237 = tpu.vector_load %arg5[%parallel_loop3A_236] {strides = array<i32>} : memref<43008xf32, #tpu.memory_space<vmem>>, vector<16xf32>,
        %parallel_loop3A_238 = arith.constant dense<true> : vector<16xi1>
        %parallel_loop3A_239, %parallel_loop3A_240, %parallel_loop3A_241 = tpu.sort %parallel_loop3A_237, %parallel_loop3A_237 masked %parallel_loop3A_238 {descending = true} : (vector<16xf32>, vector<16xf32>, vector<16xi1>) -> (vector<16xi1>, vector<16xf32>, vector<16xf32>)
        %parallel_loop3A_242 = arith.constant 176 : i32
        %parallel_loop3A_243 = arith.addi %parallel_loop3A_55, %parallel_loop3A_242 : i32
        %parallel_loop3A_244 = arith.index_cast %parallel_loop3A_243 : i32 to index
        %parallel_loop3A_245 = tpu.vector_load %arg5[%parallel_loop3A_244] {strides = array<i32>} : memref<43008xf32, #tpu.memory_space<vmem>>, vector<16xf32>,
        %parallel_loop3A_246 = arith.constant dense<true> : vector<16xi1>
        %parallel_loop3A_247, %parallel_loop3A_248, %parallel_loop3A_249 = tpu.sort %parallel_loop3A_245, %parallel_loop3A_245 masked %parallel_loop3A_246 : (vector<16xf32>, vector<16xf32>, vector<16xi1>) -> (vector<16xi1>, vector<16xf32>, vector<16xf32>)
        %parallel_loop3A_250 = arith.maximumf %parallel_loop3A_240, %parallel_loop3A_248 : vector<16xf32>
        %parallel_loop3A_251 = arith.minimumf %parallel_loop3A_240, %parallel_loop3A_248 : vector<16xf32>
        %parallel_loop3A_252 = arith.constant dense<true> : vector<16xi1>
        %parallel_loop3A_253, %parallel_loop3A_254, %parallel_loop3A_255 = tpu.sort %parallel_loop3A_250, %parallel_loop3A_250 masked %parallel_loop3A_252 : (vector<16xf32>, vector<16xf32>, vector<16xi1>) -> (vector<16xi1>, vector<16xf32>, vector<16xf32>)
        %parallel_loop3A_256 = arith.constant dense<true> : vector<16xi1>
        %parallel_loop3A_257, %parallel_loop3A_258, %parallel_loop3A_259 = tpu.sort %parallel_loop3A_251, %parallel_loop3A_251 masked %parallel_loop3A_256 : (vector<16xf32>, vector<16xf32>, vector<16xi1>) -> (vector<16xi1>, vector<16xf32>, vector<16xf32>)
        %parallel_loop3A_260 = arith.maximumf %parallel_loop3A_228, %parallel_loop3A_258 : vector<16xf32>
        %parallel_loop3A_261 = arith.maximumf %parallel_loop3A_232, %parallel_loop3A_254 : vector<16xf32>
        %parallel_loop3A_262 = arith.maximumf %parallel_loop3A_260, %parallel_loop3A_261 : vector<16xf32>
        %parallel_loop3A_263 = arith.minimumf %parallel_loop3A_260, %parallel_loop3A_261 : vector<16xf32>
        %parallel_loop3A_264 = arith.constant dense<true> : vector<16xi1>
        %parallel_loop3A_265, %parallel_loop3A_266, %parallel_loop3A_267 = tpu.sort %parallel_loop3A_262, %parallel_loop3A_262 masked %parallel_loop3A_264 {descending = true} : (vector<16xf32>, vector<16xf32>, vector<16xi1>) -> (vector<16xi1>, vector<16xf32>, vector<16xf32>)
        %parallel_loop3A_268 = arith.constant dense<true> : vector<16xi1>
        %parallel_loop3A_269, %parallel_loop3A_270, %parallel_loop3A_271 = tpu.sort %parallel_loop3A_263, %parallel_loop3A_263 masked %parallel_loop3A_268 {descending = true} : (vector<16xf32>, vector<16xf32>, vector<16xi1>) -> (vector<16xi1>, vector<16xf32>, vector<16xf32>)
        %parallel_loop3A_272 = arith.constant 192 : i32
        %parallel_loop3A_273 = arith.addi %parallel_loop3A_55, %parallel_loop3A_272 : i32
        %parallel_loop3A_274 = arith.index_cast %parallel_loop3A_273 : i32 to index
        %parallel_loop3A_275 = tpu.vector_load %arg5[%parallel_loop3A_274] {strides = array<i32>} : memref<43008xf32, #tpu.memory_space<vmem>>, vector<16xf32>,
        %parallel_loop3A_276 = arith.constant dense<true> : vector<16xi1>
        %parallel_loop3A_277, %parallel_loop3A_278, %parallel_loop3A_279 = tpu.sort %parallel_loop3A_275, %parallel_loop3A_275 masked %parallel_loop3A_276 {descending = true} : (vector<16xf32>, vector<16xf32>, vector<16xi1>) -> (vector<16xi1>, vector<16xf32>, vector<16xf32>)
        %parallel_loop3A_280 = arith.constant 208 : i32
        %parallel_loop3A_281 = arith.addi %parallel_loop3A_55, %parallel_loop3A_280 : i32
        %parallel_loop3A_282 = arith.index_cast %parallel_loop3A_281 : i32 to index
        %parallel_loop3A_283 = tpu.vector_load %arg5[%parallel_loop3A_282] {strides = array<i32>} : memref<43008xf32, #tpu.memory_space<vmem>>, vector<16xf32>,
        %parallel_loop3A_284 = arith.constant dense<true> : vector<16xi1>
        %parallel_loop3A_285, %parallel_loop3A_286, %parallel_loop3A_287 = tpu.sort %parallel_loop3A_283, %parallel_loop3A_283 masked %parallel_loop3A_284 : (vector<16xf32>, vector<16xf32>, vector<16xi1>) -> (vector<16xi1>, vector<16xf32>, vector<16xf32>)
        %parallel_loop3A_288 = arith.maximumf %parallel_loop3A_278, %parallel_loop3A_286 : vector<16xf32>
        %parallel_loop3A_289 = arith.minimumf %parallel_loop3A_278, %parallel_loop3A_286 : vector<16xf32>
        %parallel_loop3A_290 = arith.constant dense<true> : vector<16xi1>
        %parallel_loop3A_291, %parallel_loop3A_292, %parallel_loop3A_293 = tpu.sort %parallel_loop3A_288, %parallel_loop3A_288 masked %parallel_loop3A_290 : (vector<16xf32>, vector<16xf32>, vector<16xi1>) -> (vector<16xi1>, vector<16xf32>, vector<16xf32>)
        %parallel_loop3A_294 = arith.constant dense<true> : vector<16xi1>
        %parallel_loop3A_295, %parallel_loop3A_296, %parallel_loop3A_297 = tpu.sort %parallel_loop3A_289, %parallel_loop3A_289 masked %parallel_loop3A_294 : (vector<16xf32>, vector<16xf32>, vector<16xi1>) -> (vector<16xi1>, vector<16xf32>, vector<16xf32>)
        %parallel_loop3A_298 = arith.maximumf %parallel_loop3A_266, %parallel_loop3A_296 : vector<16xf32>
        %parallel_loop3A_299 = arith.maximumf %parallel_loop3A_270, %parallel_loop3A_292 : vector<16xf32>
        %parallel_loop3A_300 = arith.maximumf %parallel_loop3A_298, %parallel_loop3A_299 : vector<16xf32>
        %parallel_loop3A_301 = arith.minimumf %parallel_loop3A_298, %parallel_loop3A_299 : vector<16xf32>
        %parallel_loop3A_302 = arith.constant dense<true> : vector<16xi1>
        %parallel_loop3A_303, %parallel_loop3A_304, %parallel_loop3A_305 = tpu.sort %parallel_loop3A_300, %parallel_loop3A_300 masked %parallel_loop3A_302 {descending = true} : (vector<16xf32>, vector<16xf32>, vector<16xi1>) -> (vector<16xi1>, vector<16xf32>, vector<16xf32>)
        %parallel_loop3A_306 = arith.constant dense<true> : vector<16xi1>
        %parallel_loop3A_307, %parallel_loop3A_308, %parallel_loop3A_309 = tpu.sort %parallel_loop3A_301, %parallel_loop3A_301 masked %parallel_loop3A_306 {descending = true} : (vector<16xf32>, vector<16xf32>, vector<16xi1>) -> (vector<16xi1>, vector<16xf32>, vector<16xf32>)
        %parallel_loop3A_310 = arith.constant 224 : i32
        %parallel_loop3A_311 = arith.addi %parallel_loop3A_55, %parallel_loop3A_310 : i32
        %parallel_loop3A_312 = arith.index_cast %parallel_loop3A_311 : i32 to index
        %parallel_loop3A_313 = tpu.vector_load %arg5[%parallel_loop3A_312] {strides = array<i32>} : memref<43008xf32, #tpu.memory_space<vmem>>, vector<16xf32>,
        %parallel_loop3A_314 = arith.constant dense<true> : vector<16xi1>
        %parallel_loop3A_315, %parallel_loop3A_316, %parallel_loop3A_317 = tpu.sort %parallel_loop3A_313, %parallel_loop3A_313 masked %parallel_loop3A_314 {descending = true} : (vector<16xf32>, vector<16xf32>, vector<16xi1>) -> (vector<16xi1>, vector<16xf32>, vector<16xf32>)
        %parallel_loop3A_318 = arith.constant 240 : i32
        %parallel_loop3A_319 = arith.addi %parallel_loop3A_55, %parallel_loop3A_318 : i32
        %parallel_loop3A_320 = arith.index_cast %parallel_loop3A_319 : i32 to index
        %parallel_loop3A_321 = tpu.vector_load %arg5[%parallel_loop3A_320] {strides = array<i32>} : memref<43008xf32, #tpu.memory_space<vmem>>, vector<16xf32>,
        %parallel_loop3A_322 = arith.constant dense<true> : vector<16xi1>
        %parallel_loop3A_323, %parallel_loop3A_324, %parallel_loop3A_325 = tpu.sort %parallel_loop3A_321, %parallel_loop3A_321 masked %parallel_loop3A_322 : (vector<16xf32>, vector<16xf32>, vector<16xi1>) -> (vector<16xi1>, vector<16xf32>, vector<16xf32>)
        %parallel_loop3A_326 = arith.maximumf %parallel_loop3A_316, %parallel_loop3A_324 : vector<16xf32>
        %parallel_loop3A_327 = arith.minimumf %parallel_loop3A_316, %parallel_loop3A_324 : vector<16xf32>
        %parallel_loop3A_328 = arith.constant dense<true> : vector<16xi1>
        %parallel_loop3A_329, %parallel_loop3A_330, %parallel_loop3A_331 = tpu.sort %parallel_loop3A_326, %parallel_loop3A_326 masked %parallel_loop3A_328 : (vector<16xf32>, vector<16xf32>, vector<16xi1>) -> (vector<16xi1>, vector<16xf32>, vector<16xf32>)
        %parallel_loop3A_332 = arith.constant dense<true> : vector<16xi1>
        %parallel_loop3A_333, %parallel_loop3A_334, %parallel_loop3A_335 = tpu.sort %parallel_loop3A_327, %parallel_loop3A_327 masked %parallel_loop3A_332 : (vector<16xf32>, vector<16xf32>, vector<16xi1>) -> (vector<16xi1>, vector<16xf32>, vector<16xf32>)
        %parallel_loop3A_336 = arith.maximumf %parallel_loop3A_304, %parallel_loop3A_334 : vector<16xf32>
        %parallel_loop3A_337 = arith.maximumf %parallel_loop3A_308, %parallel_loop3A_330 : vector<16xf32>
        %parallel_loop3A_338 = arith.maximumf %parallel_loop3A_336, %parallel_loop3A_337 : vector<16xf32>
        %parallel_loop3A_339 = arith.minimumf %parallel_loop3A_336, %parallel_loop3A_337 : vector<16xf32>
        %parallel_loop3A_340 = arith.constant dense<true> : vector<16xi1>
        %parallel_loop3A_341, %parallel_loop3A_342, %parallel_loop3A_343 = tpu.sort %parallel_loop3A_338, %parallel_loop3A_338 masked %parallel_loop3A_340 {descending = true} : (vector<16xf32>, vector<16xf32>, vector<16xi1>) -> (vector<16xi1>, vector<16xf32>, vector<16xf32>)
        %parallel_loop3A_344 = arith.constant dense<true> : vector<16xi1>
        %parallel_loop3A_345, %parallel_loop3A_346, %parallel_loop3A_347 = tpu.sort %parallel_loop3A_339, %parallel_loop3A_339 masked %parallel_loop3A_344 {descending = true} : (vector<16xf32>, vector<16xf32>, vector<16xi1>) -> (vector<16xi1>, vector<16xf32>, vector<16xf32>)
        %parallel_loop3A_348 = arith.constant 256 : i32
        %parallel_loop3A_349 = arith.addi %parallel_loop3A_55, %parallel_loop3A_348 : i32
        %parallel_loop3A_350 = arith.index_cast %parallel_loop3A_349 : i32 to index
        %parallel_loop3A_351 = tpu.vector_load %arg5[%parallel_loop3A_350] {strides = array<i32>} : memref<43008xf32, #tpu.memory_space<vmem>>, vector<16xf32>,
        %parallel_loop3A_352 = arith.constant dense<true> : vector<16xi1>
        %parallel_loop3A_353, %parallel_loop3A_354, %parallel_loop3A_355 = tpu.sort %parallel_loop3A_351, %parallel_loop3A_351 masked %parallel_loop3A_352 {descending = true} : (vector<16xf32>, vector<16xf32>, vector<16xi1>) -> (vector<16xi1>, vector<16xf32>, vector<16xf32>)
        %parallel_loop3A_356 = arith.constant 272 : i32
        %parallel_loop3A_357 = arith.addi %parallel_loop3A_55, %parallel_loop3A_356 : i32
        %parallel_loop3A_358 = arith.index_cast %parallel_loop3A_357 : i32 to index
        %parallel_loop3A_359 = tpu.vector_load %arg5[%parallel_loop3A_358] {strides = array<i32>} : memref<43008xf32, #tpu.memory_space<vmem>>, vector<16xf32>,
        %parallel_loop3A_360 = arith.constant dense<true> : vector<16xi1>
        %parallel_loop3A_361, %parallel_loop3A_362, %parallel_loop3A_363 = tpu.sort %parallel_loop3A_359, %parallel_loop3A_359 masked %parallel_loop3A_360 : (vector<16xf32>, vector<16xf32>, vector<16xi1>) -> (vector<16xi1>, vector<16xf32>, vector<16xf32>)
        %parallel_loop3A_364 = arith.maximumf %parallel_loop3A_354, %parallel_loop3A_362 : vector<16xf32>
        %parallel_loop3A_365 = arith.minimumf %parallel_loop3A_354, %parallel_loop3A_362 : vector<16xf32>
        %parallel_loop3A_366 = arith.constant dense<true> : vector<16xi1>
        %parallel_loop3A_367, %parallel_loop3A_368, %parallel_loop3A_369 = tpu.sort %parallel_loop3A_364, %parallel_loop3A_364 masked %parallel_loop3A_366 : (vector<16xf32>, vector<16xf32>, vector<16xi1>) -> (vector<16xi1>, vector<16xf32>, vector<16xf32>)
        %parallel_loop3A_370 = arith.constant dense<true> : vector<16xi1>
        %parallel_loop3A_371, %parallel_loop3A_372, %parallel_loop3A_373 = tpu.sort %parallel_loop3A_365, %parallel_loop3A_365 masked %parallel_loop3A_370 : (vector<16xf32>, vector<16xf32>, vector<16xi1>) -> (vector<16xi1>, vector<16xf32>, vector<16xf32>)
        %parallel_loop3A_374 = arith.maximumf %parallel_loop3A_342, %parallel_loop3A_372 : vector<16xf32>
        %parallel_loop3A_375 = arith.maximumf %parallel_loop3A_346, %parallel_loop3A_368 : vector<16xf32>
        %parallel_loop3A_376 = arith.maximumf %parallel_loop3A_374, %parallel_loop3A_375 : vector<16xf32>
        %parallel_loop3A_377 = arith.minimumf %parallel_loop3A_374, %parallel_loop3A_375 : vector<16xf32>
        %parallel_loop3A_378 = arith.constant dense<true> : vector<16xi1>
        %parallel_loop3A_379, %parallel_loop3A_380, %parallel_loop3A_381 = tpu.sort %parallel_loop3A_376, %parallel_loop3A_376 masked %parallel_loop3A_378 {descending = true} : (vector<16xf32>, vector<16xf32>, vector<16xi1>) -> (vector<16xi1>, vector<16xf32>, vector<16xf32>)
        %parallel_loop3A_382 = arith.constant dense<true> : vector<16xi1>
        %parallel_loop3A_383, %parallel_loop3A_384, %parallel_loop3A_385 = tpu.sort %parallel_loop3A_377, %parallel_loop3A_377 masked %parallel_loop3A_382 {descending = true} : (vector<16xf32>, vector<16xf32>, vector<16xi1>) -> (vector<16xi1>, vector<16xf32>, vector<16xf32>)
        %parallel_loop3A_386 = arith.constant 288 : i32
        %parallel_loop3A_387 = arith.addi %parallel_loop3A_55, %parallel_loop3A_386 : i32
        %parallel_loop3A_388 = arith.index_cast %parallel_loop3A_387 : i32 to index
        %parallel_loop3A_389 = tpu.vector_load %arg5[%parallel_loop3A_388] {strides = array<i32>} : memref<43008xf32, #tpu.memory_space<vmem>>, vector<16xf32>,
        %parallel_loop3A_390 = arith.constant dense<true> : vector<16xi1>
        %parallel_loop3A_391, %parallel_loop3A_392, %parallel_loop3A_393 = tpu.sort %parallel_loop3A_389, %parallel_loop3A_389 masked %parallel_loop3A_390 {descending = true} : (vector<16xf32>, vector<16xf32>, vector<16xi1>) -> (vector<16xi1>, vector<16xf32>, vector<16xf32>)
        %parallel_loop3A_394 = arith.constant 304 : i32
        %parallel_loop3A_395 = arith.addi %parallel_loop3A_55, %parallel_loop3A_394 : i32
        %parallel_loop3A_396 = arith.index_cast %parallel_loop3A_395 : i32 to index
        %parallel_loop3A_397 = tpu.vector_load %arg5[%parallel_loop3A_396] {strides = array<i32>} : memref<43008xf32, #tpu.memory_space<vmem>>, vector<16xf32>,
        %parallel_loop3A_398 = arith.constant dense<true> : vector<16xi1>
        %parallel_loop3A_399, %parallel_loop3A_400, %parallel_loop3A_401 = tpu.sort %parallel_loop3A_397, %parallel_loop3A_397 masked %parallel_loop3A_398 : (vector<16xf32>, vector<16xf32>, vector<16xi1>) -> (vector<16xi1>, vector<16xf32>, vector<16xf32>)
        %parallel_loop3A_402 = arith.maximumf %parallel_loop3A_392, %parallel_loop3A_400 : vector<16xf32>
        %parallel_loop3A_403 = arith.minimumf %parallel_loop3A_392, %parallel_loop3A_400 : vector<16xf32>
        %parallel_loop3A_404 = arith.constant dense<true> : vector<16xi1>
        %parallel_loop3A_405, %parallel_loop3A_406, %parallel_loop3A_407 = tpu.sort %parallel_loop3A_402, %parallel_loop3A_402 masked %parallel_loop3A_404 : (vector<16xf32>, vector<16xf32>, vector<16xi1>) -> (vector<16xi1>, vector<16xf32>, vector<16xf32>)
        %parallel_loop3A_408 = arith.constant dense<true> : vector<16xi1>
        %parallel_loop3A_409, %parallel_loop3A_410, %parallel_loop3A_411 = tpu.sort %parallel_loop3A_403, %parallel_loop3A_403 masked %parallel_loop3A_408 : (vector<16xf32>, vector<16xf32>, vector<16xi1>) -> (vector<16xi1>, vector<16xf32>, vector<16xf32>)
        %parallel_loop3A_412 = arith.maximumf %parallel_loop3A_380, %parallel_loop3A_410 : vector<16xf32>
        %parallel_loop3A_413 = arith.maximumf %parallel_loop3A_384, %parallel_loop3A_406 : vector<16xf32>
        %parallel_loop3A_414 = arith.maximumf %parallel_loop3A_412, %parallel_loop3A_413 : vector<16xf32>
        %parallel_loop3A_415 = arith.minimumf %parallel_loop3A_412, %parallel_loop3A_413 : vector<16xf32>
        %parallel_loop3A_416 = arith.constant dense<true> : vector<16xi1>
        %parallel_loop3A_417, %parallel_loop3A_418, %parallel_loop3A_419 = tpu.sort %parallel_loop3A_414, %parallel_loop3A_414 masked %parallel_loop3A_416 {descending = true} : (vector<16xf32>, vector<16xf32>, vector<16xi1>) -> (vector<16xi1>, vector<16xf32>, vector<16xf32>)
        %parallel_loop3A_420 = arith.constant dense<true> : vector<16xi1>
        %parallel_loop3A_421, %parallel_loop3A_422, %parallel_loop3A_423 = tpu.sort %parallel_loop3A_415, %parallel_loop3A_415 masked %parallel_loop3A_420 {descending = true} : (vector<16xf32>, vector<16xf32>, vector<16xi1>) -> (vector<16xi1>, vector<16xf32>, vector<16xf32>)
        %parallel_loop3A_424 = arith.constant 320 : i32
        %parallel_loop3A_425 = arith.addi %parallel_loop3A_55, %parallel_loop3A_424 : i32
        %parallel_loop3A_426 = arith.index_cast %parallel_loop3A_425 : i32 to index
        %parallel_loop3A_427 = tpu.vector_load %arg5[%parallel_loop3A_426] {strides = array<i32>} : memref<43008xf32, #tpu.memory_space<vmem>>, vector<16xf32>,
        %parallel_loop3A_428 = arith.constant dense<true> : vector<16xi1>
        %parallel_loop3A_429, %parallel_loop3A_430, %parallel_loop3A_431 = tpu.sort %parallel_loop3A_427, %parallel_loop3A_427 masked %parallel_loop3A_428 {descending = true} : (vector<16xf32>, vector<16xf32>, vector<16xi1>) -> (vector<16xi1>, vector<16xf32>, vector<16xf32>)
        %parallel_loop3A_432 = arith.constant 336 : i32
        %parallel_loop3A_433 = arith.addi %parallel_loop3A_55, %parallel_loop3A_432 : i32
        %parallel_loop3A_434 = arith.index_cast %parallel_loop3A_433 : i32 to index
        %parallel_loop3A_435 = tpu.vector_load %arg5[%parallel_loop3A_434] {strides = array<i32>} : memref<43008xf32, #tpu.memory_space<vmem>>, vector<16xf32>,
        %parallel_loop3A_436 = arith.constant dense<true> : vector<16xi1>
        %parallel_loop3A_437, %parallel_loop3A_438, %parallel_loop3A_439 = tpu.sort %parallel_loop3A_435, %parallel_loop3A_435 masked %parallel_loop3A_436 : (vector<16xf32>, vector<16xf32>, vector<16xi1>) -> (vector<16xi1>, vector<16xf32>, vector<16xf32>)
        %parallel_loop3A_440 = arith.maximumf %parallel_loop3A_430, %parallel_loop3A_438 : vector<16xf32>
        %parallel_loop3A_441 = arith.minimumf %parallel_loop3A_430, %parallel_loop3A_438 : vector<16xf32>
        %parallel_loop3A_442 = arith.constant dense<true> : vector<16xi1>
        %parallel_loop3A_443, %parallel_loop3A_444, %parallel_loop3A_445 = tpu.sort %parallel_loop3A_440, %parallel_loop3A_440 masked %parallel_loop3A_442 : (vector<16xf32>, vector<16xf32>, vector<16xi1>) -> (vector<16xi1>, vector<16xf32>, vector<16xf32>)
        %parallel_loop3A_446 = arith.constant dense<true> : vector<16xi1>
        %parallel_loop3A_447, %parallel_loop3A_448, %parallel_loop3A_449 = tpu.sort %parallel_loop3A_441, %parallel_loop3A_441 masked %parallel_loop3A_446 : (vector<16xf32>, vector<16xf32>, vector<16xi1>) -> (vector<16xi1>, vector<16xf32>, vector<16xf32>)
        %parallel_loop3A_450 = arith.maximumf %parallel_loop3A_418, %parallel_loop3A_448 : vector<16xf32>
        %parallel_loop3A_451 = arith.maximumf %parallel_loop3A_422, %parallel_loop3A_444 : vector<16xf32>
        %parallel_loop3A_452 = arith.maximumf %parallel_loop3A_450, %parallel_loop3A_451 : vector<16xf32>
        %parallel_loop3A_453 = arith.minimumf %parallel_loop3A_450, %parallel_loop3A_451 : vector<16xf32>
        %parallel_loop3A_454 = arith.constant dense<true> : vector<16xi1>
        %parallel_loop3A_455, %parallel_loop3A_456, %parallel_loop3A_457 = tpu.sort %parallel_loop3A_452, %parallel_loop3A_452 masked %parallel_loop3A_454 {descending = true} : (vector<16xf32>, vector<16xf32>, vector<16xi1>) -> (vector<16xi1>, vector<16xf32>, vector<16xf32>)
        %parallel_loop3A_458 = arith.constant dense<true> : vector<16xi1>
        %parallel_loop3A_459, %parallel_loop3A_460, %parallel_loop3A_461 = tpu.sort %parallel_loop3A_453, %parallel_loop3A_453 masked %parallel_loop3A_458 {descending = true} : (vector<16xf32>, vector<16xf32>, vector<16xi1>) -> (vector<16xi1>, vector<16xf32>, vector<16xf32>)
        %parallel_loop3A_462 = arith.constant 352 : i32
        %parallel_loop3A_463 = arith.addi %parallel_loop3A_55, %parallel_loop3A_462 : i32
        %parallel_loop3A_464 = arith.index_cast %parallel_loop3A_463 : i32 to index
        %parallel_loop3A_465 = tpu.vector_load %arg5[%parallel_loop3A_464] {strides = array<i32>} : memref<43008xf32, #tpu.memory_space<vmem>>, vector<16xf32>,
        %parallel_loop3A_466 = arith.constant dense<true> : vector<16xi1>
        %parallel_loop3A_467, %parallel_loop3A_468, %parallel_loop3A_469 = tpu.sort %parallel_loop3A_465, %parallel_loop3A_465 masked %parallel_loop3A_466 {descending = true} : (vector<16xf32>, vector<16xf32>, vector<16xi1>) -> (vector<16xi1>, vector<16xf32>, vector<16xf32>)
        %parallel_loop3A_470 = arith.constant 368 : i32
        %parallel_loop3A_471 = arith.addi %parallel_loop3A_55, %parallel_loop3A_470 : i32
        %parallel_loop3A_472 = arith.index_cast %parallel_loop3A_471 : i32 to index
        %parallel_loop3A_473 = tpu.vector_load %arg5[%parallel_loop3A_472] {strides = array<i32>} : memref<43008xf32, #tpu.memory_space<vmem>>, vector<16xf32>,
        %parallel_loop3A_474 = arith.constant dense<true> : vector<16xi1>
        %parallel_loop3A_475, %parallel_loop3A_476, %parallel_loop3A_477 = tpu.sort %parallel_loop3A_473, %parallel_loop3A_473 masked %parallel_loop3A_474 : (vector<16xf32>, vector<16xf32>, vector<16xi1>) -> (vector<16xi1>, vector<16xf32>, vector<16xf32>)
        %parallel_loop3A_478 = arith.maximumf %parallel_loop3A_468, %parallel_loop3A_476 : vector<16xf32>
        %parallel_loop3A_479 = arith.minimumf %parallel_loop3A_468, %parallel_loop3A_476 : vector<16xf32>
        %parallel_loop3A_480 = arith.constant dense<true> : vector<16xi1>
        %parallel_loop3A_481, %parallel_loop3A_482, %parallel_loop3A_483 = tpu.sort %parallel_loop3A_478, %parallel_loop3A_478 masked %parallel_loop3A_480 : (vector<16xf32>, vector<16xf32>, vector<16xi1>) -> (vector<16xi1>, vector<16xf32>, vector<16xf32>)
        %parallel_loop3A_484 = arith.constant dense<true> : vector<16xi1>
        %parallel_loop3A_485, %parallel_loop3A_486, %parallel_loop3A_487 = tpu.sort %parallel_loop3A_479, %parallel_loop3A_479 masked %parallel_loop3A_484 : (vector<16xf32>, vector<16xf32>, vector<16xi1>) -> (vector<16xi1>, vector<16xf32>, vector<16xf32>)
        %parallel_loop3A_488 = arith.maximumf %parallel_loop3A_456, %parallel_loop3A_486 : vector<16xf32>
        %parallel_loop3A_489 = arith.maximumf %parallel_loop3A_460, %parallel_loop3A_482 : vector<16xf32>
        %parallel_loop3A_490 = arith.addf %parallel_loop3A_488, %parallel_loop3A_489 : vector<16xf32>
        %parallel_loop3A_491 = arith.constant true
        %parallel_loop3A_492 = vector.broadcast %parallel_loop3A_491 : i1 to vector<16xi1>
        %parallel_loop3A_493 = tpu.scan <sum>, %parallel_loop3A_490 masked %parallel_loop3A_492 : vector<16xf32>, vector<16xi1> -> vector<16xf32>
        %parallel_loop3A_494 = arith.constant 3.125000e-02 : f32
        %parallel_loop3A_495 = vector.broadcast %parallel_loop3A_494 : f32 to vector<16xf32>
        %parallel_loop3A_496 = arith.mulf %parallel_loop3A_493, %parallel_loop3A_495 : vector<16xf32>
        %parallel_loop3A_497 = arith.constant 112 : i32
        %parallel_loop3A_498 = arith.muli %add3A_35, %parallel_loop3A_497 : i32
        %parallel_loop3A_499 = arith.addi %parallel_loop3A_498, %parallel_loop3A_53 : i32
        %parallel_loop3A_500 = vector.broadcast %parallel_loop3A_499 : i32 to vector<16xi32>
        tpu.vector_store_idx %arg6[%parallel_loop3A_500], %parallel_loop3A_496 masked %eq3A_2 : memref<1568xf32, #tpu.memory_space<vmem>>[vector<16xi32>], vector<16xf32>, vector<16xi1>
      } {sc.loop_unroll_factor = 2 : i64, sc.parallel_access}
      %scan3A_52 = arith.constant 0 : i32
      scf.yield %scan3A_52 : i32
    }
    %scan3A_14 = arith.constant 7 : i32
    "tpu.region"() ({
      %run_scoped3A = tpu.sem_alloc : memref<!tpu.dma_semaphore, #tpu.memory_space<semaphore_mem>>
      %dma_start3A_15 = tpu.memref_slice %arg3[%arg1, %mul3A_0] : memref<16x3136xf32, #tpu.memory_space<hbm>> -> memref<1x1568xf32, #tpu.memory_space<hbm>>
      %dma_start3A_16 = tpu.memref_squeeze %dma_start3A_15 : memref<1x1568xf32, #tpu.memory_space<hbm>> -> memref<1568xf32, #tpu.memory_space<hbm>>
      %dma_start3A_17 = tpu.memref_slice %arg3[%arg1, %mul3A_0] : memref<16x3136xf32, #tpu.memory_space<hbm>> -> memref<1x1568xf32, #tpu.memory_space<hbm>>
      %dma_start3A_18 = tpu.memref_squeeze %dma_start3A_17 : memref<1x1568xf32, #tpu.memory_space<hbm>> -> memref<1568xf32, #tpu.memory_space<hbm>>
      tpu.enqueue_dma source(%arg6 : memref<1568xf32, #tpu.memory_space<vmem>>) target(%dma_start3A_18 : memref<1568xf32, #tpu.memory_space<hbm>>) target_semaphore(%run_scoped3A : memref<!tpu.dma_semaphore, #tpu.memory_space<semaphore_mem>>)
      %dma_wait3A = tpu.memref_slice %arg3[%arg1, %mul3A_0] : memref<16x3136xf32, #tpu.memory_space<hbm>> -> memref<1x1568xf32, #tpu.memory_space<hbm>>
      %dma_wait3A_19 = tpu.memref_squeeze %dma_wait3A : memref<1x1568xf32, #tpu.memory_space<hbm>> -> memref<1568xf32, #tpu.memory_space<hbm>>
      %dma_wait3A_20 = tpu.memref_slice %arg3[%arg1, %mul3A_0] : memref<16x3136xf32, #tpu.memory_space<hbm>> -> memref<1x1568xf32, #tpu.memory_space<hbm>>
      %dma_wait3A_21 = tpu.memref_squeeze %dma_wait3A_20 : memref<1x1568xf32, #tpu.memory_space<hbm>> -> memref<1568xf32, #tpu.memory_space<hbm>>
      tpu.wait_dma2 semaphore(%run_scoped3A : memref<!tpu.dma_semaphore, #tpu.memory_space<semaphore_mem>>) src(%arg6 : memref<1568xf32, #tpu.memory_space<vmem>>) dst(%dma_wait3A_21 : memref<1568xf32, #tpu.memory_space<hbm>>)
      tpu.yield
    }) : () -> ()
    return
  }
}

</mosaic_0001>

<sc_bundles>
// kernel: kernel.3.cloned.1.call-start
scs
__scs_entry_jumppad:
0x0: {  	(pc) =	sbr.rel $0x88, $3  }
0x1: {  	(tag) =	ssettag $0x0;
	lr =	simm.s32 $0x1  }
0x2: {  	[smem:$0x3FA0] =	sst lr;
	_ =	strace $0xD0000000  }
0x3: {  	_ = 	snop  }
0x4: {  	_ = 	snop  }
0x5: {  	_ = 	snop  }
0x6: {  	_ = 	snop  }
0x7: {  	_ = 	snop  }
__scs_overlays_trampoline_lowered:
0x8: {  	[smem:$0x3FAF] =	sst s0  }
0x9: {  	[smem:$0x3FB0] =	sst s1  }
0xa: {  	[smem:$0x3FB1] =	sst s2  }
0xb: {  	[smem:$0x3FB2] =	sst s3  }
0xc: {  	[smem:$0x3FB3] =	sst s4  }
0xd: {  	[smem:$0x3FB4] =	sst s5  }
0xe: {  	[smem:$0x3FB5] =	sst s6  }
0xf: {  	[smem:$0x3FB6] =	sst s7  }
0x10: {  	[smem:$0x3FB7] =	sst s8  }
0x11: {  	[smem:$0x3FB8] =	sst s9;
	s0 =	simm.s32 @!p0 $0x0  }
0x12: {  	s1 =	sld [smem:$0x3F9E];
	s0 =	simm.s32 @p0 $0x1  }
0x13: {  	[smem:$0x3FB9] =	sst s0;
	s0 =	simm.s32 @!p1 $0x0  }
0x14: {  	s2 =	sld [smem:$0x3F9D];
	s0 =	simm.s32 @p1 $0x1  }
0x15: {  	[smem:$0x3FBA] =	sst s0;
	s0 =	simm.s32 @!p2 $0x0  }
0x16: {  	s3 =	sld [smem:$0x3FDB];
	s0 =	simm.s32 @p2 $0x1  }
0x17: {  	s4 =	simm.s32 $0x1BF5;
	[smem:$0x3FBC] =	sst s0  }
0x18: {  	s0 =	sld [smem:$0x3F9F];
	_ =	swait.ge [sflag:s4], $0x0  }
0x19: {  	s7 =	sld [smem:$0x3FA0]  }
0x1a: {  	s8 =	sadd.s32 $0xFFFFE003, lr  }
0x1b: {  	s9 =	sadd.s32 $0xFFFFFEF7, lr;
	s5 =	simm.s32 $0xFFFFFFFF;
	p2 =	slt.u32 s8, $0xFFFFF086  }
0x1c: {  	p1 =	slt.u32 s9, $0xF7A;
	s5 =	simm.s32 @!p2 $0x0  }
0x1d: {  	s5 =	simm.s32 @p1 $0x1;
	p0 =	seq.s32 s7, s2  }
0x1e: {  	s7 =	smul.u32 @!p0 $0xF7A, s2;
	p2 =	seq.s32 @!p0 s5, $0x0  }
0x1f: {  	s9 =	smul.u32 $0xF7A, s1;
	s8 =	simm.s32 @!p0 $0x1BF5;
	p2 =	por !p2, p0  }
0x20: {  	[sflag:s8] =	ssyncset.s32 @!p0 $0xFFFFF086;
	s6 =	sadd.s32 @!p0 s3, s7;
	s7 =	simm.s32 @!p0 $0x108  }
0x21: {  	s3 =	sadd.s32 s3, s9;
	s6 =	sadd.s32 @!p0 $0x88, s6;
	s7 =	simm.s32 @p2 $0x1082  }
0x22: {  	[simem:s7], [sflag:s8] =	dma.local @!p0 [hbm:s6], $0xF7A  }
0x23: {  	s9 =	sor.u32 $0xD0000000, s2;
	s6 =	simm.s32 $0x108;
	_ =	swait.ge @!p0 [sflag:s8], $0x0  }
0x24: {  	s3 =	sadd.s32 $0x88, s3;
	s6 =	simm.s32 @!p1 $0x1082;
	[sflag:s4] =	ssyncset.s32 $0xFFFFF086  }
0x25: {  	[simem:s6], [sflag:s4] =	dma.local [hbm:s3], $0xF7A  }
0x26: {  	[smem:$0x3FA0] =	sst s1;
	(tag) =	ssettag s2;
	_ =	strace s9  }
0x27: {  	s1 =	sld [smem:$0x3FB0]  }
0x28: {  	s2 =	sld [smem:$0x3FB1]  }
0x29: {  	s4 =	sld [smem:$0x3FB3]  }
0x2a: {  	p0 =	seq.s32 s5, $0x0;
	s5 =	sld [smem:$0x3FB4]  }
0x2b: {  	s6 =	sld [smem:$0x3FB5]  }
0x2c: {  	s7 =	sld [smem:$0x3FB6]  }
0x2d: {  	s3 =	simm.s32 $0x108;
	s8 =	sld [smem:$0x3FB7]  }
0x2e: {  	s3 =	simm.s32 @!p0 $0x1082;
	s9 =	sld [smem:$0x3FB8]  }
0x2f: {  	lr =	sadd.s32 s0, s3;
	s0 =	sld [smem:$0x3FAF]  }
0x30: {  	s3 =	sld [smem:$0x3FB2]  }
0x31: {  	[smem:$0x3FBB] =	sst s10  }
0x32: {  	s10 =	sld [smem:$0x3FB9];
	_ =	sdelay $0x3  }
0x33: {  	p0 =	seq.s32 s10, $0x1;
	s10 =	sld [smem:$0x3FBB];
	_ =	sdelay $0x3  }
0x34: {  	[smem:$0x3FBB] =	sst s10  }
0x35: {  	s10 =	sld [smem:$0x3FBA];
	_ =	sdelay $0x3  }
0x36: {  	p1 =	seq.s32 s10, $0x1;
	s10 =	sld [smem:$0x3FBB];
	_ =	sdelay $0x3  }
0x37: {  	[smem:$0x3FBB] =	sst s10  }
0x38: {  	s10 =	sld [smem:$0x3FBC]  }
0x39: {  	_ = 	snop;
	(pc) =	sbr.ind lr, $3  }
0x3a: {  	_ = 	snop  }
0x3b: {  	_ = 	snop  }
0x3c: {  	p2 =	seq.s32 s10, $0x1;
	s10 =	sld [smem:$0x3FBB]  }
0x3d: {  	_ =	shalt  }
0x3e: {  	_ =	shalt  }
0x3f: {  	_ =	shalt  }
0x40: {  	_ =	shalt  }
0x41: {  	_ =	shalt  }
0x42: {  	_ =	shalt  }
0x43: {  	_ =	shalt  }
0x44: {  	_ =	shalt  }
0x45: {  	_ =	shalt  }
0x46: {  	_ =	shalt  }
0x47: {  	_ =	shalt  }
0x48: {  	_ =	shalt  }
0x49: {  	_ =	shalt  }
0x4a: {  	_ =	shalt  }
0x4b: {  	_ =	shalt  }
0x4c: {  	_ =	shalt  }
0x4d: {  	_ =	shalt  }
0x4e: {  	_ =	shalt  }
0x4f: {  	_ =	shalt  }
0x50: {  	_ =	shalt  }
0x51: {  	_ =	shalt  }
0x52: {  	_ =	shalt  }
0x53: {  	_ =	shalt  }
0x54: {  	_ =	shalt  }
0x55: {  	_ =	shalt  }
0x56: {  	_ =	shalt  }
0x57: {  	_ =	shalt  }
0x58: {  	_ =	shalt  }
0x59: {  	_ =	shalt  }
0x5a: {  	_ =	shalt  }
0x5b: {  	_ =	shalt  }
0x5c: {  	_ =	shalt  }
0x5d: {  	_ =	shalt  }
0x5e: {  	_ =	shalt  }
0x5f: {  	_ =	shalt  }
0x60: {  	_ =	shalt  }
0x61: {  	_ =	shalt  }
0x62: {  	_ =	shalt  }
0x63: {  	_ =	shalt  }
0x64: {  	_ =	shalt  }
0x65: {  	_ =	shalt  }
0x66: {  	_ =	shalt  }
0x67: {  	_ =	shalt  }
0x68: {  	_ =	shalt  }
0x69: {  	_ =	shalt  }
0x6a: {  	_ =	shalt  }
0x6b: {  	_ =	shalt  }
0x6c: {  	_ =	shalt  }
0x6d: {  	_ =	shalt  }
0x6e: {  	_ =	shalt  }
0x6f: {  	_ =	shalt  }
0x70: {  	_ =	shalt  }
0x71: {  	_ =	shalt  }
0x72: {  	_ =	shalt  }
0x73: {  	_ =	shalt  }
0x74: {  	_ =	shalt  }
0x75: {  	_ =	shalt  }
0x76: {  	_ =	shalt  }
0x77: {  	_ =	shalt  }
0x78: {  	_ =	shalt  }
0x79: {  	_ =	shalt  }
0x7a: {  	_ =	shalt  }
0x7b: {  	_ =	shalt  }
0x7c: {  	_ =	shalt  }
0x7d: {  	_ =	shalt  }
0x7e: {  	_ =	shalt  }
0x7f: {  	_ =	shalt  }
0x80: {  	_ =	shalt  }
0x81: {  	_ =	shalt  }
0x82: {  	_ =	shalt  }
0x83: {  	_ =	shalt  }
0x84: {  	_ =	shalt  }
0x85: {  	_ =	shalt  }
0x86: {  	_ =	shalt  }
0x87: {  	_ =	shalt  }
.Lfunc_end0:
.L_simem_size_0:
called_computation_lowered:
.L_overlay_start_0:
0x88: {  	s2 =	sld [smem:$0x3FD9]  }
0x89: {  	s3 =	sld [smem:$0x3FFE];
	_ =	sdelay $0x1  }
0x8a: {  	s1 =	srdreg.scid  }
0x8b: {  	s0 =	sand.u32 $0x1, s1  }
0x8c: {  	s16 =	sshll.u32 s0, $0xA;
	s2 =	sadd.s32 s3, s2  }
0x8d: {  	s2 =	sadd.s32 s2, s16  }
0x8e: {  	[smem:$0x3FC7] =	sst s2  }
0x8f: {  	_ = 	snop  }
0x90: {  	(tm) =	ssettm $0x1  }
0x91: {  	s17 =	sld [smem:$0x3FFB];
	_ =	sdelay $0x3  }
0x92: {  	_ =	strace s17  }
0x93: {  	s2 =	sld [smem:$0x3FFC];
	_ =	sdelay $0x3  }
0x94: {  	_ =	strace s2  }
0x95: {  	s2 =	sld [smem:$0x3FFD];
	_ =	sdelay $0x3  }
0x96: {  	_ =	strace s2  }
0x97: {  	_ =	strace $0x8FFFFFFF  }
0x98: {  	s18 =	sld [smem:$0x3FDB];
	_ =	sdelay $0x1  }
0x99: {  	s19 =	simm.s32 $_scs_section_size  }
0x9a: {  	s4 =	simm.s32 $_size__tile_overlayer_lowered;
	s5 =	simm.s32 $_tile_overlayer_lowered  }
0x9b: {  	s22 =	simm.s32 $0x1BFF;
	s21 =	sshll.u32 s5, $0x1;
	s2 =	sadd.s32 s19, s18  }
0x9c: {  	s6 =	simm.s32 $0x0;
	s20 =	sshll.u32 s4, $0x1;
	s4 =	sadd.s32 s21, s2  }
0x9d: {  	[timem:s6], [sflag:s22] =	dma.local [hbm:s4], s20  }
0x9e: {  	_ =	swait.ge [sflag:s22], s20  }
0x9f: {  	s3 =	ssub.s32 $0x0, s20;
	[sflag:s22] =	ssyncset.done $0x0  }
0xa0: {  	[sflag:s22] =	ssyncadd.s32 s3;
	_ =	sdelay $0x1  }
0xa1: {  	s23 =	simm.s32 $0x1B8B  }
0xa2: {  	_ =	swait.ge [sflag:s23], $0x1  }
0xa3: {  	[sflag:s23] =	ssyncset.done $0x0  }
0xa4: {  	s25 =	simm.s32 $0x1B8E;
	s24 =	sld [smem:$0x3FFE];
	[sflag:s23] =	ssyncadd.s32 $0xFFFFFFFF  }
0xa5: {  	s26 =	simm.s32 $execute0_lowered;
	[smem:$0x3FD2] =	sst s25  }
0xa6: {  	s4 =	sshll.u32 s26, $0x1;
	_ =	strace $0x80000046;
	[dreg:$0x1] =	wrdreg $0xFFFFFFFF  }
0xa7: {  	s28 =	simm.s32 $_size_execute0_lowered;
	s2 =	sadd.s32 s2, s4;
	[dreg:$0x0] =	wrdreg $0x0  }
0xa8: {  	s4 =	sshll.u32 s28, $0x1;
	[dreg:$0x2] =	wrdreg s2  }
0xa9: {  	[dreg:$0x3] =	wrdreg s4  }
0xaa: {  	[dreg:$0x4] =	wrdreg $0xC0  }
0xab: {  	_ =	task [dreg:s6], $0x5FFFF  }
0xac: {  	[dreg:$0x1] =	wrdreg $0xFFFFFFFF  }
0xad: {  	[dreg:$0x0] =	wrdreg $0x60  }
0xae: {  	[dreg:$0x2] =	wrdreg s24  }
0xaf: {  	[dreg:$0x3] =	wrdreg $0x9  }
0xb0: {  	_ =	task.clear_ibuf [dreg:s6], $0x4FFFF;
	_ =	strace $0x90000046  }
0xb1: {  	s29 =	simm.s32 $0x9;
	_ =	strace $0x80000048  }
0xb2: {  	_ =	swait.ge [sflag:s29], $0x1  }
0xb3: {  	[sflag:s29] =	ssyncadd.s32 $0xFFFFFFFF  }
0xb4: {  	_ =	strace $0x90000048  }
0xb5: {  	_ =	sfence  }
0xb6: {  	s30 =	sld [smem:$0x0];
	_ =	sdelay $0x2  }
0xb7: {  	s31 =	sshll.u32 s1, $0xD;
	s1 =	sshrl.u32 s1, $0x2  }
0xb8: {  	s3 =	sand.u32 $0x4000, s31;
	s1 =	sadd.s32 s1, s30  }
0xb9: {  	s0 =	sor.u32 s3, s0;
	s1 =	sshll.u32 s1, $0x11  }
0xba: {  	s0 =	sor.u32 s1, s0  }
0xbb: {  	s0 =	sadd.s32 $0x8F2B, s0  }
0xbc: {  	[sflag:s0] =	ssyncadd.remote.s32 $0x1  }
0xbd: {  	_ =	sfence.sel $0xFFFF  }
0xbe: {  	[dreg:$0x0] =	wrdreg $0xFFFFFFFF;
	(pc) =	sbr.abs _section_cstart, $3  }
0xbf: {  	[dreg:$0x1] =	wrdreg $0xFFFFFFFF  }
0xc0: {  	_ =	task.clear_ibuf [dreg:s6], $0x2FFFF;
	_ =	strace $0x9FFFFFFF  }
0xc1: {  	(tm) =	ssettm $0x7FFFFFFF  }
tec
execute0_lowered:
.L_overlay_start_1:
0x0: {  	(tag) =	ssettag $0x1  }
0x1: {  	s0 =	srdreg.scid  }
0x2: {  	s6 =	rddreg [dreg:$0x0];
	s1 =	stileid.u32  }
0x3: {  	s3 =	simm.s32 $0x0;
	s11 =	simm.s32 $0xA800;
	s8 =	smul.u32 $0xC40, s1  }
0x4: {  	s12 =	simm.s32 $0x15000;
	s7 =	sand.u32 $0x1, s0;
	s4 =	smul.u32 $0x126000, s1  }
0x5: {  	s13 =	simm.s32 $0x2;
	s0 =	rddreg [dreg:$0x1];
	s2 =	smul.u32 $0x620, s7  }
0x6: {  	s14 =	simm.s32 $0x0;
	[smem:$0x7FF] =	sst s3;
	s9 =	smul.u32 $0x93000, s7  }
0x7: {  	s5 =	sadd.s32 $0x400, s6;
	_ =	strace $0x80000047;
	s7 =	ssub.s32 $0x2, s7  }
0x8: {  	s10 =	sshrl.u32 s7, $0x1;
	s8 =	sadd.s32 s2, s8;
	s9 =	sadd.s32 s9, s4  }
0x9: {  	s10 =	ssub.s32 s7, s10;
	s7 =	sadd.s32 $0xE0, s2;
	s8 =	sshrl.u32 s8, $0x3  }
0xa: {  	s31 =	sshrl.u32 s9, $0x3;
	s9 =	smax.u32 s10, $0x1;
	s8 =	sadd.s32 s8, s6  }
0xb: {  	vm0 =	vcmask $0x3F3C;
	s10 =	simm.s32 $0x1;
	s6 =	sadd.s32 s5, s31;
	s8 =	sadd.s32 $0x24C400, s8  }
.LBB2_1:
0xc: {  	[tilespmem:s3], [sflag:$0x1] =	stream.linear.gather [hbm4b:s6+s3], $0xA800, $0x38;
	[tilespmem:$0x15620] =	vst v63  }
0xd: {  	s15 =	simm.s32 $0x0;
	s16 =	simm.s32 $0x0  }
.LBB2_2:
0xe: {  	s17 =	smul.u32 $0xE0, s16;
	_ =	sdelay $0x1  }
0xf: {  	s18 =	sadd.s32 s2, s17  }
0x10: {  	s18 =	smul.u32 $0x180, s18;
	_ =	sdelay $0x1  }
0x11: {  	s18 =	sadd.s32 s4, s18  }
0x12: {  	_ =	swait.ge [sflag:s10], $0xA800;
	s18 =	sadd.s32 $0xA800, s18  }
0x13: {  	[sflag:s10] =	ssyncset.done $0x0;
	s18 =	sshrl.u32 s18, $0x3  }
0x14: {  	s30 =	simm.s32 $0x180;
	[sflag:s10] =	ssyncadd.s32 $0xFFFF5800;
	s18 =	sadd.s32 s5, s18  }
0x15: {  	[tilespmem:s11], [sflag:$0x1] =	stream.linear.gather [hbm4b:s18+s3], $0xA800, $0x38;
	[tilespmem:$0x15620] =	vst v63  }
0x16: {  	v0 =	vld [tilespmem:s30+$0xFFFFFEB0]  }
0x17: {  	v1 =	vld [tilespmem:s30+$0x40]  }
0x18: {  	v2 =	vld [tilespmem:s30+$0xFFFFFEE0]  }
0x19: {  	v3 =	vld [tilespmem:s30+$0x50]  }
0x1a: {  	v4 =	vld [tilespmem:s30+$0xFFFFFE80]  }
0x1b: {  	v5 =	vld [tilespmem:s30+$0xFFFFFED0];
	(xrf1) =	vsort.ascd.msk.f32 $0xffff, v0, v0  }
0x1c: {  	v0 =	vld [tilespmem:s30+$0x30];
	(xrf1) =	vsort.dscd.msk.f32 $0xffff, v1, v1  }
0x1d: {  	v1 =	vld [tilespmem:s30+$0xFFFFFE90];
	(xrf1) =	vsort.dscd.msk.f32 $0xffff, v2, v2  }
0x1e: {  	(xrf1) =	vsort.ascd.msk.f32 $0xffff, v3, v3  }
0x1f: {  	v2 =	vld [tilespmem:s30+$0xFFFFFEA0];
	(xrf1) =	vsort.dscd.msk.f32 $0xffff, v4, v4  }
0x20: {  	(xrf1) =	vsort.ascd.msk.f32 $0xffff, v5, v5  }
0x21: {  	v3 =	vld [tilespmem:s30+$0x10];
	(xrf1) =	vsort.ascd.msk.f32 $0xffff, v0, v0  }
0x22: {  	v4 =	vld [tilespmem:s30+$0xFFFFFEF0];
	(xrf1) =	vsort.ascd.msk.f32 $0xffff, v1, v1  }
0x23: {  	v5 =	vld [tilespmem:s30+$0x0]  }
0x24: {  	v0 =	vld [tilespmem:s30+$0x20];
	(xrf1) =	vsort.dscd.msk.f32 $0xffff, v2, v2  }
0x25: {  	v1 =	vld [tilespmem:s30+$0x60]  }
0x26: {  	(xrf1) =	vsort.ascd.msk.f32 $0xffff, v3, v3  }
0x27: {  	v2 =	vld [tilespmem:s30+$0x70];
	(xrf1) =	vsort.ascd.msk.f32 $0xffff, v4, v4  }
0x28: {  	v3 =	vld [tilespmem:s30+$0xFFFFFF00];
	(xrf1) =	vsort.dscd.msk.f32 $0xffff, v5, v5  }
0x29: {  	(xrf1) =	vsort.dscd.msk.f32 $0xffff, v0, v0;
	v0 =	vld [tilespmem:s30+$0xFFFFFF10];
	v4, _, _ =	vpop (xrf1)  }
0x2a: {  	(xrf1) =	vsort.dscd.msk.f32 $0xffff, v1, v1;
	v1 =	vld [tilespmem:s30+$0x80];
	v5, _, _ =	vpop (xrf1)  }
0x2b: {  	v7, _, _ =	vpop (xrf1)  }
0x2c: {  	(xrf1) =	vsort.ascd.msk.f32 $0xffff, v2, v2;
	v2 =	vld [tilespmem:s30+$0x90];
	v8, _, _ =	vpop (xrf1)  }
0x2d: {  	v6 =	vld [tilespmem:s30+$0xFFFFFF20];
	(xrf1) =	vsort.dscd.msk.f32 $0xffff, v3, v3;
	v9, _, _ =	vpop (xrf1)  }
0x2e: {  	v3 =	vld [tilespmem:s30+$0xFFFFFEC0];
	(xrf1) =	vsort.ascd.msk.f32 $0xffff, v0, v0;
	v10, _, _ =	vpop (xrf1)  }
0x2f: {  	(xrf1) =	vsort.dscd.msk.f32 $0xffff, v1, v1;
	v1, _, _ =	vpop (xrf1)  }
0x30: {  	v0, _, _ =	vpop (xrf1)  }
0x31: {  	(xrf1) =	vsort.ascd.msk.f32 $0xffff, v2, v2;
	v2 =	vmax.f32 v9, v0  }
0x32: {  	(xrf1) =	vsort.dscd.msk.f32 $0xffff, v6, v6;
	v6, _, _ =	vpop (xrf1)  }
0x33: {  	(xrf1) =	vsort.dscd.msk.f32 $0xffff, v3, v3;
	v3 =	vmax.f32 v6, v4  }
0x34: {  	(xrf1) =	vsort.dscd.msk.f32 $0xffff, v2, v2;
	v2, _, _ =	vpop (xrf1)  }
0x35: {  	v4 =	vmin.f32 v6, v4;
	(xrf1) =	vsort.ascd.msk.f32 $0xffff, v3, v3;
	v11, _, _ =	vpop (xrf1)  }
0x36: {  	v0 =	vmin.f32 v9, v0;
	(xrf1) =	vsort.ascd.msk.f32 $0xffff, v4, v4;
	v3, _, _ =	vpop (xrf1)  }
0x37: {  	v4 =	vld [tilespmem:s30+$0xFFFFFF30];
	(xrf1) =	vsort.dscd.msk.f32 $0xffff, v0, v0;
	v6 =	vmax.f32 v3, v2;
	v9, _, _ =	vpop (xrf1)  }
0x38: {  	v12 =	vmin.f32 v9, v1;
	(xrf1) =	vsort.dscd.msk.f32 $0xffff, v6, v6  }
0x39: {  	v13, _, _ =	vpop (xrf1);
	v1 =	vmax.f32 v9, v1;
	(xrf1) =	vsort.ascd.msk.f32 $0xffff, v12, v12  }
0x3a: {  	v0 =	vld [tilespmem:s30+$0xFFFFFFD0];
	v2 =	vmin.f32 v3, v2;
	v9, _, _ =	vpop (xrf1);
	(xrf1) =	vsort.ascd.msk.f32 $0xffff, v1, v1  }
0x3b: {  	v6 =	vld [tilespmem:s30+$0xA0];
	v14, _, _ =	vpop (xrf1);
	(xrf1) =	vsort.dscd.msk.f32 $0xffff, v2, v2  }
0x3c: {  	v1 =	vld [tilespmem:s30+$0xB0];
	(xrf1) =	vsort.ascd.msk.f32 $0xffff, v4, v4  }
0x3d: {  	v4, _, _ =	vpop (xrf1)  }
0x3e: {  	v15, _, _ =	vpop (xrf1)  }
0x3f: {  	v16, _, _ =	vpop (xrf1)  }
0x40: {  	v3, _, _ =	vpop (xrf1)  }
0x41: {  	v2 =	vld [tilespmem:s30+$0xFFFFFF40];
	(xrf1) =	vsort.dscd.msk.f32 $0xffff, v6, v6;
	v17, _, _ =	vpop (xrf1)  }
0x42: {  	v12 =	vld [tilespmem:s30+$0xFFFFFF50];
	(xrf1) =	vsort.ascd.msk.f32 $0xffff, v1, v1;
	v1 =	vmax.f32 v17, v10  }
0x43: {  	v6 =	vld [tilespmem:s30+$0xC0];
	v18, _, _ =	vpop (xrf1)  }
0x44: {  	v19, _, _ =	vpop (xrf1)  }
0x45: {  	(xrf1) =	vsort.ascd.msk.f32 $0xffff, v1, v1;
	v1, _, _ =	vpop (xrf1)  }
0x46: {  	(xrf1) =	vsort.dscd.msk.f32 $0xffff, v2, v2;
	v2 =	vmin.f32 v17, v10;
	v10, _, _ =	vpop (xrf1)  }
0x47: {  	(xrf1) =	vsort.ascd.msk.f32 $0xffff, v12, v12;
	v1 =	vmax.f32 v18, v1;
	v10 =	vmax.f32 v10, v19  }
0x48: {  	(xrf1) =	vsort.dscd.msk.f32 $0xffff, v6, v6;
	v6 =	vmax.f32 v1, v10  }
0x49: {  	v12, _, _ =	vpop (xrf1);
	v1 =	vmin.f32 v1, v10  }
0x4a: {  	(xrf1) =	vsort.ascd.msk.f32 $0xffff, v2, v2;
	v2, _, _ =	vpop (xrf1)  }
0x4b: {  	(xrf1) =	vsort.dscd.msk.f32 $0xffff, v6, v6;
	v6, _, _ =	vpop (xrf1)  }
0x4c: {  	v10 =	vmax.f32 v5, v8;
	(xrf1) =	vsort.dscd.msk.f32 $0xffff, v1, v1;
	v1, _, _ =	vpop (xrf1)  }
0x4d: {  	v5 =	vmin.f32 v5, v8;
	v2 =	vmax.f32 v12, v2;
	v1 =	vmax.f32 v1, v6  }
0x4e: {  	(xrf1) =	vsort.ascd.msk.f32 $0xffff, v5, v5;
	v5 =	vmin.f32 v2, v1  }
0x4f: {  	(xrf1) =	vsort.ascd.msk.f32 $0xffff, v10, v10  }
0x50: {  	v1 =	vmax.f32 v2, v1;
	(xrf1) =	vsort.dscd.msk.f32 $0xffff, v5, v5  }
0x51: {  	(xrf1) =	vsort.dscd.msk.f32 $0xffff, v1, v1;
	v1 =	vld [tilespmem:s30+$0xD0];
	v5, _, _ =	vpop (xrf1)  }
0x52: {  	v17, _, _ =	vpop (xrf1)  }
0x53: {  	v10 =	vld [tilespmem:s30+$0xE0];
	v18, _, _ =	vpop (xrf1)  }
0x54: {  	v12 =	vld [tilespmem:s30+$0xF0];
	v2 =	vmin.f32 v7, v11;
	v19, _, _ =	vpop (xrf1)  }
0x55: {  	v6, _, _ =	vpop (xrf1)  }
0x56: {  	(xrf1) =	vsort.ascd.msk.f32 $0xffff, v1, v1;
	v8, _, _ =	vpop (xrf1)  }
0x57: {  	v7 =	vmax.f32 v7, v11;
	v1 =	vld [tilespmem:s30+$0x100];
	(xrf1) =	vsort.ascd.msk.f32 $0xffff, v2, v2;
	v2, _, _ =	vpop (xrf1)  }
0x58: {  	v20 =	vld [tilespmem:s30+$0x110];
	(xrf1) =	vsort.dscd.msk.f32 $0xffff, v10, v10;
	v10, _, _ =	vpop (xrf1)  }
0x59: {  	(xrf1) =	vsort.ascd.msk.f32 $0xffff, v12, v12;
	v11, _, _ =	vpop (xrf1)  }
0x5a: {  	(xrf1) =	vsort.ascd.msk.f32 $0xffff, v7, v7;
	v7, _, _ =	vpop (xrf1)  }
0x5b: {  	v10 =	vmax.f32 v11, v10;
	v7 =	vmax.f32 v7, v19  }
0x5c: {  	(xrf1) =	vsort.dscd.msk.f32 $0xffff, v1, v1;
	v1 =	vmin.f32 v10, v7  }
0x5d: {  	v11, _, _ =	vpop (xrf1);
	(xrf1) =	vsort.ascd.msk.f32 $0xffff, v20, v20;
	v7 =	vmax.f32 v10, v7  }
0x5e: {  	v12, _, _ =	vpop (xrf1);
	(xrf1) =	vsort.dscd.msk.f32 $0xffff, v1, v1  }
0x5f: {  	(xrf1) =	vsort.dscd.msk.f32 $0xffff, v7, v7;
	v1, _, _ =	vpop (xrf1)  }
0x60: {  	v10 =	vmax.f32 v13, v9;
	v9 =	vmin.f32 v13, v9;
	v7, _, _ =	vpop (xrf1)  }
0x61: {  	(xrf1) =	vsort.ascd.msk.f32 $0xffff, v10, v10;
	v1 =	vmax.f32 v1, v12;
	v7 =	vmax.f32 v7, v11  }
0x62: {  	(xrf1) =	vsort.ascd.msk.f32 $0xffff, v9, v9;
	v10 =	vmin.f32 v7, v1;
	v1 =	vmax.f32 v7, v1;
	v7 =	vld [tilespmem:s30+$0x120]  }
0x63: {  	v9 =	vld [tilespmem:s30+$0x130];
	(xrf1) =	vsort.dscd.msk.f32 $0xffff, v10, v10  }
0x64: {  	v10 =	vld [tilespmem:s30+$0x150];
	(xrf1) =	vsort.dscd.msk.f32 $0xffff, v1, v1  }
0x65: {  	v13, _, _ =	vpop (xrf1)  }
0x66: {  	v11 =	vld [tilespmem:s30+$0xFFFFFF60];
	v19, _, _ =	vpop (xrf1)  }
0x67: {  	v1, _, _ =	vpop (xrf1);
	(xrf1) =	vsort.dscd.msk.f32 $0xffff, v7, v7  }
0x68: {  	v20 =	vld [tilespmem:s30+$0xFFFFFF70];
	v12, _, _ =	vpop (xrf1);
	(xrf1) =	vsort.ascd.msk.f32 $0xffff, v9, v9  }
0x69: {  	v7 =	vld [tilespmem:s30+$0x140];
	v9, _, _ =	vpop (xrf1);
	(xrf1) =	vsort.ascd.msk.f32 $0xffff, v10, v10;
	v10 =	vmin.f32 v14, v4  }
0x6a: {  	v21, _, _ =	vpop (xrf1)  }
0x6b: {  	(xrf1) =	vsort.dscd.msk.f32 $0xffff, v11, v11;
	v22, _, _ =	vpop (xrf1)  }
0x6c: {  	(xrf1) =	vsort.ascd.msk.f32 $0xffff, v10, v10;
	v10, _, _ =	vpop (xrf1)  }
0x6d: {  	v4 =	vmax.f32 v14, v4;
	(xrf1) =	vsort.ascd.msk.f32 $0xffff, v20, v20;
	v11, _, _ =	vpop (xrf1)  }
0x6e: {  	(xrf1) =	vsort.dscd.msk.f32 $0xffff, v7, v7;
	v7 =	vmax.f32 v10, v9;
	v9 =	vmax.f32 v11, v19  }
0x6f: {  	v10, _, _ =	vpop (xrf1);
	(xrf1) =	vsort.ascd.msk.f32 $0xffff, v4, v4;
	v11 =	vmin.f32 v9, v7;
	v7 =	vmax.f32 v9, v7  }
0x70: {  	v4, _, _ =	vpop (xrf1);
	(xrf1) =	vsort.dscd.msk.f32 $0xffff, v11, v11  }
0x71: {  	v9, _, _ =	vpop (xrf1);
	(xrf1) =	vsort.dscd.msk.f32 $0xffff, v7, v7  }
0x72: {  	v14 =	vmax.f32 v15, v16;
	v11 =	vmin.f32 v15, v16;
	v7, _, _ =	vpop (xrf1)  }
0x73: {  	v9 =	vmax.f32 v9, v10;
	(xrf1) =	vsort.ascd.msk.f32 $0xffff, v14, v14;
	v4 =	vmax.f32 v7, v4  }
0x74: {  	(xrf1) =	vsort.ascd.msk.f32 $0xffff, v11, v11;
	v7 =	vmax.f32 v4, v9  }
0x75: {  	v4 =	vmin.f32 v4, v9;
	(xrf1) =	vsort.dscd.msk.f32 $0xffff, v7, v7;
	v7 =	vld [tilespmem:s30+$0xFFFFFF80]  }
0x76: {  	v10, _, _ =	vpop (xrf1);
	(xrf1) =	vsort.dscd.msk.f32 $0xffff, v4, v4;
	v4 =	vld [tilespmem:s30+$0xFFFFFF90]  }
0x77: {  	v9 =	vld [tilespmem:s30+$0x160];
	v11, _, _ =	vpop (xrf1)  }
0x78: {  	v14 =	vld [tilespmem:s30+$0xFFFFFFA0];
	v20, _, _ =	vpop (xrf1)  }
0x79: {  	v15 =	vld [tilespmem:s30+$0x170];
	v23, _, _ =	vpop (xrf1)  }
0x7a: {  	v16, _, _ =	vpop (xrf1);
	(xrf1) =	vsort.dscd.msk.f32 $0xffff, v7, v7  }
0x7b: {  	v24, _, _ =	vpop (xrf1);
	(xrf1) =	vsort.ascd.msk.f32 $0xffff, v4, v4  }
0x7c: {  	v25, _, _ =	vpop (xrf1);
	(xrf1) =	vsort.dscd.msk.f32 $0xffff, v9, v9  }
0x7d: {  	v4, _, _ =	vpop (xrf1);
	(xrf1) =	vsort.dscd.msk.f32 $0xffff, v14, v14  }
0x7e: {  	(xrf1) =	vsort.ascd.msk.f32 $0xffff, v15, v15;
	v7, _, _ =	vpop (xrf1)  }
0x7f: {  	v9 =	vmax.f32 v3, v5;
	v3 =	vmin.f32 v3, v5;
	(xrf1) =	vsort.ascd.msk.f32 $0xffff, v0, v0;
	v0, _, _ =	vpop (xrf1)  }
0x80: {  	(xrf1) =	vsort.ascd.msk.f32 $0xffff, v3, v3;
	v3 =	vmax.f32 v7, v4;
	v0 =	vmax.f32 v0, v16  }
0x81: {  	v5 =	vmax.f32 v0, v3;
	(xrf1) =	vsort.ascd.msk.f32 $0xffff, v9, v9  }
0x82: {  	v4, _, _ =	vpop (xrf1);
	v0 =	vmin.f32 v0, v3;
	(xrf1) =	vsort.dscd.msk.f32 $0xffff, v5, v5  }
0x83: {  	v7, _, _ =	vpop (xrf1);
	(xrf1) =	vsort.dscd.msk.f32 $0xffff, v0, v0  }
0x84: {  	v3, _, _ =	vpop (xrf1)  }
0x85: {  	v14 =	vld [tilespmem:s30+$0xFFFFFFE0];
	v9 =	vmax.f32 v17, v18;
	v5 =	vmin.f32 v17, v18;
	v0, _, _ =	vpop (xrf1)  }
0x86: {  	v3 =	vmax.f32 v3, v7;
	v7 =	vld [tilespmem:s30+$0xFFFFFFF0];
	(xrf1) =	vsort.ascd.msk.f32 $0xffff, v9, v9;
	v0 =	vmax.f32 v0, v4  }
0x87: {  	(xrf1) =	vsort.ascd.msk.f32 $0xffff, v5, v5;
	v4 =	vmax.f32 v3, v0  }
0x88: {  	v0 =	vmin.f32 v3, v0;
	(xrf1) =	vsort.dscd.msk.f32 $0xffff, v4, v4;
	v15, _, _ =	vpop (xrf1)  }
0x89: {  	(xrf1) =	vsort.dscd.msk.f32 $0xffff, v0, v0;
	v16, _, _ =	vpop (xrf1)  }
0x8a: {  	v0 =	vld [tilespmem:s30+$0xFFFFFFC0];
	(xrf1) =	vsort.dscd.msk.f32 $0xffff, v14, v14;
	v18, _, _ =	vpop (xrf1)  }
0x8b: {  	(xrf1) =	vsort.ascd.msk.f32 $0xffff, v7, v7;
	v9, _, _ =	vpop (xrf1)  }
0x8c: {  	v4 =	vld [tilespmem:s30+$0xFFFFFFB0];
	v19, _, _ =	vpop (xrf1)  }
0x8d: {  	v7 =	vmax.f32 v2, v13;
	v3, _, _ =	vpop (xrf1)  }
0x8e: {  	v5, _, _ =	vpop (xrf1)  }
0x8f: {  	(xrf1) =	vsort.dscd.msk.f32 $0xffff, v0, v0;
	v0, _, _ =	vpop (xrf1)  }
0x90: {  	(xrf1) =	vsort.ascd.msk.f32 $0xffff, v7, v7;
	v7, _, _ =	vpop (xrf1)  }
0x91: {  	(xrf1) =	vsort.ascd.msk.f32 $0xffff, v4, v4;
	v4, _, _ =	vpop (xrf1)  }
0x92: {  	v26 =	vmax.f32 v7, v5;
	v27 =	vmax.f32 v4, v0  }
0x93: {  	v14 =	vmin.f32 v10, v11;
	v4 =	vmin.f32 v26, v27  }
0x94: {  	v17 =	vmax.f32 v18, v19;
	(xrf1) =	vsort.ascd.msk.f32 $0xffff, v14, v14;
	v0, _, _ =	vpop (xrf1)  }
0x95: {  	(xrf1) =	vsort.ascd.msk.f32 $0xffff, v17, v17;
	v5, _, _ =	vpop (xrf1)  }
0x96: {  	v2 =	vmin.f32 v2, v13;
	v7 =	vmin.f32 v25, v20;
	(xrf1) =	vsort.dscd.msk.f32 $0xffff, v4, v4;
	v4, _, _ =	vpop (xrf1)  }
0x97: {  	v13 =	vmax.f32 v21, v22;
	(xrf1) =	vsort.ascd.msk.f32 $0xffff, v7, v7;
	v14, _, _ =	vpop (xrf1)  }
0x98: {  	(xrf1) =	vsort.ascd.msk.f32 $0xffff, v2, v2;
	v4 =	vmax.f32 v4, v5;
	v5 =	vmax.f32 v14, v0;
	v0, _, _ =	vpop (xrf1)  }
0x99: {  	(xrf1) =	vsort.ascd.msk.f32 $0xffff, v13, v13;
	v7 =	vmax.f32 v4, v5;
	v2, _, _ =	vpop (xrf1)  }
0x9a: {  	v13 =	vmax.f32 v0, v2;
	(xrf1) =	vsort.dscd.msk.f32 $0xffff, v7, v7  }
0x9b: {  	v4 =	vmin.f32 v4, v5;
	(xrf1) =	vsort.ascd.msk.f32 $0xffff, v13, v13  }
0x9c: {  	(xrf1) =	vsort.dscd.msk.f32 $0xffff, v4, v4;
	_ =	sdelay $0x1  }
0x9d: {  	v7, _, _ =	vpop (xrf1)  }
0x9e: {  	v4 =	vmin.f32 v7, v3  }
0x9f: {  	v17, _, _ =	vpop (xrf1);
	(xrf1) =	vsort.ascd.msk.f32 $0xffff, v4, v4;
	v4 =	vmax.f32 v15, v16  }
0xa0: {  	v5 =	vmin.f32 v21, v22;
	v14, _, _ =	vpop (xrf1)  }
0xa1: {  	(xrf1) =	vsort.ascd.msk.f32 $0xffff, v5, v5;
	v13, _, _ =	vpop (xrf1);
	v5 =	vmin.f32 v9, v14  }
0xa2: {  	(xrf1) =	vsort.ascd.msk.f32 $0xffff, v4, v4;
	v4, _, _ =	vpop (xrf1)  }
0xa3: {  	v20 =	vmax.f32 v25, v20;
	v21 =	vmin.f32 v1, v12;
	(xrf1) =	vsort.ascd.msk.f32 $0xffff, v5, v5;
	v22, _, _ =	vpop (xrf1)  }
0xa4: {  	(xrf1) =	vsort.ascd.msk.f32 $0xffff, v20, v20;
	v5, _, _ =	vpop (xrf1)  }
0xa5: {  	v20 =	vmax.f32 v6, v8;
	(xrf1) =	vsort.ascd.msk.f32 $0xffff, v21, v21;
	v56, _, _ =	vpop (xrf1)  }
0xa6: {  	v28 =	vmin.f32 v23, v24;
	(xrf1) =	vsort.ascd.msk.f32 $0xffff, v20, v20;
	v21, _, _ =	vpop (xrf1)  }
0xa7: {  	v20 =	vmax.f32 v26, v27;
	(xrf1) =	vsort.ascd.msk.f32 $0xffff, v28, v28;
	v57, _, _ =	vpop (xrf1)  }
0xa8: {  	s31 =	simm.s32 $0x480;
	v12 =	vmax.f32 v1, v12;
	(xrf1) =	vsort.dscd.msk.f32 $0xffff, v20, v20;
	v1, _, _ =	vpop (xrf1)  }
0xa9: {  	v6 =	vmin.f32 v6, v8;
	v8 =	vmax.f32 v23, v24;
	v20 =	vld [tilespmem:s31+$0xFFFFFEB0];
	(xrf1) =	vsort.ascd.msk.f32 $0xffff, v12, v12;
	v23, _, _ =	vpop (xrf1)  }
0xaa: {  	v12 =	vld [tilespmem:s31+$0x40];
	(xrf1) =	vsort.ascd.msk.f32 $0xffff, v6, v6;
	v58 =	vmax.f32 v57, v56;
	v17 =	vmax.f32 v23, v17  }
0xab: {  	(xrf1) =	vsort.ascd.msk.f32 $0xffff, v8, v8;
	v23 =	vld [tilespmem:s31+$0xFFFFFEE0];
	v6 =	vmax.f32 v58, v17  }
0xac: {  	v8 =	vld [tilespmem:s31+$0x50];
	v17 =	vmin.f32 v58, v17;
	(xrf1) =	vsort.dscd.msk.f32 $0xffff, v6, v6  }
0xad: {  	v59 =	vld [tilespmem:s31+$0xFFFFFE80];
	(xrf1) =	vsort.dscd.msk.f32 $0xffff, v17, v17  }
0xae: {  	v60 =	vld [tilespmem:s31+$0xFFFFFED0];
	v6, _, _ =	vpop (xrf1);
	(xrf1) =	vsort.ascd.msk.f32 $0xffff, v20, v20  }
0xaf: {  	v20 =	vld [tilespmem:s31+$0x30];
	v24, _, _ =	vpop (xrf1);
	(xrf1) =	vsort.dscd.msk.f32 $0xffff, v12, v12  }
0xb0: {  	v61 =	vld [tilespmem:s31+$0xFFFFFE90];
	v17, _, _ =	vpop (xrf1);
	(xrf1) =	vsort.dscd.msk.f32 $0xffff, v23, v23  }
0xb1: {  	v12, _, _ =	vpop (xrf1);
	(xrf1) =	vsort.ascd.msk.f32 $0xffff, v8, v8  }
0xb2: {  	v23 =	vld [tilespmem:s31+$0xFFFFFEA0];
	v8, _, _ =	vpop (xrf1);
	(xrf1) =	vsort.dscd.msk.f32 $0xffff, v59, v59  }
0xb3: {  	v62 =	vld [tilespmem:s31+$0x10];
	v63, _, _ =	vpop (xrf1);
	(xrf1) =	vsort.ascd.msk.f32 $0xffff, v60, v60  }
0xb4: {  	v29 =	vld [tilespmem:s31+$0xFFFFFEF0];
	v42, _, _ =	vpop (xrf1);
	(xrf1) =	vsort.ascd.msk.f32 $0xffff, v20, v20  }
0xb5: {  	v30 =	vld [tilespmem:s31+$0x0];
	v20, _, _ =	vpop (xrf1);
	(xrf1) =	vsort.ascd.msk.f32 $0xffff, v61, v61  }
0xb6: {  	v31 =	vld [tilespmem:s31+$0x20];
	v43, _, _ =	vpop (xrf1)  }
0xb7: {  	v32 =	vld [tilespmem:s31+$0x60];
	(xrf1) =	vsort.dscd.msk.f32 $0xffff, v23, v23;
	v44, _, _ =	vpop (xrf1)  }
0xb8: {  	v23 =	vld [tilespmem:s31+$0x70];
	(xrf1) =	vsort.ascd.msk.f32 $0xffff, v62, v62;
	v45, _, _ =	vpop (xrf1)  }
0xb9: {  	(xrf1) =	vsort.ascd.msk.f32 $0xffff, v29, v29;
	v46, _, _ =	vpop (xrf1)  }
0xba: {  	(xrf1) =	vsort.dscd.msk.f32 $0xffff, v30, v30;
	v47, _, _ =	vpop (xrf1)  }
0xbb: {  	v33 =	vld [tilespmem:s31+$0xFFFFFF00];
	(xrf1) =	vsort.dscd.msk.f32 $0xffff, v31, v31;
	v49, _, _ =	vpop (xrf1)  }
0xbc: {  	v48 =	vld [tilespmem:s31+$0xFFFFFF10];
	v22 =	vmax.f32 v22, v42;
	v27 =	vmax.f32 v43, v45;
	(xrf1) =	vsort.dscd.msk.f32 $0xffff, v32, v32;
	v34, _, _ =	vpop (xrf1)  }
0xbd: {  	v50 =	vld [tilespmem:s31+$0x80];
	(xrf1) =	vsort.ascd.msk.f32 $0xffff, v23, v23;
	v23 =	vmax.f32 v27, v22;
	v36, _, _ =	vpop (xrf1)  }
0xbe: {  	v35 =	vld [tilespmem:s31+$0x90];
	v22 =	vmin.f32 v27, v22;
	(xrf1) =	vsort.dscd.msk.f32 $0xffff, v23, v23;
	v37, _, _ =	vpop (xrf1)  }
0xbf: {  	v23 =	vld [tilespmem:s31+$0xFFFFFF20];
	(xrf1) =	vsort.dscd.msk.f32 $0xffff, v22, v22;
	v51, _, _ =	vpop (xrf1)  }
0xc0: {  	v22 =	vld [tilespmem:s31+$0xFFFFFEC0];
	(xrf1) =	vsort.dscd.msk.f32 $0xffff, v33, v33;
	v52, _, _ =	vpop (xrf1)  }
0xc1: {  	(xrf1) =	vsort.ascd.msk.f32 $0xffff, v48, v48;
	v53, _, _ =	vpop (xrf1)  }
0xc2: {  	(xrf1) =	vsort.dscd.msk.f32 $0xffff, v50, v50;
	v54, _, _ =	vpop (xrf1)  }
0xc3: {  	(xrf1) =	vsort.ascd.msk.f32 $0xffff, v35, v35;
	v55, _, _ =	vpop (xrf1)  }
0xc4: {  	(xrf1) =	vsort.dscd.msk.f32 $0xffff, v23, v23;
	v23 =	vmax.f32 v52, v55  }
0xc5: {  	v38, _, _ =	vpop (xrf1);
	(xrf1) =	vsort.dscd.msk.f32 $0xffff, v22, v22  }
0xc6: {  	v22 =	vmax.f32 v38, v34;
	(xrf1) =	vsort.dscd.msk.f32 $0xffff, v23, v23  }
0xc7: {  	v23, _, _ =	vpop (xrf1);
	(xrf1) =	vsort.ascd.msk.f32 $0xffff, v22, v22;
	v22 =	vmin.f32 v52, v55  }
0xc8: {  	v34 =	vmin.f32 v38, v34;
	v56, _, _ =	vpop (xrf1)  }
0xc9: {  	(xrf1) =	vsort.ascd.msk.f32 $0xffff, v34, v34;
	v57, _, _ =	vpop (xrf1)  }
0xca: {  	(xrf1) =	vsort.dscd.msk.f32 $0xffff, v22, v22;
	v22, _, _ =	vpop (xrf1)  }
0xcb: {  	v59 =	vmax.f32 v57, v23;
	v39 =	vmin.f32 v22, v54;
	v22 =	vmax.f32 v22, v54  }
0xcc: {  	v58 =	vld [tilespmem:s31+$0xFFFFFF30];
	v23 =	vmin.f32 v57, v23;
	(xrf1) =	vsort.dscd.msk.f32 $0xffff, v59, v59;
	v35, _, _ =	vpop (xrf1)  }
0xcd: {  	v40 =	vld [tilespmem:s31+$0xA0];
	(xrf1) =	vsort.ascd.msk.f32 $0xffff, v39, v39;
	v32, _, _ =	vpop (xrf1)  }
0xce: {  	(xrf1) =	vsort.ascd.msk.f32 $0xffff, v22, v22;
	v22, _, _ =	vpop (xrf1)  }
0xcf: {  	v25 =	vmax.f32 v47, v63;
	(xrf1) =	vsort.dscd.msk.f32 $0xffff, v23, v23;
	v23, _, _ =	vpop (xrf1)  }
0xd0: {  	v60 =	vld [tilespmem:s31+$0xB0];
	v26 =	vmax.f32 v49, v44;
	v27, _, _ =	vpop (xrf1)  }
0xd1: {  	(xrf1) =	vsort.ascd.msk.f32 $0xffff, v58, v58;
	v28, _, _ =	vpop (xrf1)  }
0xd2: {  	v31 =	vmax.f32 v25, v26;
	v61 =	vmin.f32 v25, v26;
	(xrf1) =	vsort.dscd.msk.f32 $0xffff, v40, v40;
	v25, _, _ =	vpop (xrf1)  }
0xd3: {  	(xrf1) =	vsort.dscd.msk.f32 $0xffff, v31, v31;
	v26, _, _ =	vpop (xrf1)  }
0xd4: {  	v63 =	vmax.f32 v22, v20;
	v30 =	vmax.f32 v23, v46;
	(xrf1) =	vsort.dscd.msk.f32 $0xffff, v61, v61;
	v20, _, _ =	vpop (xrf1)  }
0xd5: {  	v18 =	vmin.f32 v18, v19;
	v62 =	vld [tilespmem:s31+$0xFFFFFF40];
	v23 =	vmax.f32 v63, v30;
	(xrf1) =	vsort.ascd.msk.f32 $0xffff, v60, v60;
	v43, _, _ =	vpop (xrf1)  }
0xd6: {  	v22 =	vld [tilespmem:s31+$0xFFFFFF50];
	(xrf1) =	vsort.dscd.msk.f32 $0xffff, v23, v23;
	v23 =	vmax.f32 v43, v53;
	_ =	sdelay $0x1  }
0xd7: {  	v19 =	vld [tilespmem:s31+$0xC0];
	(xrf1) =	vsort.ascd.msk.f32 $0xffff, v18, v18;
	v18, _, _ =	vpop (xrf1)  }
0xd8: {  	(xrf1) =	vsort.ascd.msk.f32 $0xffff, v23, v23;
	v23, _, _ =	vpop (xrf1)  }
0xd9: {  	(xrf1) =	vsort.dscd.msk.f32 $0xffff, v62, v62;
	v44, _, _ =	vpop (xrf1)  }
0xda: {  	(xrf1) =	vsort.ascd.msk.f32 $0xffff, v22, v22;
	v22, _, _ =	vpop (xrf1)  }
0xdb: {  	v18 =	vmax.f32 v18, v44;
	v22 =	vmax.f32 v22, v23  }
0xdc: {  	(xrf1) =	vsort.dscd.msk.f32 $0xffff, v19, v19;
	v19 =	vmax.f32 v18, v22  }
0xdd: {  	v29 =	vmin.f32 v43, v53;
	v23, _, _ =	vpop (xrf1);
	v18 =	vmin.f32 v18, v22  }
0xde: {  	(xrf1) =	vsort.ascd.msk.f32 $0xffff, v29, v29;
	v45, _, _ =	vpop (xrf1)  }
0xdf: {  	(xrf1) =	vsort.dscd.msk.f32 $0xffff, v19, v19;
	v19, _, _ =	vpop (xrf1)  }
0xe0: {  	v46 =	vmin.f32 v36, v51;
	(xrf1) =	vsort.dscd.msk.f32 $0xffff, v18, v18;
	v18, _, _ =	vpop (xrf1)  }
0xe1: {  	v47 =	vld [tilespmem:s31+$0xD0];
	v22 =	vmax.f32 v36, v51;
	v29 =	vmax.f32 v23, v45;
	v18 =	vmax.f32 v18, v19  }
0xe2: {  	(xrf1) =	vsort.ascd.msk.f32 $0xffff, v46, v46;
	v23, _, _ =	vpop (xrf1);
	v48 =	vmin.f32 v29, v18;
	v18 =	vmax.f32 v29, v18  }
0xe3: {  	(xrf1) =	vsort.ascd.msk.f32 $0xffff, v22, v22;
	v19, _, _ =	vpop (xrf1)  }
0xe4: {  	(xrf1) =	vsort.dscd.msk.f32 $0xffff, v48, v48;
	v49, _, _ =	vpop (xrf1)  }
0xe5: {  	v10 =	vmax.f32 v10, v11;
	(xrf1) =	vsort.dscd.msk.f32 $0xffff, v18, v18;
	v18, _, _ =	vpop (xrf1)  }
0xe6: {  	v50 =	vld [tilespmem:s31+$0xE0];
	(xrf1) =	vsort.ascd.msk.f32 $0xffff, v47, v47;
	v22, _, _ =	vpop (xrf1)  }
0xe7: {  	v11 =	vmin.f32 v15, v16;
	v16 =	vld [tilespmem:s31+$0xF0];
	v15 =	vmin.f32 v37, v56;
	(xrf1) =	vsort.ascd.msk.f32 $0xffff, v10, v10;
	v51, _, _ =	vpop (xrf1)  }
0xe8: {  	v24 =	vmax.f32 v49, v24;
	v18 =	vmax.f32 v18, v21;
	(xrf1) =	vsort.ascd.msk.f32 $0xffff, v11, v11;
	v10, _, _ =	vpop (xrf1)  }
0xe9: {  	v21 =	vmax.f32 v24, v18;
	v52, _, _ =	vpop (xrf1);
	(xrf1) =	vsort.ascd.msk.f32 $0xffff, v15, v15  }
0xea: {  	v11, _, _ =	vpop (xrf1);
	(xrf1) =	vsort.dscd.msk.f32 $0xffff, v21, v21  }
0xeb: {  	(xrf1) =	vsort.dscd.msk.f32 $0xffff, v50, v50;
	v15, _, _ =	vpop (xrf1)  }
0xec: {  	v21 =	vld [tilespmem:s31+$0x100];
	(xrf1) =	vsort.ascd.msk.f32 $0xffff, v16, v16;
	v16, _, _ =	vpop (xrf1)  }
0xed: {  	v30 =	vmin.f32 v63, v30;
	v55, _, _ =	vpop (xrf1)  }
0xee: {  	v54 =	vmax.f32 v37, v56;
	v53 =	vld [tilespmem:s31+$0x110];
	(xrf1) =	vsort.dscd.msk.f32 $0xffff, v30, v30;
	v56, _, _ =	vpop (xrf1)  }
0xef: {  	v18 =	vmin.f32 v24, v18;
	(xrf1) =	vsort.ascd.msk.f32 $0xffff, v54, v54;
	v57, _, _ =	vpop (xrf1)  }
0xf0: {  	(xrf1) =	vsort.dscd.msk.f32 $0xffff, v18, v18;
	v18 =	vmax.f32 v56, v55;
	v24 =	vmax.f32 v57, v52  }
0xf1: {  	(xrf1) =	vsort.dscd.msk.f32 $0xffff, v21, v21;
	v21 =	vmin.f32 v18, v24  }
0xf2: {  	v58, _, _ =	vpop (xrf1);
	v18 =	vmax.f32 v18, v24  }
0xf3: {  	v59, _, _ =	vpop (xrf1);
	(xrf1) =	vsort.ascd.msk.f32 $0xffff, v53, v53  }
0xf4: {  	(xrf1) =	vsort.dscd.msk.f32 $0xffff, v21, v21;
	v21, _, _ =	vpop (xrf1)  }
0xf5: {  	v61 =	vmin.f32 v35, v32;
	(xrf1) =	vsort.dscd.msk.f32 $0xffff, v18, v18;
	v18, _, _ =	vpop (xrf1)  }
0xf6: {  	v60 =	vmax.f32 v35, v32;
	v62 =	vld [tilespmem:s31+$0x120];
	v21 =	vmax.f32 v21, v59;
	v29 =	vmax.f32 v18, v58;
	v18, _, _ =	vpop (xrf1)  }
0xf7: {  	v63 =	vld [tilespmem:s31+$0x130];
	(xrf1) =	vsort.ascd.msk.f32 $0xffff, v60, v60;
	v39 =	vmin.f32 v29, v21;
	v40, _, _ =	vpop (xrf1);
	v21 =	vmax.f32 v29, v21  }
0xf8: {  	(xrf1) =	vsort.ascd.msk.f32 $0xffff, v61, v61;
	v42, _, _ =	vpop (xrf1)  }
0xf9: {  	v41 =	vld [tilespmem:s31+$0x150];
	(xrf1) =	vsort.dscd.msk.f32 $0xffff, v39, v39;
	v44, _, _ =	vpop (xrf1)  }
0xfa: {  	v43 =	vld [tilespmem:s31+$0xFFFFFF60];
	(xrf1) =	vsort.dscd.msk.f32 $0xffff, v21, v21;
	v21, _, _ =	vpop (xrf1)  }
0xfb: {  	v45 =	vmax.f32 v9, v14;
	(xrf1) =	vsort.dscd.msk.f32 $0xffff, v62, v62;
	v9, _, _ =	vpop (xrf1)  }
0xfc: {  	v46 =	vld [tilespmem:s31+$0xFFFFFF70];
	(xrf1) =	vsort.ascd.msk.f32 $0xffff, v63, v63;
	v14, _, _ =	vpop (xrf1)  }
0xfd: {  	(xrf1) =	vsort.ascd.msk.f32 $0xffff, v45, v45;
	v48, _, _ =	vpop (xrf1)  }
0xfe: {  	v47 =	vld [tilespmem:s31+$0x140];
	(xrf1) =	vsort.ascd.msk.f32 $0xffff, v41, v41;
	v50, _, _ =	vpop (xrf1)  }
0xff: {  	v49 =	vmin.f32 v27, v28;
	v24 =	vmax.f32 v51, v42;
	(xrf1) =	vsort.dscd.msk.f32 $0xffff, v43, v43;
	v51, _, _ =	vpop (xrf1)  }
0x100: {  	v29 =	vmax.f32 v48, v17;
	(xrf1) =	vsort.ascd.msk.f32 $0xffff, v49, v49;
	v17, _, _ =	vpop (xrf1)  }
0x101: {  	v52 =	vmax.f32 v21, v13;
	v33 =	vmax.f32 v24, v29;
	(xrf1) =	vsort.ascd.msk.f32 $0xffff, v46, v46;
	v13, _, _ =	vpop (xrf1)  }
0x102: {  	v27 =	vmax.f32 v27, v28;
	v31 =	vmax.f32 v51, v40;
	(xrf1) =	vsort.dscd.msk.f32 $0xffff, v33, v33;
	v53, _, _ =	vpop (xrf1)  }
0x103: {  	v24 =	vmin.f32 v24, v29;
	v21 =	vmax.f32 v52, v31;
	(xrf1) =	vsort.dscd.msk.f32 $0xffff, v47, v47;
	v54, _, _ =	vpop (xrf1)  }
0x104: {  	(xrf1) =	vsort.dscd.msk.f32 $0xffff, v21, v21;
	v21 =	vmax.f32 v53, v50;
	v28 =	vmax.f32 v54, v44  }
0x105: {  	v55, _, _ =	vpop (xrf1);
	(xrf1) =	vsort.dscd.msk.f32 $0xffff, v24, v24;
	v56 =	vmin.f32 v28, v21;
	v21 =	vmax.f32 v28, v21  }
0x106: {  	(xrf1) =	vsort.ascd.msk.f32 $0xffff, v27, v27;
	v57, _, _ =	vpop (xrf1)  }
0x107: {  	(xrf1) =	vsort.dscd.msk.f32 $0xffff, v56, v56;
	v58, _, _ =	vpop (xrf1)  }
0x108: {  	v59 =	vmin.f32 v25, v26;
	v25 =	vmax.f32 v25, v26;
	(xrf1) =	vsort.dscd.msk.f32 $0xffff, v21, v21;
	v21, _, _ =	vpop (xrf1)  }
0x109: {  	v24 =	vmax.f32 v58, v55;
	v61 =	vmax.f32 v21, v57  }
0x10a: {  	(xrf1) =	vsort.ascd.msk.f32 $0xffff, v25, v25;
	v21, _, _ =	vpop (xrf1);
	v27 =	vmax.f32 v61, v24;
	v24 =	vmin.f32 v61, v24  }
0x10b: {  	v60 =	vld [tilespmem:s31+$0xFFFFFF80];
	(xrf1) =	vsort.ascd.msk.f32 $0xffff, v59, v59;
	v25, _, _ =	vpop (xrf1)  }
0x10c: {  	v62 =	vld [tilespmem:s31+$0xFFFFFF90];
	(xrf1) =	vsort.dscd.msk.f32 $0xffff, v27, v27;
	v37, _, _ =	vpop (xrf1)  }
0x10d: {  	v63 =	vld [tilespmem:s31+$0x160];
	(xrf1) =	vsort.dscd.msk.f32 $0xffff, v24, v24;
	v24, _, _ =	vpop (xrf1)  }
0x10e: {  	v39 =	vld [tilespmem:s31+$0xFFFFFFA0];
	v38 =	vmin.f32 v52, v31;
	v41, _, _ =	vpop (xrf1)  }
0x10f: {  	v40 =	vld [tilespmem:s31+$0x170];
	(xrf1) =	vsort.dscd.msk.f32 $0xffff, v38, v38;
	v42, _, _ =	vpop (xrf1)  }
0x110: {  	(xrf1) =	vsort.dscd.msk.f32 $0xffff, v60, v60;
	v44, _, _ =	vpop (xrf1)  }
0x111: {  	v43 =	vld [tilespmem:s31+$0xFFFFFFD0];
	(xrf1) =	vsort.ascd.msk.f32 $0xffff, v62, v62;
	v45, _, _ =	vpop (xrf1)  }
0x112: {  	v3 =	vmax.f32 v7, v3;
	(xrf1) =	vsort.dscd.msk.f32 $0xffff, v63, v63;
	v46, _, _ =	vpop (xrf1)  }
0x113: {  	(xrf1) =	vsort.dscd.msk.f32 $0xffff, v39, v39;
	v7, _, _ =	vpop (xrf1)  }
0x114: {  	(xrf1) =	vsort.ascd.msk.f32 $0xffff, v40, v40;
	v48, _, _ =	vpop (xrf1)  }
0x115: {  	v47 =	vmin.f32 v20, v23;
	v20 =	vmax.f32 v20, v23;
	(xrf1) =	vsort.ascd.msk.f32 $0xffff, v3, v3;
	v3, _, _ =	vpop (xrf1)  }
0x116: {  	v12 =	vmax.f32 v45, v12;
	(xrf1) =	vsort.ascd.msk.f32 $0xffff, v43, v43;
	v49 =	vmax.f32 v48, v37;
	v50, _, _ =	vpop (xrf1)  }
0x117: {  	(xrf1) =	vsort.ascd.msk.f32 $0xffff, v47, v47;
	v51 =	vmax.f32 v12, v49;
	v12 =	vmin.f32 v12, v49;
	v23, _, _ =	vpop (xrf1)  }
0x118: {  	(xrf1) =	vsort.dscd.msk.f32 $0xffff, v51, v51;
	v3 =	vmax.f32 v50, v3;
	v23 =	vmax.f32 v23, v42  }
0x119: {  	v52, _, _ =	vpop (xrf1);
	(xrf1) =	vsort.dscd.msk.f32 $0xffff, v12, v12;
	v12 =	vmax.f32 v23, v3  }
0x11a: {  	v3 =	vmin.f32 v23, v3  }
0x11b: {  	(xrf1) =	vsort.ascd.msk.f32 $0xffff, v20, v20;
	v20, _, _ =	vpop (xrf1)  }
0x11c: {  	v23 =	vmin.f32 v19, v22;
	v19 =	vmax.f32 v19, v22;
	(xrf1) =	vsort.dscd.msk.f32 $0xffff, v12, v12;
	v12, _, _ =	vpop (xrf1)  }
0x11d: {  	(xrf1) =	vsort.dscd.msk.f32 $0xffff, v3, v3;
	v3, _, _ =	vpop (xrf1)  }
0x11e: {  	v22 =	vld [tilespmem:s31+$0xFFFFFFE0];
	v12 =	vmax.f32 v12, v20;
	v3 =	vmax.f32 v3, v52  }
0x11f: {  	v20 =	vld [tilespmem:s31+$0xFFFFFFF0];
	(xrf1) =	vsort.ascd.msk.f32 $0xffff, v19, v19;
	v19, _, _ =	vpop (xrf1);
	v54 =	vmax.f32 v12, v3;
	v3 =	vmin.f32 v12, v3  }
0x120: {  	v53 =	vld [tilespmem:s31+$0xFFFFFFC0];
	v55, _, _ =	vpop (xrf1);
	(xrf1) =	vsort.ascd.msk.f32 $0xffff, v23, v23  }
0x121: {  	v23, _, _ =	vpop (xrf1);
	(xrf1) =	vsort.dscd.msk.f32 $0xffff, v54, v54  }
0x122: {  	(xrf1) =	vsort.dscd.msk.f32 $0xffff, v3, v3;
	v3, _, _ =	vpop (xrf1)  }
0x123: {  	v56, _, _ =	vpop (xrf1);
	(xrf1) =	vsort.dscd.msk.f32 $0xffff, v22, v22  }
0x124: {  	v5 =	vmax.f32 v7, v5;
	v8 =	vmax.f32 v19, v8;
	(xrf1) =	vsort.ascd.msk.f32 $0xffff, v20, v20;
	v19, _, _ =	vpop (xrf1)  }
0x125: {  	v12 =	vld [tilespmem:s31+$0xFFFFFFB0];
	v7 =	vmax.f32 v5, v8;
	v5 =	vmin.f32 v5, v8;
	(xrf1) =	vsort.dscd.msk.f32 $0xffff, v53, v53;
	v20, _, _ =	vpop (xrf1)  }
0x126: {  	v22, _, _ =	vpop (xrf1);
	(xrf1) =	vsort.dscd.msk.f32 $0xffff, v7, v7;
	v7 =	vmax.f32 v16, v18  }
0x127: {  	v8, _, _ =	vpop (xrf1)  }
0x128: {  	(xrf1) =	vsort.dscd.msk.f32 $0xffff, v5, v5;
	v5, _, _ =	vpop (xrf1)  }
0x129: {  	(xrf1) =	vsort.ascd.msk.f32 $0xffff, v7, v7;
	v7, _, _ =	vpop (xrf1);
	v5 =	vmax.f32 v5, v6  }
0x12a: {  	v0 =	vmin.f32 v0, v2;
	v2 =	vmin.f32 v21, v25;
	(xrf1) =	vsort.ascd.msk.f32 $0xffff, v12, v12;
	v6, _, _ =	vpop (xrf1)  }
0x12b: {  	(xrf1) =	vsort.ascd.msk.f32 $0xffff, v2, v2;
	v2 =	vmax.f32 v7, v20;
	v7, _, _ =	vpop (xrf1)  }
0x12c: {  	v12 =	vmax.f32 v5, v2;
	(xrf1) =	vsort.ascd.msk.f32 $0xffff, v0, v0;
	v2 =	vmin.f32 v5, v2;
	v5, _, _ =	vpop (xrf1)  }
0x12d: {  	(xrf1) =	vsort.dscd.msk.f32 $0xffff, v12, v12;
	v57 =	vmax.f32 v7, v8;
	v6 =	vmax.f32 v5, v6  }
0x12e: {  	v5, _, _ =	vpop (xrf1);
	(xrf1) =	vsort.dscd.msk.f32 $0xffff, v2, v2;
	v2 =	vmin.f32 v57, v6  }
0x12f: {  	v0 =	vmax.f32 v3, v19  }
0x130: {  	v7, _, _ =	vpop (xrf1);
	(xrf1) =	vsort.ascd.msk.f32 $0xffff, v0, v0  }
0x131: {  	v0 =	vmin.f32 v46, v24;
	(xrf1) =	vsort.dscd.msk.f32 $0xffff, v2, v2;
	v2, _, _ =	vpop (xrf1)  }
0x132: {  	v8 =	vmin.f32 v16, v18;
	v12, _, _ =	vpop (xrf1);
	(xrf1) =	vsort.ascd.msk.f32 $0xffff, v0, v0  }
0x133: {  	v0 =	vmax.f32 v17, v13;
	v58, _, _ =	vpop (xrf1);
	(xrf1) =	vsort.ascd.msk.f32 $0xffff, v8, v8  }
0x134: {  	v59, _, _ =	vpop (xrf1);
	(xrf1) =	vsort.ascd.msk.f32 $0xffff, v0, v0;
	v0 =	vmax.f32 v2, v7;
	v2 =	vmax.f32 v12, v5  }
0x135: {  	v60, _, _ =	vpop (xrf1);
	v5 =	vmax.f32 v0, v2  }
0x136: {  	v61 =	vmax.f32 v11, v15;
	v7 =	vmax.f32 v58, v59;
	v62, _, _ =	vpop (xrf1);
	(xrf1) =	vsort.dscd.msk.f32 $0xffff, v5, v5  }
0x137: {  	v0 =	vmin.f32 v0, v2;
	v63, _, _ =	vpop (xrf1);
	(xrf1) =	vsort.ascd.msk.f32 $0xffff, v7, v7;
	v7 =	vmin.f32 v60, v22  }
0x138: {  	v12 =	vmin.f32 v11, v15;
	v20, _, _ =	vpop (xrf1);
	(xrf1) =	vsort.dscd.msk.f32 $0xffff, v0, v0;
	v0 =	vmin.f32 v17, v13  }
0x139: {  	v15 =	vmax.f32 v9, v14;
	v2 =	vmin.f32 v9, v14;
	v9, _, _ =	vpop (xrf1);
	(xrf1) =	vsort.ascd.msk.f32 $0xffff, v7, v7  }
0x13a: {  	v8 =	vmax.f32 v55, v23;
	v7, _, _ =	vpop (xrf1);
	(xrf1) =	vsort.ascd.msk.f32 $0xffff, v0, v0;
	v11 =	vmin.f32 v56, v9  }
0x13b: {  	v0, _, _ =	vpop (xrf1);
	(xrf1) =	vsort.ascd.msk.f32 $0xffff, v8, v8  }
0x13c: {  	v17 =	vmax.f32 v46, v24;
	v14, _, _ =	vpop (xrf1);
	(xrf1) =	vsort.ascd.msk.f32 $0xffff, v11, v11  }
0x13d: {  	v11, _, _ =	vpop (xrf1);
	(xrf1) =	vsort.ascd.msk.f32 $0xffff, v17, v17  }
0x13e: {  	v16 =	vmax.f32 v41, v44;
	v17 =	vmax.f32 v14, v0;
	v1 =	vmax.f32 v11, v1  }
0x13f: {  	v5 =	vmax.f32 v21, v25;
	v0, _, _ =	vpop (xrf1);
	(xrf1) =	vsort.ascd.msk.f32 $0xffff, v2, v2;
	v17 =	vadd.f32 v1, v17  }
0x140: {  	v13 =	vmin.f32 v41, v44;
	v4 =	vmax.f32 v63, v4;
	v18, _, _ =	vpop (xrf1);
	(xrf1) =	vsort.ascd.msk.f32 $0xffff, v61, v61  }
0x141: {  	v9 =	vmax.f32 v56, v9;
	v8 =	vmin.f32 v55, v23;
	v14 =	vmin.f32 v3, v19;
	v2, _, _ =	vpop (xrf1)  }
0x142: {  	s19 =	simm.s32 $0x0;
	v3 =	vmax.f32 v60, v22;
	v11 =	vmax.f32 v57, v6;
	v6 =	vmax.f32 v62, v10;
	v10, _, _ =	vpop (xrf1);
	(xrf2) =	vadd.scan.msk.f32 $0xffff, v17  }
0x143: {  	s20 =	simm.s32 $0x2;
	s21 =	simm.s32 $0x780;
	s18 =	simm.s32 $0xFFFFFFFE;
	v1 =	vmin.f32 v58, v59;
	v6 =	vadd.f32 v4, v6;
	(xrf1) =	vsort.ascd.msk.f32 $0xffff, v13, v13;
	v17, _, _ =	vpop (xrf1)  }
.LBB2_3:
0x144: {  	v19 =	vld [tilespmem:s21+$0xFFFFFEB0];
	(xrf1) =	vsort.dscd.msk.f32 $0xffff, v11, v11;
	v13, _, _ =	vpop (xrf1);
	s22 =	smov.u32 s20;
	s20 =	sadd.s32 $0x2, s20  }
0x145: {  	s23 =	sadd.s32 s18, s15;
	s18 =	smov.u32 s19;
	v11 =	vld [tilespmem:s21+$0xFFFFFFD0];
	p0 =	slt.u32 s20, $0x6E;
	v4, _, _ =	vpop (xrf1);
	(xrf2) =	vadd.scan.msk.f32 $0xffff, v6  }
0x146: {  	v10 =	vmax.f32 v13, v10;
	s24 =	sadd.s32 $0x2, s23;
	s23 =	sadd.s32 $0x3, s23;
	s19 =	smov.u32 s22;
	v21 =	vld [tilespmem:s21+$0x40];
	v6, _, _ =	vpop (xrf1);
	(xrf1) =	vsort.ascd.msk.f32 $0xffff, v15, v15  }
0x147: {  	v15 =	vld [tilespmem:s21+$0x50];
	v13 =	vmax.f32 v6, v20;
	(xrf1) =	vsort.ascd.msk.f32 $0xffff, v12, v12;
	v6, _, _ =	vpop (xrf1);
	v20 =	vmov s24  }
0x148: {  	v22 =	vld [tilespmem:s21+$0xFFFFFEE0];
	v23 =	vmax.f32 v10, v13;
	v10 =	vmin.f32 v10, v13;
	(xrf1) =	vsort.ascd.msk.f32 $0xffff, v16, v16;
	v12, _, _ =	vpop (xrf1);
	v25 =	vand.u32 $0xFFFFFFFE, v20  }
0x149: {  	v20 =	vld [tilespmem:s21+$0xFFFFFED0];
	v16, _, _ =	vpop (xrf1);
	(xrf1) =	vsort.dscd.msk.f32 $0xffff, v23, v23;
	v23 =	vbroadcast v25, $0x0  }
0x14a: {  	v24 =	vld [tilespmem:s21+$0xFFFFFE80];
	v13, _, _ =	vpop (xrf1);
	(xrf1) =	vsort.dscd.msk.f32 $0xffff, v10, v10  }
0x14b: {  	v25 =	vld [tilespmem:s21+$0xFFFFFE90];
	(xrf1) =	vsort.ascd.msk.f32 $0xffff, v19, v19;
	v10, _, _ =	vpop (xrf1)  }
0x14c: {  	v19 =	vld [tilespmem:s21+$0x30];
	(xrf1) =	vsort.dscd.msk.f32 $0xffff, v21, v21;
	v21, _, _ =	vpop (xrf2)  }
0x14d: {  	v27 =	vmov s23;
	v26 =	vld [tilespmem:s21+$0xFFFFFEC0];
	(xrf1) =	vsort.dscd.msk.f32 $0xffff, v22, v22;
	v22, _, _ =	vpop (xrf1);
	v30 =	vmul.f32 $3.125000000e-02, v21  }
0x14e: {  	v28 =	vld [tilespmem:s21+$0xFFFFFEA0];
	(xrf1) =	vsort.ascd.msk.f32 $0xffff, v15, v15;
	v15, _, _ =	vpop (xrf1)  }
0x14f: {  	v29 =	vld [tilespmem:s21+$0x10];
	(xrf1) =	vsort.dscd.msk.f32 $0xffff, v24, v24;
	[tilespmem:v23+s12+$0x0] =	vst.idx.msk vm0, v30;
	v21, _, _ =	vpop (xrf2)  }
0x150: {  	v23 =	vld [tilespmem:s21+$0xFFFFFEF0];
	(xrf1) =	vsort.ascd.msk.f32 $0xffff, v20, v20;
	v20 =	vmul.f32 $3.125000000e-02, v21  }
0x151: {  	v21 =	vld [tilespmem:s21+$0x0];
	(xrf1) =	vsort.ascd.msk.f32 $0xffff, v19, v19;
	v30, _, _ =	vpop (xrf1)  }
0x152: {  	v19 =	vld [tilespmem:s21+$0x20];
	(xrf1) =	vsort.ascd.msk.f32 $0xffff, v25, v25;
	v24, _, _ =	vpop (xrf1);
	[tilespmem:v27+s12+$0x0] =	vst.idx.msk vm0, v20  }
0x153: {  	v20 =	vld [tilespmem:s21+$0x60];
	(xrf1) =	vsort.dscd.msk.f32 $0xffff, v28, v28  }
0x154: {  	v25 =	vld [tilespmem:s21+$0x70];
	(xrf1) =	vsort.ascd.msk.f32 $0xffff, v29, v29;
	v27, _, _ =	vpop (xrf1)  }
0x155: {  	(xrf1) =	vsort.ascd.msk.f32 $0xffff, v23, v23;
	v23, _, _ =	vpop (xrf1)  }
0x156: {  	(xrf1) =	vsort.dscd.msk.f32 $0xffff, v21, v21;
	v21 =	vmax.f32 v24, v23;
	v23, _, _ =	vpop (xrf1)  }
0x157: {  	v24 =	vld [tilespmem:s21+$0xFFFFFF00];
	(xrf1) =	vsort.dscd.msk.f32 $0xffff, v19, v19;
	v19, _, _ =	vpop (xrf1)  }
0x158: {  	v15 =	vmax.f32 v18, v15;
	v28 =	vld [tilespmem:s21+$0xFFFFFF10];
	(xrf1) =	vsort.dscd.msk.f32 $0xffff, v20, v20;
	v18 =	vmax.f32 v19, v22;
	v19, _, _ =	vpop (xrf1)  }
0x159: {  	v20 =	vld [tilespmem:s21+$0x80];
	v22, _, _ =	vpop (xrf1);
	(xrf1) =	vsort.ascd.msk.f32 $0xffff, v25, v25;
	v25 =	vmax.f32 v21, v15;
	v27 =	vmax.f32 v19, v27  }
0x15a: {  	v32 =	vmin.f32 v21, v15;
	v19 =	vld [tilespmem:s21+$0x90];
	v29, _, _ =	vpop (xrf1);
	v21 =	vmin.f32 v18, v27;
	(xrf1) =	vsort.dscd.msk.f32 $0xffff, v25, v25  }
0x15b: {  	v25 =	vld [tilespmem:s21+$0xFFFFFF20];
	v31, _, _ =	vpop (xrf1);
	(xrf1) =	vsort.dscd.msk.f32 $0xffff, v32, v32  }
0x15c: {  	(xrf1) =	vsort.dscd.msk.f32 $0xffff, v24, v24;
	v15, _, _ =	vpop (xrf1)  }
0x15d: {  	v32 =	vmax.f32 v29, v15;
	v29 =	vmin.f32 v29, v15;
	v15, _, _ =	vpop (xrf1);
	(xrf1) =	vsort.ascd.msk.f32 $0xffff, v28, v28  }
0x15e: {  	v33, _, _ =	vpop (xrf1);
	(xrf1) =	vsort.dscd.msk.f32 $0xffff, v20, v20  }
0x15f: {  	v24, _, _ =	vpop (xrf1);
	(xrf1) =	vsort.ascd.msk.f32 $0xffff, v19, v19  }
0x160: {  	v19, _, _ =	vpop (xrf1);
	(xrf1) =	vsort.dscd.msk.f32 $0xffff, v25, v25  }
0x161: {  	v20 =	vmax.f32 v15, v19;
	v25, _, _ =	vpop (xrf1);
	(xrf1) =	vsort.dscd.msk.f32 $0xffff, v26, v26  }
0x162: {  	v15 =	vmin.f32 v15, v19;
	v28 =	vmax.f32 v25, v22;
	(xrf1) =	vsort.dscd.msk.f32 $0xffff, v20, v20;
	v26, _, _ =	vpop (xrf1)  }
0x163: {  	v22 =	vmin.f32 v25, v22;
	(xrf1) =	vsort.ascd.msk.f32 $0xffff, v28, v28;
	v19, _, _ =	vpop (xrf1)  }
0x164: {  	v20 =	vmax.f32 v31, v19;
	v31 =	vmin.f32 v31, v19;
	(xrf1) =	vsort.ascd.msk.f32 $0xffff, v22, v22;
	v19, _, _ =	vpop (xrf1)  }
0x165: {  	v22 =	vld [tilespmem:s21+$0xFFFFFF30];
	v34 =	vmax.f32 v19, v26;
	v26 =	vmin.f32 v19, v26;
	(xrf1) =	vsort.dscd.msk.f32 $0xffff, v15, v15;
	v15, _, _ =	vpop (xrf1)  }
0x166: {  	v19 =	vmin.f32 v15, v24;
	v28 =	vld [tilespmem:s21+$0xA0];
	(xrf1) =	vsort.dscd.msk.f32 $0xffff, v34, v34;
	v25, _, _ =	vpop (xrf1)  }
0x167: {  	v24 =	vmax.f32 v15, v24;
	(xrf1) =	vsort.ascd.msk.f32 $0xffff, v19, v19;
	v15, _, _ =	vpop (xrf1)  }
0x168: {  	v19 =	vmax.f32 v25, v15;
	v15 =	vmin.f32 v25, v15;
	(xrf1) =	vsort.ascd.msk.f32 $0xffff, v24, v24;
	v25, _, _ =	vpop (xrf1)  }
0x169: {  	v34 =	vld [tilespmem:s21+$0xB0];
	(xrf1) =	vsort.dscd.msk.f32 $0xffff, v26, v26;
	v26, _, _ =	vpop (xrf1)  }
0x16a: {  	v35, _, _ =	vpop (xrf1);
	(xrf1) =	vsort.ascd.msk.f32 $0xffff, v22, v22  }
0x16b: {  	v18 =	vmax.f32 v18, v27;
	v22, _, _ =	vpop (xrf1);
	(xrf1) =	vsort.dscd.msk.f32 $0xffff, v28, v28  }
0x16c: {  	v24 =	vmax.f32 v35, v22;
	v28 =	vmin.f32 v35, v22;
	v22, _, _ =	vpop (xrf1);
	(xrf1) =	vsort.dscd.msk.f32 $0xffff, v18, v18  }
0x16d: {  	v25 =	vmax.f32 v25, v30;
	v30 =	vmax.f32 v26, v23;
	v18 =	vld [tilespmem:s21+$0xFFFFFF40];
	v27, _, _ =	vpop (xrf1);
	(xrf1) =	vsort.dscd.msk.f32 $0xffff, v21, v21  }
0x16e: {  	v21 =	vld [tilespmem:s21+$0xFFFFFF50];
	v23 =	vmin.f32 v22, v27;
	v35, _, _ =	vpop (xrf1);
	(xrf1) =	vsort.ascd.msk.f32 $0xffff, v34, v34;
	v34 =	vmax.f32 v25, v30  }
0x16f: {  	v26 =	vmax.f32 v22, v27;
	v30 =	vmin.f32 v25, v30;
	v22 =	vld [tilespmem:s21+$0xC0];
	v27, _, _ =	vpop (xrf1);
	(xrf1) =	vsort.dscd.msk.f32 $0xffff, v34, v34  }
0x170: {  	v34 =	vmax.f32 v27, v33;
	v27 =	vmin.f32 v27, v33;
	v33, _, _ =	vpop (xrf1);
	(xrf1) =	vsort.ascd.msk.f32 $0xffff, v14, v14  }
0x171: {  	v14, _, _ =	vpop (xrf1);
	(xrf1) =	vsort.ascd.msk.f32 $0xffff, v34, v34  }
0x172: {  	v25, _, _ =	vpop (xrf1);
	(xrf1) =	vsort.dscd.msk.f32 $0xffff, v18, v18  }
0x173: {  	v33 =	vmax.f32 v33, v25;
	v25, _, _ =	vpop (xrf1);
	(xrf1) =	vsort.ascd.msk.f32 $0xffff, v21, v21  }
0x174: {  	v14 =	vmax.f32 v25, v14;
	v21, _, _ =	vpop (xrf1);
	(xrf1) =	vsort.dscd.msk.f32 $0xffff, v22, v22  }
0x175: {  	v25 =	vmax.f32 v33, v14;
	v33 =	vmin.f32 v33, v14;
	(xrf1) =	vsort.ascd.msk.f32 $0xffff, v27, v27;
	v18, _, _ =	vpop (xrf1)  }
0x176: {  	(xrf1) =	vsort.dscd.msk.f32 $0xffff, v25, v25;
	v22, _, _ =	vpop (xrf1)  }
0x177: {  	v27 =	vld [tilespmem:s21+$0xD0];
	(xrf1) =	vsort.dscd.msk.f32 $0xffff, v33, v33;
	v14, _, _ =	vpop (xrf1)  }
0x178: {  	v21 =	vmax.f32 v21, v18;
	v34 =	vmax.f32 v14, v22;
	v22, _, _ =	vpop (xrf1);
	(xrf1) =	vsort.ascd.msk.f32 $0xffff, v29, v29  }
0x179: {  	v29 =	vmax.f32 v21, v34;
	v33 =	vmin.f32 v21, v34;
	(xrf1) =	vsort.ascd.msk.f32 $0xffff, v32, v32;
	v18, _, _ =	vpop (xrf1)  }
0x17a: {  	v21 =	vmax.f32 v35, v22;
	v25 =	vmin.f32 v35, v22;
	(xrf1) =	vsort.dscd.msk.f32 $0xffff, v33, v33;
	v14, _, _ =	vpop (xrf1)  }
0x17b: {  	v32 =	vld [tilespmem:s21+$0xE0];
	(xrf1) =	vsort.dscd.msk.f32 $0xffff, v29, v29;
	v29 =	vmax.f32 v14, v12;
	v12, _, _ =	vpop (xrf1)  }
0x17c: {  	v33 =	vld [tilespmem:s21+$0xF0];
	v22, _, _ =	vpop (xrf1);
	(xrf1) =	vsort.ascd.msk.f32 $0xffff, v27, v27;
	v27 =	vmax.f32 v12, v17  }
0x17d: {  	v14 =	vmin.f32 v18, v22;
	v12 =	vmax.f32 v29, v27;
	v34, _, _ =	vpop (xrf1);
	(xrf1) =	vsort.ascd.msk.f32 $0xffff, v5, v5  }
0x17e: {  	v22 =	vmax.f32 v18, v22;
	(xrf1) =	vsort.ascd.msk.f32 $0xffff, v8, v8;
	v18, _, _ =	vpop (xrf1)  }
0x17f: {  	v5, _, _ =	vpop (xrf1);
	(xrf1) =	vsort.ascd.msk.f32 $0xffff, v31, v31  }
0x180: {  	v8, _, _ =	vpop (xrf1);
	(xrf1) =	vsort.dscd.msk.f32 $0xffff, v12, v12  }
0x181: {  	v31 =	vld [tilespmem:s21+$0x100];
	v12, _, _ =	vpop (xrf1);
	(xrf1) =	vsort.dscd.msk.f32 $0xffff, v32, v32  }
0x182: {  	v17 =	vmax.f32 v8, v12;
	v12 =	vmin.f32 v8, v12;
	v8 =	vld [tilespmem:s21+$0x110];
	v32, _, _ =	vpop (xrf1);
	(xrf1) =	vsort.ascd.msk.f32 $0xffff, v33, v33  }
0x183: {  	v33, _, _ =	vpop (xrf1);
	(xrf1) =	vsort.dscd.msk.f32 $0xffff, v30, v30  }
0x184: {  	v35 =	vmin.f32 v29, v27;
	v30, _, _ =	vpop (xrf1);
	(xrf1) =	vsort.ascd.msk.f32 $0xffff, v20, v20  }
0x185: {  	v30 =	vmax.f32 v30, v33;
	v29, _, _ =	vpop (xrf1);
	(xrf1) =	vsort.dscd.msk.f32 $0xffff, v35, v35  }
0x186: {  	v29 =	vmax.f32 v29, v5;
	v20, _, _ =	vpop (xrf1);
	(xrf1) =	vsort.dscd.msk.f32 $0xffff, v31, v31  }
0x187: {  	v31 =	vmax.f32 v30, v29;
	v30 =	vmin.f32 v30, v29;
	v27, _, _ =	vpop (xrf1);
	(xrf1) =	vsort.ascd.msk.f32 $0xffff, v8, v8  }
0x188: {  	(xrf1) =	vsort.dscd.msk.f32 $0xffff, v30, v30;
	v5, _, _ =	vpop (xrf1)  }
0x189: {  	v8 =	vld [tilespmem:s21+$0x120];
	(xrf1) =	vsort.dscd.msk.f32 $0xffff, v31, v31;
	v29, _, _ =	vpop (xrf1)  }
0x18a: {  	v35 =	vmax.f32 v5, v27;
	v20 =	vmax.f32 v29, v20;
	v29 =	vld [tilespmem:s21+$0x130];
	(xrf1) =	vsort.ascd.msk.f32 $0xffff, v19, v19;
	v19, _, _ =	vpop (xrf1)  }
0x18b: {  	v30 =	vmax.f32 v20, v35;
	v33 =	vmin.f32 v20, v35;
	(xrf1) =	vsort.ascd.msk.f32 $0xffff, v15, v15;
	v31, _, _ =	vpop (xrf1)  }
0x18c: {  	v27 =	vmax.f32 v32, v19;
	v20 =	vmin.f32 v32, v19;
	v32 =	vld [tilespmem:s21+$0x150];
	(xrf1) =	vsort.dscd.msk.f32 $0xffff, v33, v33;
	v5, _, _ =	vpop (xrf1)  }
0x18d: {  	v33 =	vld [tilespmem:s21+$0xFFFFFF60];
	v35, _, _ =	vpop (xrf1);
	(xrf1) =	vsort.dscd.msk.f32 $0xffff, v30, v30;
	v5 =	vmax.f32 v34, v5  }
0x18e: {  	v30 =	vld [tilespmem:s21+$0xFFFFFF70];
	(xrf1) =	vsort.dscd.msk.f32 $0xffff, v8, v8;
	v8, _, _ =	vpop (xrf1)  }
0x18f: {  	v19, _, _ =	vpop (xrf1);
	(xrf1) =	vsort.ascd.msk.f32 $0xffff, v29, v29;
	v7 =	vmax.f32 v8, v7  }
0x190: {  	v8, _, _ =	vpop (xrf1);
	(xrf1) =	vsort.ascd.msk.f32 $0xffff, v9, v9  }
0x191: {  	v15 =	vmax.f32 v19, v8;
	v19 =	vmin.f32 v19, v8;
	v8 =	vld [tilespmem:s21+$0x140];
	(xrf1) =	vsort.ascd.msk.f32 $0xffff, v32, v32;
	v9, _, _ =	vpop (xrf1)  }
0x192: {  	v29, _, _ =	vpop (xrf1);
	(xrf1) =	vsort.dscd.msk.f32 $0xffff, v33, v33  }
0x193: {  	v16 =	vmax.f32 v9, v16;
	(xrf1) =	vsort.ascd.msk.f32 $0xffff, v28, v28;
	v9, _, _ =	vpop (xrf1)  }
0x194: {  	(xrf1) =	vsort.ascd.msk.f32 $0xffff, v30, v30;
	v28, _, _ =	vpop (xrf1);
	v30 =	vmax.f32 v5, v16;
	v9 =	vmax.f32 v9, v31  }
0x195: {  	v31, _, _ =	vpop (xrf1);
	v32 =	vmax.f32 v7, v9;
	v33 =	vmin.f32 v7, v9;
	(xrf1) =	vsort.dscd.msk.f32 $0xffff, v30, v30  }
0x196: {  	v9 =	vmax.f32 v28, v31;
	v7 =	vmin.f32 v28, v31;
	v28, _, _ =	vpop (xrf1);
	(xrf1) =	vsort.dscd.msk.f32 $0xffff, v8, v8  }
0x197: {  	v5 =	vmin.f32 v5, v16;
	v8 =	vmax.f32 v28, v29;
	v28, _, _ =	vpop (xrf1);
	(xrf1) =	vsort.dscd.msk.f32 $0xffff, v32, v32  }
0x198: {  	v29 =	vmax.f32 v28, v35;
	v28, _, _ =	vpop (xrf1);
	(xrf1) =	vsort.dscd.msk.f32 $0xffff, v5, v5  }
0x199: {  	v30 =	vmax.f32 v29, v8;
	v29 =	vmin.f32 v29, v8;
	(xrf1) =	vsort.ascd.msk.f32 $0xffff, v24, v24;
	v16, _, _ =	vpop (xrf1)  }
0x19a: {  	(xrf1) =	vsort.dscd.msk.f32 $0xffff, v29, v29;
	v8, _, _ =	vpop (xrf1)  }
0x19b: {  	v8 =	vmax.f32 v8, v28;
	(xrf1) =	vsort.dscd.msk.f32 $0xffff, v30, v30;
	v5, _, _ =	vpop (xrf1)  }
0x19c: {  	v24 =	vld [tilespmem:s21+$0xFFFFFF80];
	v5 =	vmax.f32 v5, v16;
	(xrf1) =	vsort.ascd.msk.f32 $0xffff, v26, v26;
	v16, _, _ =	vpop (xrf1)  }
0x19d: {  	v26 =	vld [tilespmem:s21+$0xFFFFFF90];
	v31 =	vmax.f32 v5, v8;
	v32 =	vmin.f32 v5, v8;
	(xrf1) =	vsort.ascd.msk.f32 $0xffff, v23, v23;
	v23, _, _ =	vpop (xrf1)  }
0x19e: {  	v5 =	vmax.f32 v16, v23;
	v29 =	vmin.f32 v16, v23;
	v30 =	vld [tilespmem:s21+$0x160];
	(xrf1) =	vsort.dscd.msk.f32 $0xffff, v31, v31;
	v28, _, _ =	vpop (xrf1)  }
0x19f: {  	v31 =	vld [tilespmem:s21+$0xFFFFFFA0];
	(xrf1) =	vsort.dscd.msk.f32 $0xffff, v32, v32;
	v8, _, _ =	vpop (xrf1)  }
0x1a0: {  	v32 =	vld [tilespmem:s21+$0x170];
	v23, _, _ =	vpop (xrf1);
	(xrf1) =	vsort.dscd.msk.f32 $0xffff, v33, v33  }
0x1a1: {  	v33, _, _ =	vpop (xrf1);
	(xrf1) =	vsort.dscd.msk.f32 $0xffff, v24, v24  }
0x1a2: {  	v24, _, _ =	vpop (xrf1);
	(xrf1) =	vsort.ascd.msk.f32 $0xffff, v26, v26  }
0x1a3: {  	v16 =	vmax.f32 v23, v24;
	v23 =	vmin.f32 v23, v24;
	(xrf1) =	vsort.dscd.msk.f32 $0xffff, v30, v30;
	v26, _, _ =	vpop (xrf1)  }
0x1a4: {  	v30 =	vld [tilespmem:s21+$0xFFFFFFB0];
	(xrf1) =	vsort.dscd.msk.f32 $0xffff, v31, v31;
	v31, _, _ =	vpop (xrf1)  }
0x1a5: {  	(xrf1) =	vsort.ascd.msk.f32 $0xffff, v32, v32;
	v32, _, _ =	vpop (xrf1)  }
0x1a6: {  	v24 =	vmax.f32 v31, v8;
	v31 =	vmin.f32 v31, v8;
	v8, _, _ =	vpop (xrf1);
	(xrf1) =	vsort.ascd.msk.f32 $0xffff, v3, v3  }
0x1a7: {  	v3, _, _ =	vpop (xrf1);
	(xrf1) =	vsort.ascd.msk.f32 $0xffff, v11, v11;
	v11 =	vmax.f32 v26, v13;
	v8 =	vmax.f32 v8, v28  }
0x1a8: {  	v13, _, _ =	vpop (xrf1);
	(xrf1) =	vsort.ascd.msk.f32 $0xffff, v25, v25;
	v25 =	vmax.f32 v11, v8  }
0x1a9: {  	v8 =	vmin.f32 v11, v8;
	v3 =	vmax.f32 v13, v3;
	v13, _, _ =	vpop (xrf1);
	(xrf1) =	vsort.dscd.msk.f32 $0xffff, v25, v25  }
0x1aa: {  	v25 =	vmax.f32 v13, v33;
	v13, _, _ =	vpop (xrf1);
	(xrf1) =	vsort.dscd.msk.f32 $0xffff, v8, v8  }
0x1ab: {  	v26 =	vmax.f32 v25, v3;
	v25 =	vmin.f32 v25, v3;
	(xrf1) =	vsort.ascd.msk.f32 $0xffff, v21, v21;
	v11, _, _ =	vpop (xrf1)  }
0x1ac: {  	(xrf1) =	vsort.dscd.msk.f32 $0xffff, v26, v26;
	v8, _, _ =	vpop (xrf1)  }
0x1ad: {  	v21 =	vld [tilespmem:s21+$0xFFFFFFE0];
	v8 =	vmax.f32 v8, v11;
	(xrf1) =	vsort.dscd.msk.f32 $0xffff, v25, v25;
	v3, _, _ =	vpop (xrf1)  }
0x1ae: {  	v11 =	vld [tilespmem:s21+$0xFFFFFFF0];
	v3 =	vmax.f32 v3, v13;
	(xrf1) =	vsort.ascd.msk.f32 $0xffff, v22, v22;
	v13, _, _ =	vpop (xrf1)  }
0x1af: {  	v22 =	vld [tilespmem:s21+$0xFFFFFFC0];
	v25 =	vmax.f32 v8, v3;
	v28 =	vmin.f32 v8, v3;
	v26, _, _ =	vpop (xrf1);
	(xrf1) =	vsort.ascd.msk.f32 $0xffff, v14, v14  }
0x1b0: {  	v10 =	vmax.f32 v13, v10;
	v14, _, _ =	vpop (xrf1);
	(xrf1) =	vsort.dscd.msk.f32 $0xffff, v25, v25  }
0x1b1: {  	v8 =	vmin.f32 v26, v14;
	(xrf1) =	vsort.dscd.msk.f32 $0xffff, v28, v28;
	v3, _, _ =	vpop (xrf1)  }
0x1b2: {  	v2 =	vmax.f32 v32, v2;
	v13 =	vmax.f32 v26, v14;
	v25, _, _ =	vpop (xrf1);
	(xrf1) =	vsort.dscd.msk.f32 $0xffff, v21, v21  }
0x1b3: {  	v21 =	vmax.f32 v2, v10;
	(xrf1) =	vsort.ascd.msk.f32 $0xffff, v11, v11;
	v11, _, _ =	vpop (xrf1)  }
0x1b4: {  	v26 =	vmax.f32 v3, v11;
	v14 =	vmin.f32 v3, v11;
	(xrf1) =	vsort.dscd.msk.f32 $0xffff, v22, v22;
	v3, _, _ =	vpop (xrf1)  }
0x1b5: {  	v11 =	vmin.f32 v2, v10;
	v22, _, _ =	vpop (xrf1);
	(xrf1) =	vsort.dscd.msk.f32 $0xffff, v21, v21  }
0x1b6: {  	v10, _, _ =	vpop (xrf1);
	(xrf1) =	vsort.dscd.msk.f32 $0xffff, v11, v11  }
0x1b7: {  	(xrf1) =	vsort.ascd.msk.f32 $0xffff, v27, v27;
	v2, _, _ =	vpop (xrf1)  }
0x1b8: {  	(xrf1) =	vsort.ascd.msk.f32 $0xffff, v30, v30;
	v2 =	vmax.f32 v2, v6;
	v6, _, _ =	vpop (xrf1)  }
0x1b9: {  	v11, _, _ =	vpop (xrf1);
	(xrf1) =	vsort.ascd.msk.f32 $0xffff, v29, v29;
	v27 =	vmax.f32 v6, v3  }
0x1ba: {  	v6, _, _ =	vpop (xrf1);
	v21 =	vmax.f32 v2, v27;
	v2 =	vmin.f32 v2, v27;
	(xrf1) =	vsort.ascd.msk.f32 $0xffff, v1, v1  }
0x1bb: {  	v1 =	vmax.f32 v6, v10;
	v3, _, _ =	vpop (xrf1);
	(xrf1) =	vsort.dscd.msk.f32 $0xffff, v21, v21  }
0x1bc: {  	v3 =	vmax.f32 v3, v11;
	v6, _, _ =	vpop (xrf1);
	(xrf1) =	vsort.dscd.msk.f32 $0xffff, v2, v2  }
0x1bd: {  	v11 =	vmax.f32 v1, v3;
	v10 =	vmin.f32 v1, v3;
	v2, _, _ =	vpop (xrf1);
	(xrf1) =	vsort.ascd.msk.f32 $0xffff, v26, v26  }
0x1be: {  	(xrf1) =	vsort.dscd.msk.f32 $0xffff, v10, v10;
	v1, _, _ =	vpop (xrf1)  }
0x1bf: {  	v3, _, _ =	vpop (xrf1);
	(xrf1) =	vsort.ascd.msk.f32 $0xffff, v31, v31  }
0x1c0: {  	v21 =	vmax.f32 v1, v2;
	v2 =	vmax.f32 v3, v6;
	v3, _, _ =	vpop (xrf1);
	(xrf1) =	vsort.ascd.msk.f32 $0xffff, v20, v20  }
0x1c1: {  	v20 =	vmax.f32 v21, v2;
	v2 =	vmin.f32 v21, v2;
	v1, _, _ =	vpop (xrf1);
	(xrf1) =	vsort.ascd.msk.f32 $0xffff, v9, v9  }
0x1c2: {  	v9 =	vmax.f32 v3, v1;
	v1 =	vmin.f32 v3, v1;
	v10, _, _ =	vpop (xrf1);
	(xrf1) =	vsort.dscd.msk.f32 $0xffff, v20, v20  }
0x1c3: {  	v3 =	vmax.f32 v10, v22;
	(xrf1) =	vsort.ascd.msk.f32 $0xffff, v9, v9;
	v6, _, _ =	vpop (xrf1)  }
0x1c4: {  	v9 =	vmin.f32 v10, v22;
	(xrf1) =	vsort.dscd.msk.f32 $0xffff, v2, v2;
	v6 =	vmax.f32 v6, v18;
	v2, _, _ =	vpop (xrf1)  }
0x1c5: {  	(xrf1) =	vsort.ascd.msk.f32 $0xffff, v9, v9;
	v20, _, _ =	vpop (xrf1);
	v21 =	vmax.f32 v2, v0  }
0x1c6: {  	v0, _, _ =	vpop (xrf1);
	(xrf1) =	vsort.ascd.msk.f32 $0xffff, v7, v7  }
0x1c7: {  	v9 =	vmax.f32 v25, v0;
	v10 =	vmin.f32 v25, v0;
	(xrf1) =	vsort.ascd.msk.f32 $0xffff, v13, v13;
	v7, _, _ =	vpop (xrf1)  }
0x1c8: {  	(xrf1) =	vsort.ascd.msk.f32 $0xffff, v10, v10;
	v0, _, _ =	vpop (xrf1)  }
0x1c9: {  	(xrf1) =	vsort.ascd.msk.f32 $0xffff, v24, v24;
	v2, _, _ =	vpop (xrf1)  }
0x1ca: {  	v2 =	vmax.f32 v2, v0;
	v10, _, _ =	vpop (xrf1)  }
.Ltmp0:
0x1cb: {  	(xrf1) =	vsort.ascd.msk.f32 $0xffff, v19, v19;
	v0, _, _ =	vpop (xrf1);
	v4 =	vmax.f32 v10, v4;
	(pc) =	sbr.rel @p0 .LBB2_3-.Ltmp0, $4  }
0x1cc: {  	v18, _, _ =	vpop (xrf1);
	(xrf1) =	vsort.ascd.msk.f32 $0xffff, v17, v17;
	v4 =	vadd.f32 v4, v2  }
0x1cd: {  	v2, _, _ =	vpop (xrf1)  }
0x1ce: {  	v10, _, _ =	vpop (xrf1);
	(xrf2) =	vadd.scan.msk.f32 $0xffff, v4  }
0x1cf: {  	s21 =	sadd.s32 $0x300, s21;
	v6 =	vadd.f32 v21, v6;
	(xrf1) =	vsort.ascd.msk.f32 $0xffff, v23, v23;
	v17, _, _ =	vpop (xrf1)  }
0x1d0: {  	(xrf1) =	vsort.dscd.msk.f32 $0xffff, v11, v11;
	v4, _, _ =	vpop (xrf1)  }
0x1d1: {  	v11, _, _ =	vpop (xrf1);
	(xrf1) =	vsort.ascd.msk.f32 $0xffff, v15, v15  }
0x1d2: {  	v13, _, _ =	vpop (xrf1);
	(xrf1) =	vsort.ascd.msk.f32 $0xffff, v12, v12  }
0x1d3: {  	v4 =	vmax.f32 v4, v10;
	v10 =	vmax.f32 v13, v20  }
0x1d4: {  	v12 =	vmax.f32 v4, v10;
	v4 =	vmin.f32 v4, v10  }
0x1d5: {  	(xrf1) =	vsort.ascd.msk.f32 $0xffff, v16, v16  }
0x1d6: {  	(xrf1) =	vsort.dscd.msk.f32 $0xffff, v12, v12;
	v10, _, _ =	vpop (xrf1)  }
0x1d7: {  	(xrf1) =	vsort.dscd.msk.f32 $0xffff, v4, v4;
	v4, _, _ =	vpop (xrf1)  }
0x1d8: {  	v12, _, _ =	vpop (xrf1)  }
0x1d9: {  	v13, _, _ =	vpop (xrf1)  }
0x1da: {  	v15, _, _ =	vpop (xrf1)  }
0x1db: {  	v16, _, _ =	vpop (xrf1)  }
0x1dc: {  	v19, _, _ =	vpop (xrf1)  }
0x1dd: {  	v20, _, _ =	vpop (xrf1)  }
0x1de: {  	v21, _, _ =	vpop (xrf1)  }
0x1df: {  	v22, _, _ =	vpop (xrf1)  }
0x1e0: {  	v23, _, _ =	vpop (xrf1)  }
0x1e1: {  	v18 =	vmax.f32 v18, v19;
	v21 =	vmax.f32 v21, v23  }
0x1e2: {  	v23 =	vmax.f32 v21, v18  }
0x1e3: {  	v18 =	vmin.f32 v21, v18;
	(xrf1) =	vsort.dscd.msk.f32 $0xffff, v23, v23  }
0x1e4: {  	v19, _, _ =	vpop (xrf1);
	(xrf1) =	vsort.dscd.msk.f32 $0xffff, v18, v18  }
0x1e5: {  	v24, _, _ =	vpop (xrf1)  }
0x1e6: {  	v21, _, _ =	vpop (xrf1)  }
0x1e7: {  	v16 =	vmax.f32 v24, v16;
	v18 =	vmax.f32 v21, v22  }
0x1e8: {  	v21 =	vmax.f32 v16, v18  }
0x1e9: {  	v16 =	vmin.f32 v16, v18;
	(xrf1) =	vsort.dscd.msk.f32 $0xffff, v21, v21  }
0x1ea: {  	(xrf1) =	vsort.dscd.msk.f32 $0xffff, v16, v16;
	_ =	sdelay $0x6  }
0x1eb: {  	v16, _, _ =	vpop (xrf1)  }
0x1ec: {  	v18, _, _ =	vpop (xrf1)  }
0x1ed: {  	v16 =	vmax.f32 v16, v20;
	v18 =	vmax.f32 v18, v19  }
0x1ee: {  	v19 =	vmax.f32 v16, v18;
	_ =	sdelay $0x2  }
0x1ef: {  	(xrf1) =	vsort.dscd.msk.f32 $0xffff, v19, v19;
	v19, _, _ =	vpop (xrf1)  }
0x1f0: {  	(xrf1) =	vsort.ascd.msk.f32 $0xffff, v14, v14;
	v14, _, _ =	vpop (xrf1)  }
0x1f1: {  	(xrf1) =	vsort.ascd.msk.f32 $0xffff, v5, v5;
	v4 =	vmax.f32 v19, v4;
	v14 =	vmax.f32 v14, v17  }
0x1f2: {  	(xrf1) =	vsort.ascd.msk.f32 $0xffff, v8, v8;
	v5 =	vmax.f32 v4, v14  }
0x1f3: {  	v8 =	vmin.f32 v16, v18;
	(xrf1) =	vsort.dscd.msk.f32 $0xffff, v5, v5  }
0x1f4: {  	v4 =	vmin.f32 v4, v14;
	(xrf1) =	vsort.dscd.msk.f32 $0xffff, v8, v8  }
0x1f5: {  	(xrf1) =	vsort.dscd.msk.f32 $0xffff, v4, v4;
	_ =	sdelay $0x7  }
0x1f6: {  	v4, _, _ =	vpop (xrf1)  }
0x1f7: {  	v5, _, _ =	vpop (xrf1)  }
0x1f8: {  	v8, _, _ =	vpop (xrf1)  }
0x1f9: {  	v14, _, _ =	vpop (xrf1)  }
0x1fa: {  	v16, _, _ =	vpop (xrf1)  }
0x1fb: {  	v17, _, _ =	vpop (xrf1)  }
0x1fc: {  	(xrf1) =	vsort.ascd.msk.f32 $0xffff, v9, v9;
	v4 =	vmax.f32 v4, v14;
	v12 =	vmax.f32 v17, v12;
	v14, _, _ =	vpop (xrf1)  }
0x1fd: {  	v7 =	vmax.f32 v16, v7;
	v9 =	vmax.f32 v4, v12;
	v8 =	vmax.f32 v14, v8  }
0x1fe: {  	v14 =	vmax.f32 v7, v8;
	(xrf1) =	vsort.dscd.msk.f32 $0xffff, v9, v9  }
0x1ff: {  	v4 =	vmin.f32 v4, v12;
	(xrf1) =	vsort.dscd.msk.f32 $0xffff, v14, v14  }
0x200: {  	(xrf1) =	vsort.dscd.msk.f32 $0xffff, v4, v4;
	_ =	sdelay $0xa  }
0x201: {  	v4, _, _ =	vpop (xrf1)  }
0x202: {  	v9, _, _ =	vpop (xrf1)  }
0x203: {  	v7 =	vmin.f32 v7, v8;
	v12, _, _ =	vpop (xrf1)  }
0x204: {  	(xrf1) =	vsort.dscd.msk.f32 $0xffff, v7, v7;
	v8, _, _ =	vpop (xrf1)  }
0x205: {  	v7 =	vmax.f32 v9, v13;
	v4 =	vmax.f32 v8, v4  }
0x206: {  	(xrf1) =	vsort.ascd.msk.f32 $0xffff, v3, v3;
	v3 =	vmax.f32 v7, v4  }
0x207: {  	v4 =	vmin.f32 v7, v4;
	(xrf1) =	vsort.dscd.msk.f32 $0xffff, v3, v3  }
0x208: {  	(xrf1) =	vsort.dscd.msk.f32 $0xffff, v4, v4;
	_ =	sdelay $0x9  }
0x209: {  	v3, _, _ =	vpop (xrf1)  }
0x20a: {  	v3 =	vmax.f32 v3, v15  }
0x20b: {  	v2 =	vmax.f32 v12, v2;
	v4, _, _ =	vpop (xrf1)  }
0x20c: {  	v7 =	vmax.f32 v2, v3;
	v8, _, _ =	vpop (xrf1)  }
0x20d: {  	v2 =	vmin.f32 v2, v3;
	(xrf1) =	vsort.dscd.msk.f32 $0xffff, v7, v7;
	v3, _, _ =	vpop (xrf1)  }
0x20e: {  	(xrf1) =	vsort.dscd.msk.f32 $0xffff, v2, v2;
	v2 =	vmax.f32 v8, v10;
	v3 =	vmax.f32 v3, v4  }
0x20f: {  	(xrf1) =	vsort.ascd.msk.f32 $0xffff, v1, v1;
	v4 =	vmax.f32 v2, v3  }
0x210: {  	v1 =	vmin.f32 v2, v3;
	(xrf1) =	vsort.dscd.msk.f32 $0xffff, v4, v4  }
0x211: {  	(xrf1) =	vsort.dscd.msk.f32 $0xffff, v1, v1;
	_ =	sdelay $0x9  }
0x212: {  	v1, _, _ =	vpop (xrf1)  }
0x213: {  	v2, _, _ =	vpop (xrf1)  }
0x214: {  	v3, _, _ =	vpop (xrf1)  }
0x215: {  	v4, _, _ =	vpop (xrf1)  }
0x216: {  	v7, _, _ =	vpop (xrf1)  }
0x217: {  	v3 =	vmax.f32 v4, v3;
	v4 =	vmax.f32 v7, v11  }
0x218: {  	v1 =	vmax.f32 v1, v5;
	v0 =	vmax.f32 v2, v0;
	v2 =	vadd.f32 v4, v3  }
0x219: {  	(xrf2) =	vadd.scan.msk.f32 $0xffff, v6;
	v0 =	vadd.f32 v0, v1  }
0x21a: {  	(xrf2) =	vadd.scan.msk.f32 $0xffff, v2  }
0x21b: {  	s18 =	sadd.s32 s18, s15;
	(xrf2) =	vadd.scan.msk.f32 $0xffff, v0  }
0x21c: {  	s20 =	sadd.s32 $0x2, s18  }
0x21d: {  	s19 =	sadd.s32 s19, s15;
	v0 =	vmov s20  }
0x21e: {  	s28 =	sadd.s32 $0x2, s19;
	v0 =	vand.u32 $0xFFFFFFFE, v0  }
0x21f: {  	v1 =	vmov s28;
	v0 =	vbroadcast v0, $0x0  }
0x220: {  	s18 =	sadd.s32 $0x3, s18;
	v1 =	vand.u32 $0xFFFFFFFE, v1;
	v3, _, _ =	vpop (xrf2)  }
0x221: {  	v1 =	vbroadcast v1, $0x0;
	v2 =	vmov s18;
	v3 =	vmul.f32 $3.125000000e-02, v3  }
0x222: {  	s29 =	sadd.s32 $0x3, s19  }
0x223: {  	v5 =	vmov s29;
	v4, _, _ =	vpop (xrf2)  }
0x224: {  	v4 =	vmul.f32 $3.125000000e-02, v4;
	v6, _, _ =	vpop (xrf2)  }
0x225: {  	p0 =	seq.s32 s16, $0x6;
	[tilespmem:v0+s12+$0x0] =	vst.idx.msk vm0, v3;
	v0 =	vmul.f32 $3.125000000e-02, v6;
	v3, _, _ =	vpop (xrf2)  }
0x226: {  	s17 =	sadd.s32 @!p0 s17, s7;
	[tilespmem:v2+s12+$0x0] =	vst.idx.msk vm0, v4;
	v2 =	vmul.f32 $3.125000000e-02, v3  }
0x227: {  	s17 =	smul.u32 @!p0 $0x180, s17;
	[tilespmem:v1+s12+$0x0] =	vst.idx.msk vm0, v0  }
0x228: {  	[tilespmem:v5+s12+$0x0] =	vst.idx.msk vm0, v2  }
0x229: {  	s17 =	sadd.s32 @!p0 s4, s17;
	_ =	swait.ge [sflag:s10], $0xA800  }
0x22a: {  	s30 =	simm.s32 $0xA980;
	s17 =	sshrl.u32 @!p0 s17, $0x3;
	[sflag:s10] =	ssyncset.done $0x0  }
0x22b: {  	s17 =	sadd.s32 @!p0 s5, s17;
	s18 =	simm.s32 @!p0 $0x0;
	[sflag:s10] =	ssyncadd.s32 $0xFFFF5800  }
0x22c: {  	[tilespmem:s18], [sflag:$0x1] =	stream.linear.gather @!p0 [hbm4b:s17+s18], $0xA800, $0x38;
	[tilespmem:$0x15620] =	vst v63  }
0x22d: {  	v0 =	vld [tilespmem:s30+$0xFFFFFEB0]  }
0x22e: {  	v1 =	vld [tilespmem:s30+$0x40]  }
0x22f: {  	v2 =	vld [tilespmem:s30+$0xFFFFFEE0]  }
0x230: {  	v3 =	vld [tilespmem:s30+$0x50]  }
0x231: {  	v4 =	vld [tilespmem:s30+$0xFFFFFE80]  }
0x232: {  	v5 =	vld [tilespmem:s30+$0xFFFFFED0];
	(xrf1) =	vsort.ascd.msk.f32 $0xffff, v0, v0  }
0x233: {  	v0 =	vld [tilespmem:s30+$0x30];
	(xrf1) =	vsort.dscd.msk.f32 $0xffff, v1, v1  }
0x234: {  	v1 =	vld [tilespmem:s30+$0xFFFFFE90];
	(xrf1) =	vsort.dscd.msk.f32 $0xffff, v2, v2  }
0x235: {  	(xrf1) =	vsort.ascd.msk.f32 $0xffff, v3, v3  }
0x236: {  	v2 =	vld [tilespmem:s30+$0xFFFFFEA0];
	(xrf1) =	vsort.dscd.msk.f32 $0xffff, v4, v4  }
0x237: {  	(xrf1) =	vsort.ascd.msk.f32 $0xffff, v5, v5  }
0x238: {  	v3 =	vld [tilespmem:s30+$0x10];
	(xrf1) =	vsort.ascd.msk.f32 $0xffff, v0, v0  }
0x239: {  	v4 =	vld [tilespmem:s30+$0xFFFFFEF0];
	(xrf1) =	vsort.ascd.msk.f32 $0xffff, v1, v1  }
0x23a: {  	v5 =	vld [tilespmem:s30+$0x0]  }
0x23b: {  	v0 =	vld [tilespmem:s30+$0x20];
	(xrf1) =	vsort.dscd.msk.f32 $0xffff, v2, v2  }
0x23c: {  	v1 =	vld [tilespmem:s30+$0x60]  }
0x23d: {  	(xrf1) =	vsort.ascd.msk.f32 $0xffff, v3, v3  }
0x23e: {  	v2 =	vld [tilespmem:s30+$0x70];
	(xrf1) =	vsort.ascd.msk.f32 $0xffff, v4, v4  }
0x23f: {  	v3 =	vld [tilespmem:s30+$0xFFFFFF00];
	(xrf1) =	vsort.dscd.msk.f32 $0xffff, v5, v5  }
0x240: {  	(xrf1) =	vsort.dscd.msk.f32 $0xffff, v0, v0;
	v0 =	vld [tilespmem:s30+$0xFFFFFF10];
	v4, _, _ =	vpop (xrf1)  }
0x241: {  	(xrf1) =	vsort.dscd.msk.f32 $0xffff, v1, v1;
	v1 =	vld [tilespmem:s30+$0x80];
	v5, _, _ =	vpop (xrf1)  }
0x242: {  	v7, _, _ =	vpop (xrf1)  }
0x243: {  	(xrf1) =	vsort.ascd.msk.f32 $0xffff, v2, v2;
	v2 =	vld [tilespmem:s30+$0x90];
	v8, _, _ =	vpop (xrf1)  }
0x244: {  	v6 =	vld [tilespmem:s30+$0xFFFFFF20];
	(xrf1) =	vsort.dscd.msk.f32 $0xffff, v3, v3;
	v9, _, _ =	vpop (xrf1)  }
0x245: {  	v3 =	vld [tilespmem:s30+$0xFFFFFEC0];
	(xrf1) =	vsort.ascd.msk.f32 $0xffff, v0, v0;
	v10, _, _ =	vpop (xrf1)  }
0x246: {  	(xrf1) =	vsort.dscd.msk.f32 $0xffff, v1, v1;
	v1, _, _ =	vpop (xrf1)  }
0x247: {  	v0, _, _ =	vpop (xrf1)  }
0x248: {  	(xrf1) =	vsort.ascd.msk.f32 $0xffff, v2, v2;
	v2 =	vmax.f32 v9, v0  }
0x249: {  	(xrf1) =	vsort.dscd.msk.f32 $0xffff, v6, v6;
	v6, _, _ =	vpop (xrf1)  }
0x24a: {  	(xrf1) =	vsort.dscd.msk.f32 $0xffff, v3, v3;
	v3 =	vmax.f32 v6, v4  }
0x24b: {  	(xrf1) =	vsort.dscd.msk.f32 $0xffff, v2, v2;
	v2, _, _ =	vpop (xrf1)  }
0x24c: {  	v4 =	vmin.f32 v6, v4;
	(xrf1) =	vsort.ascd.msk.f32 $0xffff, v3, v3;
	v11, _, _ =	vpop (xrf1)  }
0x24d: {  	v0 =	vmin.f32 v9, v0;
	(xrf1) =	vsort.ascd.msk.f32 $0xffff, v4, v4;
	v3, _, _ =	vpop (xrf1)  }
0x24e: {  	v4 =	vld [tilespmem:s30+$0xFFFFFF30];
	(xrf1) =	vsort.dscd.msk.f32 $0xffff, v0, v0;
	v6 =	vmax.f32 v3, v2;
	v9, _, _ =	vpop (xrf1)  }
0x24f: {  	v12 =	vmin.f32 v9, v1;
	(xrf1) =	vsort.dscd.msk.f32 $0xffff, v6, v6  }
0x250: {  	v13, _, _ =	vpop (xrf1);
	v1 =	vmax.f32 v9, v1;
	(xrf1) =	vsort.ascd.msk.f32 $0xffff, v12, v12  }
0x251: {  	v0 =	vld [tilespmem:s30+$0xFFFFFFD0];
	v2 =	vmin.f32 v3, v2;
	v9, _, _ =	vpop (xrf1);
	(xrf1) =	vsort.ascd.msk.f32 $0xffff, v1, v1  }
0x252: {  	v6 =	vld [tilespmem:s30+$0xA0];
	v14, _, _ =	vpop (xrf1);
	(xrf1) =	vsort.dscd.msk.f32 $0xffff, v2, v2  }
0x253: {  	v1 =	vld [tilespmem:s30+$0xB0];
	(xrf1) =	vsort.ascd.msk.f32 $0xffff, v4, v4  }
0x254: {  	v4, _, _ =	vpop (xrf1)  }
0x255: {  	v15, _, _ =	vpop (xrf1)  }
0x256: {  	v16, _, _ =	vpop (xrf1)  }
0x257: {  	v3, _, _ =	vpop (xrf1)  }
0x258: {  	v2 =	vld [tilespmem:s30+$0xFFFFFF40];
	(xrf1) =	vsort.dscd.msk.f32 $0xffff, v6, v6;
	v17, _, _ =	vpop (xrf1)  }
0x259: {  	v12 =	vld [tilespmem:s30+$0xFFFFFF50];
	(xrf1) =	vsort.ascd.msk.f32 $0xffff, v1, v1;
	v1 =	vmax.f32 v17, v10  }
0x25a: {  	v6 =	vld [tilespmem:s30+$0xC0];
	v18, _, _ =	vpop (xrf1)  }
0x25b: {  	v19, _, _ =	vpop (xrf1)  }
0x25c: {  	(xrf1) =	vsort.ascd.msk.f32 $0xffff, v1, v1;
	v1, _, _ =	vpop (xrf1)  }
0x25d: {  	(xrf1) =	vsort.dscd.msk.f32 $0xffff, v2, v2;
	v2 =	vmin.f32 v17, v10;
	v10, _, _ =	vpop (xrf1)  }
0x25e: {  	(xrf1) =	vsort.ascd.msk.f32 $0xffff, v12, v12;
	v1 =	vmax.f32 v18, v1;
	v10 =	vmax.f32 v10, v19  }
0x25f: {  	(xrf1) =	vsort.dscd.msk.f32 $0xffff, v6, v6;
	v6 =	vmax.f32 v1, v10  }
0x260: {  	v12, _, _ =	vpop (xrf1);
	v1 =	vmin.f32 v1, v10  }
0x261: {  	(xrf1) =	vsort.ascd.msk.f32 $0xffff, v2, v2;
	v2, _, _ =	vpop (xrf1)  }
0x262: {  	(xrf1) =	vsort.dscd.msk.f32 $0xffff, v6, v6;
	v6, _, _ =	vpop (xrf1)  }
0x263: {  	v10 =	vmax.f32 v5, v8;
	(xrf1) =	vsort.dscd.msk.f32 $0xffff, v1, v1;
	v1, _, _ =	vpop (xrf1)  }
0x264: {  	v5 =	vmin.f32 v5, v8;
	v2 =	vmax.f32 v12, v2;
	v1 =	vmax.f32 v1, v6  }
0x265: {  	(xrf1) =	vsort.ascd.msk.f32 $0xffff, v5, v5;
	v5 =	vmin.f32 v2, v1  }
0x266: {  	(xrf1) =	vsort.ascd.msk.f32 $0xffff, v10, v10  }
0x267: {  	v1 =	vmax.f32 v2, v1;
	(xrf1) =	vsort.dscd.msk.f32 $0xffff, v5, v5  }
0x268: {  	(xrf1) =	vsort.dscd.msk.f32 $0xffff, v1, v1;
	v1 =	vld [tilespmem:s30+$0xD0];
	v5, _, _ =	vpop (xrf1)  }
0x269: {  	v17, _, _ =	vpop (xrf1)  }
0x26a: {  	v10 =	vld [tilespmem:s30+$0xE0];
	v18, _, _ =	vpop (xrf1)  }
0x26b: {  	v12 =	vld [tilespmem:s30+$0xF0];
	v2 =	vmin.f32 v7, v11;
	v19, _, _ =	vpop (xrf1)  }
0x26c: {  	v6, _, _ =	vpop (xrf1)  }
0x26d: {  	(xrf1) =	vsort.ascd.msk.f32 $0xffff, v1, v1;
	v8, _, _ =	vpop (xrf1)  }
0x26e: {  	v7 =	vmax.f32 v7, v11;
	v1 =	vld [tilespmem:s30+$0x100];
	(xrf1) =	vsort.ascd.msk.f32 $0xffff, v2, v2;
	v2, _, _ =	vpop (xrf1)  }
0x26f: {  	v20 =	vld [tilespmem:s30+$0x110];
	(xrf1) =	vsort.dscd.msk.f32 $0xffff, v10, v10;
	v10, _, _ =	vpop (xrf1)  }
0x270: {  	(xrf1) =	vsort.ascd.msk.f32 $0xffff, v12, v12;
	v11, _, _ =	vpop (xrf1)  }
0x271: {  	(xrf1) =	vsort.ascd.msk.f32 $0xffff, v7, v7;
	v7, _, _ =	vpop (xrf1)  }
0x272: {  	v10 =	vmax.f32 v11, v10;
	v7 =	vmax.f32 v7, v19  }
0x273: {  	(xrf1) =	vsort.dscd.msk.f32 $0xffff, v1, v1;
	v1 =	vmin.f32 v10, v7  }
0x274: {  	v11, _, _ =	vpop (xrf1);
	(xrf1) =	vsort.ascd.msk.f32 $0xffff, v20, v20;
	v7 =	vmax.f32 v10, v7  }
0x275: {  	v12, _, _ =	vpop (xrf1);
	(xrf1) =	vsort.dscd.msk.f32 $0xffff, v1, v1  }
0x276: {  	(xrf1) =	vsort.dscd.msk.f32 $0xffff, v7, v7;
	v1, _, _ =	vpop (xrf1)  }
0x277: {  	v10 =	vmax.f32 v13, v9;
	v9 =	vmin.f32 v13, v9;
	v7, _, _ =	vpop (xrf1)  }
0x278: {  	(xrf1) =	vsort.ascd.msk.f32 $0xffff, v10, v10;
	v1 =	vmax.f32 v1, v12;
	v7 =	vmax.f32 v7, v11  }
0x279: {  	(xrf1) =	vsort.ascd.msk.f32 $0xffff, v9, v9;
	v10 =	vmin.f32 v7, v1;
	v1 =	vmax.f32 v7, v1;
	v7 =	vld [tilespmem:s30+$0x120]  }
0x27a: {  	v9 =	vld [tilespmem:s30+$0x130];
	(xrf1) =	vsort.dscd.msk.f32 $0xffff, v10, v10  }
0x27b: {  	v10 =	vld [tilespmem:s30+$0x150];
	(xrf1) =	vsort.dscd.msk.f32 $0xffff, v1, v1  }
0x27c: {  	v13, _, _ =	vpop (xrf1)  }
0x27d: {  	v11 =	vld [tilespmem:s30+$0xFFFFFF60];
	v19, _, _ =	vpop (xrf1)  }
0x27e: {  	v1, _, _ =	vpop (xrf1);
	(xrf1) =	vsort.dscd.msk.f32 $0xffff, v7, v7  }
0x27f: {  	v20 =	vld [tilespmem:s30+$0xFFFFFF70];
	v12, _, _ =	vpop (xrf1);
	(xrf1) =	vsort.ascd.msk.f32 $0xffff, v9, v9  }
0x280: {  	v7 =	vld [tilespmem:s30+$0x140];
	v9, _, _ =	vpop (xrf1);
	(xrf1) =	vsort.ascd.msk.f32 $0xffff, v10, v10;
	v10 =	vmin.f32 v14, v4  }
0x281: {  	v21, _, _ =	vpop (xrf1)  }
0x282: {  	(xrf1) =	vsort.dscd.msk.f32 $0xffff, v11, v11;
	v22, _, _ =	vpop (xrf1)  }
0x283: {  	(xrf1) =	vsort.ascd.msk.f32 $0xffff, v10, v10;
	v10, _, _ =	vpop (xrf1)  }
0x284: {  	v4 =	vmax.f32 v14, v4;
	(xrf1) =	vsort.ascd.msk.f32 $0xffff, v20, v20;
	v11, _, _ =	vpop (xrf1)  }
0x285: {  	(xrf1) =	vsort.dscd.msk.f32 $0xffff, v7, v7;
	v7 =	vmax.f32 v10, v9;
	v9 =	vmax.f32 v11, v19  }
0x286: {  	v10, _, _ =	vpop (xrf1);
	(xrf1) =	vsort.ascd.msk.f32 $0xffff, v4, v4;
	v11 =	vmin.f32 v9, v7;
	v7 =	vmax.f32 v9, v7  }
0x287: {  	v4, _, _ =	vpop (xrf1);
	(xrf1) =	vsort.dscd.msk.f32 $0xffff, v11, v11  }
0x288: {  	v9, _, _ =	vpop (xrf1);
	(xrf1) =	vsort.dscd.msk.f32 $0xffff, v7, v7  }
0x289: {  	v14 =	vmax.f32 v15, v16;
	v11 =	vmin.f32 v15, v16;
	v7, _, _ =	vpop (xrf1)  }
0x28a: {  	v9 =	vmax.f32 v9, v10;
	(xrf1) =	vsort.ascd.msk.f32 $0xffff, v14, v14;
	v4 =	vmax.f32 v7, v4  }
0x28b: {  	(xrf1) =	vsort.ascd.msk.f32 $0xffff, v11, v11;
	v7 =	vmax.f32 v4, v9  }
0x28c: {  	v4 =	vmin.f32 v4, v9;
	(xrf1) =	vsort.dscd.msk.f32 $0xffff, v7, v7;
	v7 =	vld [tilespmem:s30+$0xFFFFFF80]  }
0x28d: {  	v10, _, _ =	vpop (xrf1);
	(xrf1) =	vsort.dscd.msk.f32 $0xffff, v4, v4;
	v4 =	vld [tilespmem:s30+$0xFFFFFF90]  }
0x28e: {  	v9 =	vld [tilespmem:s30+$0x160];
	v11, _, _ =	vpop (xrf1)  }
0x28f: {  	v14 =	vld [tilespmem:s30+$0xFFFFFFA0];
	v20, _, _ =	vpop (xrf1)  }
0x290: {  	v15 =	vld [tilespmem:s30+$0x170];
	v23, _, _ =	vpop (xrf1)  }
0x291: {  	v16, _, _ =	vpop (xrf1);
	(xrf1) =	vsort.dscd.msk.f32 $0xffff, v7, v7  }
0x292: {  	v55, _, _ =	vpop (xrf1);
	(xrf1) =	vsort.ascd.msk.f32 $0xffff, v4, v4  }
0x293: {  	v25, _, _ =	vpop (xrf1);
	(xrf1) =	vsort.dscd.msk.f32 $0xffff, v9, v9  }
0x294: {  	v4, _, _ =	vpop (xrf1);
	(xrf1) =	vsort.dscd.msk.f32 $0xffff, v14, v14  }
0x295: {  	(xrf1) =	vsort.ascd.msk.f32 $0xffff, v15, v15;
	v7, _, _ =	vpop (xrf1)  }
0x296: {  	v9 =	vmax.f32 v3, v5;
	v3 =	vmin.f32 v3, v5;
	(xrf1) =	vsort.ascd.msk.f32 $0xffff, v0, v0;
	v0, _, _ =	vpop (xrf1)  }
0x297: {  	(xrf1) =	vsort.ascd.msk.f32 $0xffff, v3, v3;
	v3 =	vmax.f32 v7, v4;
	v0 =	vmax.f32 v0, v16  }
0x298: {  	v5 =	vmax.f32 v0, v3;
	(xrf1) =	vsort.ascd.msk.f32 $0xffff, v9, v9  }
0x299: {  	v4, _, _ =	vpop (xrf1);
	v0 =	vmin.f32 v0, v3;
	(xrf1) =	vsort.dscd.msk.f32 $0xffff, v5, v5  }
0x29a: {  	v7, _, _ =	vpop (xrf1);
	(xrf1) =	vsort.dscd.msk.f32 $0xffff, v0, v0  }
0x29b: {  	v3, _, _ =	vpop (xrf1)  }
0x29c: {  	v14 =	vld [tilespmem:s30+$0xFFFFFFE0];
	v9 =	vmax.f32 v17, v18;
	v5 =	vmin.f32 v17, v18;
	v0, _, _ =	vpop (xrf1)  }
0x29d: {  	v3 =	vmax.f32 v3, v7;
	v7 =	vld [tilespmem:s30+$0xFFFFFFF0];
	(xrf1) =	vsort.ascd.msk.f32 $0xffff, v9, v9;
	v0 =	vmax.f32 v0, v4  }
0x29e: {  	(xrf1) =	vsort.ascd.msk.f32 $0xffff, v5, v5;
	v4 =	vmax.f32 v3, v0  }
0x29f: {  	v0 =	vmin.f32 v3, v0;
	(xrf1) =	vsort.dscd.msk.f32 $0xffff, v4, v4;
	v15, _, _ =	vpop (xrf1)  }
0x2a0: {  	(xrf1) =	vsort.dscd.msk.f32 $0xffff, v0, v0;
	v16, _, _ =	vpop (xrf1)  }
0x2a1: {  	v0 =	vld [tilespmem:s30+$0xFFFFFFC0];
	(xrf1) =	vsort.dscd.msk.f32 $0xffff, v14, v14;
	v18, _, _ =	vpop (xrf1)  }
0x2a2: {  	(xrf1) =	vsort.ascd.msk.f32 $0xffff, v7, v7;
	v9, _, _ =	vpop (xrf1)  }
0x2a3: {  	v4 =	vld [tilespmem:s30+$0xFFFFFFB0];
	v19, _, _ =	vpop (xrf1)  }
0x2a4: {  	v7 =	vmax.f32 v2, v13;
	v3, _, _ =	vpop (xrf1)  }
0x2a5: {  	v5, _, _ =	vpop (xrf1)  }
0x2a6: {  	(xrf1) =	vsort.dscd.msk.f32 $0xffff, v0, v0;
	v0, _, _ =	vpop (xrf1)  }
0x2a7: {  	(xrf1) =	vsort.ascd.msk.f32 $0xffff, v7, v7;
	v7, _, _ =	vpop (xrf1)  }
0x2a8: {  	(xrf1) =	vsort.ascd.msk.f32 $0xffff, v4, v4;
	v4, _, _ =	vpop (xrf1)  }
0x2a9: {  	v26 =	vmax.f32 v7, v5;
	v27 =	vmax.f32 v4, v0  }
0x2aa: {  	v14 =	vmin.f32 v10, v11;
	v4 =	vmin.f32 v26, v27  }
0x2ab: {  	v17 =	vmax.f32 v18, v19;
	(xrf1) =	vsort.ascd.msk.f32 $0xffff, v14, v14;
	v0, _, _ =	vpop (xrf1)  }
0x2ac: {  	(xrf1) =	vsort.ascd.msk.f32 $0xffff, v17, v17;
	v5, _, _ =	vpop (xrf1)  }
0x2ad: {  	v2 =	vmin.f32 v2, v13;
	v7 =	vmin.f32 v25, v20;
	(xrf1) =	vsort.dscd.msk.f32 $0xffff, v4, v4;
	v4, _, _ =	vpop (xrf1)  }
0x2ae: {  	v13 =	vmax.f32 v21, v22;
	(xrf1) =	vsort.ascd.msk.f32 $0xffff, v7, v7;
	v14, _, _ =	vpop (xrf1)  }
0x2af: {  	(xrf1) =	vsort.ascd.msk.f32 $0xffff, v2, v2;
	v4 =	vmax.f32 v4, v5;
	v5 =	vmax.f32 v14, v0;
	v0, _, _ =	vpop (xrf1)  }
0x2b0: {  	(xrf1) =	vsort.ascd.msk.f32 $0xffff, v13, v13;
	v7 =	vmax.f32 v4, v5;
	v2, _, _ =	vpop (xrf1)  }
0x2b1: {  	v13 =	vmax.f32 v0, v2;
	(xrf1) =	vsort.dscd.msk.f32 $0xffff, v7, v7  }
0x2b2: {  	v4 =	vmin.f32 v4, v5;
	(xrf1) =	vsort.ascd.msk.f32 $0xffff, v13, v13  }
0x2b3: {  	(xrf1) =	vsort.dscd.msk.f32 $0xffff, v4, v4;
	_ =	sdelay $0x1  }
0x2b4: {  	v7, _, _ =	vpop (xrf1)  }
0x2b5: {  	v4 =	vmin.f32 v7, v3  }
0x2b6: {  	v17, _, _ =	vpop (xrf1);
	(xrf1) =	vsort.ascd.msk.f32 $0xffff, v4, v4;
	v4 =	vmax.f32 v15, v16  }
0x2b7: {  	v5 =	vmin.f32 v21, v22;
	v14, _, _ =	vpop (xrf1)  }
0x2b8: {  	(xrf1) =	vsort.ascd.msk.f32 $0xffff, v5, v5;
	v13, _, _ =	vpop (xrf1);
	v5 =	vmin.f32 v9, v14  }
0x2b9: {  	(xrf1) =	vsort.ascd.msk.f32 $0xffff, v4, v4;
	v4, _, _ =	vpop (xrf1)  }
0x2ba: {  	v20 =	vmax.f32 v25, v20;
	v21 =	vmin.f32 v1, v12;
	(xrf1) =	vsort.ascd.msk.f32 $0xffff, v5, v5;
	v22, _, _ =	vpop (xrf1)  }
0x2bb: {  	(xrf1) =	vsort.ascd.msk.f32 $0xffff, v20, v20;
	v5, _, _ =	vpop (xrf1)  }
0x2bc: {  	v20 =	vmax.f32 v6, v8;
	(xrf1) =	vsort.ascd.msk.f32 $0xffff, v21, v21;
	v56, _, _ =	vpop (xrf1)  }
0x2bd: {  	v28 =	vmin.f32 v23, v55;
	(xrf1) =	vsort.ascd.msk.f32 $0xffff, v20, v20;
	v21, _, _ =	vpop (xrf1)  }
0x2be: {  	v20 =	vmax.f32 v26, v27;
	(xrf1) =	vsort.ascd.msk.f32 $0xffff, v28, v28;
	v57, _, _ =	vpop (xrf1)  }
0x2bf: {  	s31 =	simm.s32 $0xAC80;
	v12 =	vmax.f32 v1, v12;
	(xrf1) =	vsort.dscd.msk.f32 $0xffff, v20, v20;
	v1, _, _ =	vpop (xrf1)  }
0x2c0: {  	v6 =	vmin.f32 v6, v8;
	v8 =	vmax.f32 v23, v55;
	v20 =	vld [tilespmem:s31+$0xFFFFFEB0];
	(xrf1) =	vsort.ascd.msk.f32 $0xffff, v12, v12;
	v23, _, _ =	vpop (xrf1)  }
0x2c1: {  	v12 =	vld [tilespmem:s31+$0x40];
	(xrf1) =	vsort.ascd.msk.f32 $0xffff, v6, v6;
	v58 =	vmax.f32 v57, v56;
	v17 =	vmax.f32 v23, v17  }
0x2c2: {  	(xrf1) =	vsort.ascd.msk.f32 $0xffff, v8, v8;
	v23 =	vld [tilespmem:s31+$0xFFFFFEE0];
	v6 =	vmax.f32 v58, v17  }
0x2c3: {  	v8 =	vld [tilespmem:s31+$0x50];
	v17 =	vmin.f32 v58, v17;
	(xrf1) =	vsort.dscd.msk.f32 $0xffff, v6, v6  }
0x2c4: {  	v59 =	vld [tilespmem:s31+$0xFFFFFE80];
	(xrf1) =	vsort.dscd.msk.f32 $0xffff, v17, v17  }
0x2c5: {  	v60 =	vld [tilespmem:s31+$0xFFFFFED0];
	v6, _, _ =	vpop (xrf1);
	(xrf1) =	vsort.ascd.msk.f32 $0xffff, v20, v20  }
0x2c6: {  	v20 =	vld [tilespmem:s31+$0x30];
	v24, _, _ =	vpop (xrf1);
	(xrf1) =	vsort.dscd.msk.f32 $0xffff, v12, v12  }
0x2c7: {  	v61 =	vld [tilespmem:s31+$0xFFFFFE90];
	v17, _, _ =	vpop (xrf1);
	(xrf1) =	vsort.dscd.msk.f32 $0xffff, v23, v23  }
0x2c8: {  	v12, _, _ =	vpop (xrf1);
	(xrf1) =	vsort.ascd.msk.f32 $0xffff, v8, v8  }
0x2c9: {  	v23 =	vld [tilespmem:s31+$0xFFFFFEA0];
	v8, _, _ =	vpop (xrf1);
	(xrf1) =	vsort.dscd.msk.f32 $0xffff, v59, v59  }
0x2ca: {  	v62 =	vld [tilespmem:s31+$0x10];
	v63, _, _ =	vpop (xrf1);
	(xrf1) =	vsort.ascd.msk.f32 $0xffff, v60, v60  }
0x2cb: {  	v29 =	vld [tilespmem:s31+$0xFFFFFEF0];
	v42, _, _ =	vpop (xrf1);
	(xrf1) =	vsort.ascd.msk.f32 $0xffff, v20, v20  }
0x2cc: {  	v30 =	vld [tilespmem:s31+$0x0];
	v20, _, _ =	vpop (xrf1);
	(xrf1) =	vsort.ascd.msk.f32 $0xffff, v61, v61  }
0x2cd: {  	v31 =	vld [tilespmem:s31+$0x20];
	v43, _, _ =	vpop (xrf1)  }
0x2ce: {  	v32 =	vld [tilespmem:s31+$0x60];
	(xrf1) =	vsort.dscd.msk.f32 $0xffff, v23, v23;
	v44, _, _ =	vpop (xrf1)  }
0x2cf: {  	v23 =	vld [tilespmem:s31+$0x70];
	(xrf1) =	vsort.ascd.msk.f32 $0xffff, v62, v62;
	v45, _, _ =	vpop (xrf1)  }
0x2d0: {  	(xrf1) =	vsort.ascd.msk.f32 $0xffff, v29, v29;
	v46, _, _ =	vpop (xrf1)  }
0x2d1: {  	(xrf1) =	vsort.dscd.msk.f32 $0xffff, v30, v30;
	v47, _, _ =	vpop (xrf1)  }
0x2d2: {  	v33 =	vld [tilespmem:s31+$0xFFFFFF00];
	(xrf1) =	vsort.dscd.msk.f32 $0xffff, v31, v31;
	v49, _, _ =	vpop (xrf1)  }
0x2d3: {  	v48 =	vld [tilespmem:s31+$0xFFFFFF10];
	v22 =	vmax.f32 v22, v42;
	v27 =	vmax.f32 v43, v45;
	(xrf1) =	vsort.dscd.msk.f32 $0xffff, v32, v32;
	v34, _, _ =	vpop (xrf1)  }
0x2d4: {  	v50 =	vld [tilespmem:s31+$0x80];
	(xrf1) =	vsort.ascd.msk.f32 $0xffff, v23, v23;
	v23 =	vmax.f32 v27, v22;
	v36, _, _ =	vpop (xrf1)  }
0x2d5: {  	v35 =	vld [tilespmem:s31+$0x90];
	v22 =	vmin.f32 v27, v22;
	(xrf1) =	vsort.dscd.msk.f32 $0xffff, v23, v23;
	v37, _, _ =	vpop (xrf1)  }
0x2d6: {  	v23 =	vld [tilespmem:s31+$0xFFFFFF20];
	(xrf1) =	vsort.dscd.msk.f32 $0xffff, v22, v22;
	v51, _, _ =	vpop (xrf1)  }
0x2d7: {  	v22 =	vld [tilespmem:s31+$0xFFFFFEC0];
	(xrf1) =	vsort.dscd.msk.f32 $0xffff, v33, v33;
	v52, _, _ =	vpop (xrf1)  }
0x2d8: {  	(xrf1) =	vsort.ascd.msk.f32 $0xffff, v48, v48;
	v53, _, _ =	vpop (xrf1)  }
0x2d9: {  	(xrf1) =	vsort.dscd.msk.f32 $0xffff, v50, v50;
	v54, _, _ =	vpop (xrf1)  }
0x2da: {  	(xrf1) =	vsort.ascd.msk.f32 $0xffff, v35, v35;
	v55, _, _ =	vpop (xrf1)  }
0x2db: {  	(xrf1) =	vsort.dscd.msk.f32 $0xffff, v23, v23;
	v23 =	vmax.f32 v52, v55  }
0x2dc: {  	v38, _, _ =	vpop (xrf1);
	(xrf1) =	vsort.dscd.msk.f32 $0xffff, v22, v22  }
0x2dd: {  	v22 =	vmax.f32 v38, v34;
	(xrf1) =	vsort.dscd.msk.f32 $0xffff, v23, v23  }
0x2de: {  	v23, _, _ =	vpop (xrf1);
	(xrf1) =	vsort.ascd.msk.f32 $0xffff, v22, v22;
	v22 =	vmin.f32 v52, v55  }
0x2df: {  	v34 =	vmin.f32 v38, v34;
	v56, _, _ =	vpop (xrf1)  }
0x2e0: {  	(xrf1) =	vsort.ascd.msk.f32 $0xffff, v34, v34;
	v57, _, _ =	vpop (xrf1)  }
0x2e1: {  	(xrf1) =	vsort.dscd.msk.f32 $0xffff, v22, v22;
	v22, _, _ =	vpop (xrf1)  }
0x2e2: {  	v59 =	vmax.f32 v57, v23;
	v39 =	vmin.f32 v22, v54;
	v22 =	vmax.f32 v22, v54  }
0x2e3: {  	v58 =	vld [tilespmem:s31+$0xFFFFFF30];
	v23 =	vmin.f32 v57, v23;
	(xrf1) =	vsort.dscd.msk.f32 $0xffff, v59, v59;
	v35, _, _ =	vpop (xrf1)  }
0x2e4: {  	v40 =	vld [tilespmem:s31+$0xA0];
	(xrf1) =	vsort.ascd.msk.f32 $0xffff, v39, v39;
	v32, _, _ =	vpop (xrf1)  }
0x2e5: {  	(xrf1) =	vsort.ascd.msk.f32 $0xffff, v22, v22;
	v22, _, _ =	vpop (xrf1)  }
0x2e6: {  	v25 =	vmax.f32 v47, v63;
	(xrf1) =	vsort.dscd.msk.f32 $0xffff, v23, v23;
	v23, _, _ =	vpop (xrf1)  }
0x2e7: {  	v60 =	vld [tilespmem:s31+$0xB0];
	v26 =	vmax.f32 v49, v44;
	v27, _, _ =	vpop (xrf1)  }
0x2e8: {  	(xrf1) =	vsort.ascd.msk.f32 $0xffff, v58, v58;
	v28, _, _ =	vpop (xrf1)  }
0x2e9: {  	v31 =	vmax.f32 v25, v26;
	v61 =	vmin.f32 v25, v26;
	(xrf1) =	vsort.dscd.msk.f32 $0xffff, v40, v40;
	v25, _, _ =	vpop (xrf1)  }
0x2ea: {  	(xrf1) =	vsort.dscd.msk.f32 $0xffff, v31, v31;
	v26, _, _ =	vpop (xrf1)  }
0x2eb: {  	v63 =	vmax.f32 v22, v20;
	v30 =	vmax.f32 v23, v46;
	(xrf1) =	vsort.dscd.msk.f32 $0xffff, v61, v61;
	v20, _, _ =	vpop (xrf1)  }
0x2ec: {  	v18 =	vmin.f32 v18, v19;
	v62 =	vld [tilespmem:s31+$0xFFFFFF40];
	v23 =	vmax.f32 v63, v30;
	(xrf1) =	vsort.ascd.msk.f32 $0xffff, v60, v60;
	v43, _, _ =	vpop (xrf1)  }
0x2ed: {  	v22 =	vld [tilespmem:s31+$0xFFFFFF50];
	(xrf1) =	vsort.dscd.msk.f32 $0xffff, v23, v23;
	v23 =	vmax.f32 v43, v53;
	_ =	sdelay $0x1  }
0x2ee: {  	v19 =	vld [tilespmem:s31+$0xC0];
	(xrf1) =	vsort.ascd.msk.f32 $0xffff, v18, v18;
	v18, _, _ =	vpop (xrf1)  }
0x2ef: {  	(xrf1) =	vsort.ascd.msk.f32 $0xffff, v23, v23;
	v23, _, _ =	vpop (xrf1)  }
0x2f0: {  	(xrf1) =	vsort.dscd.msk.f32 $0xffff, v62, v62;
	v44, _, _ =	vpop (xrf1)  }
0x2f1: {  	(xrf1) =	vsort.ascd.msk.f32 $0xffff, v22, v22;
	v22, _, _ =	vpop (xrf1)  }
0x2f2: {  	v18 =	vmax.f32 v18, v44;
	v22 =	vmax.f32 v22, v23  }
0x2f3: {  	(xrf1) =	vsort.dscd.msk.f32 $0xffff, v19, v19;
	v19 =	vmax.f32 v18, v22  }
0x2f4: {  	v29 =	vmin.f32 v43, v53;
	v23, _, _ =	vpop (xrf1);
	v18 =	vmin.f32 v18, v22  }
0x2f5: {  	(xrf1) =	vsort.ascd.msk.f32 $0xffff, v29, v29;
	v45, _, _ =	vpop (xrf1)  }
0x2f6: {  	(xrf1) =	vsort.dscd.msk.f32 $0xffff, v19, v19;
	v19, _, _ =	vpop (xrf1)  }
0x2f7: {  	v46 =	vmin.f32 v36, v51;
	(xrf1) =	vsort.dscd.msk.f32 $0xffff, v18, v18;
	v18, _, _ =	vpop (xrf1)  }
0x2f8: {  	v47 =	vld [tilespmem:s31+$0xD0];
	v22 =	vmax.f32 v36, v51;
	v29 =	vmax.f32 v23, v45;
	v18 =	vmax.f32 v18, v19  }
0x2f9: {  	(xrf1) =	vsort.ascd.msk.f32 $0xffff, v46, v46;
	v23, _, _ =	vpop (xrf1);
	v48 =	vmin.f32 v29, v18;
	v18 =	vmax.f32 v29, v18  }
0x2fa: {  	(xrf1) =	vsort.ascd.msk.f32 $0xffff, v22, v22;
	v19, _, _ =	vpop (xrf1)  }
0x2fb: {  	(xrf1) =	vsort.dscd.msk.f32 $0xffff, v48, v48;
	v49, _, _ =	vpop (xrf1)  }
0x2fc: {  	v10 =	vmax.f32 v10, v11;
	(xrf1) =	vsort.dscd.msk.f32 $0xffff, v18, v18;
	v18, _, _ =	vpop (xrf1)  }
0x2fd: {  	v50 =	vld [tilespmem:s31+$0xE0];
	(xrf1) =	vsort.ascd.msk.f32 $0xffff, v47, v47;
	v22, _, _ =	vpop (xrf1)  }
0x2fe: {  	v11 =	vmin.f32 v15, v16;
	v16 =	vld [tilespmem:s31+$0xF0];
	v15 =	vmin.f32 v37, v56;
	(xrf1) =	vsort.ascd.msk.f32 $0xffff, v10, v10;
	v51, _, _ =	vpop (xrf1)  }
0x2ff: {  	v24 =	vmax.f32 v49, v24;
	v18 =	vmax.f32 v18, v21;
	(xrf1) =	vsort.ascd.msk.f32 $0xffff, v11, v11;
	v10, _, _ =	vpop (xrf1)  }
0x300: {  	v21 =	vmax.f32 v24, v18;
	v52, _, _ =	vpop (xrf1);
	(xrf1) =	vsort.ascd.msk.f32 $0xffff, v15, v15  }
0x301: {  	v11, _, _ =	vpop (xrf1);
	(xrf1) =	vsort.dscd.msk.f32 $0xffff, v21, v21  }
0x302: {  	(xrf1) =	vsort.dscd.msk.f32 $0xffff, v50, v50;
	v15, _, _ =	vpop (xrf1)  }
0x303: {  	v21 =	vld [tilespmem:s31+$0x100];
	(xrf1) =	vsort.ascd.msk.f32 $0xffff, v16, v16;
	v16, _, _ =	vpop (xrf1)  }
0x304: {  	v30 =	vmin.f32 v63, v30;
	v55, _, _ =	vpop (xrf1)  }
0x305: {  	v54 =	vmax.f32 v37, v56;
	v53 =	vld [tilespmem:s31+$0x110];
	(xrf1) =	vsort.dscd.msk.f32 $0xffff, v30, v30;
	v56, _, _ =	vpop (xrf1)  }
0x306: {  	v18 =	vmin.f32 v24, v18;
	(xrf1) =	vsort.ascd.msk.f32 $0xffff, v54, v54;
	v57, _, _ =	vpop (xrf1)  }
0x307: {  	(xrf1) =	vsort.dscd.msk.f32 $0xffff, v18, v18;
	v18 =	vmax.f32 v56, v55;
	v24 =	vmax.f32 v57, v52  }
0x308: {  	(xrf1) =	vsort.dscd.msk.f32 $0xffff, v21, v21;
	v21 =	vmin.f32 v18, v24  }
0x309: {  	v58, _, _ =	vpop (xrf1);
	v18 =	vmax.f32 v18, v24  }
0x30a: {  	v59, _, _ =	vpop (xrf1);
	(xrf1) =	vsort.ascd.msk.f32 $0xffff, v53, v53  }
0x30b: {  	(xrf1) =	vsort.dscd.msk.f32 $0xffff, v21, v21;
	v21, _, _ =	vpop (xrf1)  }
0x30c: {  	v61 =	vmin.f32 v35, v32;
	(xrf1) =	vsort.dscd.msk.f32 $0xffff, v18, v18;
	v18, _, _ =	vpop (xrf1)  }
0x30d: {  	v60 =	vmax.f32 v35, v32;
	v62 =	vld [tilespmem:s31+$0x120];
	v21 =	vmax.f32 v21, v59;
	v29 =	vmax.f32 v18, v58;
	v18, _, _ =	vpop (xrf1)  }
0x30e: {  	v63 =	vld [tilespmem:s31+$0x130];
	(xrf1) =	vsort.ascd.msk.f32 $0xffff, v60, v60;
	v39 =	vmin.f32 v29, v21;
	v40, _, _ =	vpop (xrf1);
	v21 =	vmax.f32 v29, v21  }
0x30f: {  	(xrf1) =	vsort.ascd.msk.f32 $0xffff, v61, v61;
	v42, _, _ =	vpop (xrf1)  }
0x310: {  	v41 =	vld [tilespmem:s31+$0x150];
	(xrf1) =	vsort.dscd.msk.f32 $0xffff, v39, v39;
	v44, _, _ =	vpop (xrf1)  }
0x311: {  	v43 =	vld [tilespmem:s31+$0xFFFFFF60];
	(xrf1) =	vsort.dscd.msk.f32 $0xffff, v21, v21;
	v21, _, _ =	vpop (xrf1)  }
0x312: {  	v45 =	vmax.f32 v9, v14;
	(xrf1) =	vsort.dscd.msk.f32 $0xffff, v62, v62;
	v9, _, _ =	vpop (xrf1)  }
0x313: {  	v46 =	vld [tilespmem:s31+$0xFFFFFF70];
	(xrf1) =	vsort.ascd.msk.f32 $0xffff, v63, v63;
	v14, _, _ =	vpop (xrf1)  }
0x314: {  	(xrf1) =	vsort.ascd.msk.f32 $0xffff, v45, v45;
	v48, _, _ =	vpop (xrf1)  }
0x315: {  	v47 =	vld [tilespmem:s31+$0x140];
	(xrf1) =	vsort.ascd.msk.f32 $0xffff, v41, v41;
	v50, _, _ =	vpop (xrf1)  }
0x316: {  	v49 =	vmin.f32 v27, v28;
	v24 =	vmax.f32 v51, v42;
	(xrf1) =	vsort.dscd.msk.f32 $0xffff, v43, v43;
	v51, _, _ =	vpop (xrf1)  }
0x317: {  	v29 =	vmax.f32 v48, v17;
	(xrf1) =	vsort.ascd.msk.f32 $0xffff, v49, v49;
	v17, _, _ =	vpop (xrf1)  }
0x318: {  	v52 =	vmax.f32 v21, v13;
	v33 =	vmax.f32 v24, v29;
	(xrf1) =	vsort.ascd.msk.f32 $0xffff, v46, v46;
	v13, _, _ =	vpop (xrf1)  }
0x319: {  	v27 =	vmax.f32 v27, v28;
	v31 =	vmax.f32 v51, v40;
	(xrf1) =	vsort.dscd.msk.f32 $0xffff, v33, v33;
	v53, _, _ =	vpop (xrf1)  }
0x31a: {  	v24 =	vmin.f32 v24, v29;
	v21 =	vmax.f32 v52, v31;
	(xrf1) =	vsort.dscd.msk.f32 $0xffff, v47, v47;
	v54, _, _ =	vpop (xrf1)  }
0x31b: {  	(xrf1) =	vsort.dscd.msk.f32 $0xffff, v21, v21;
	v21 =	vmax.f32 v53, v50;
	v28 =	vmax.f32 v54, v44  }
0x31c: {  	v55, _, _ =	vpop (xrf1);
	(xrf1) =	vsort.dscd.msk.f32 $0xffff, v24, v24;
	v56 =	vmin.f32 v28, v21;
	v21 =	vmax.f32 v28, v21  }
0x31d: {  	(xrf1) =	vsort.ascd.msk.f32 $0xffff, v27, v27;
	v57, _, _ =	vpop (xrf1)  }
0x31e: {  	(xrf1) =	vsort.dscd.msk.f32 $0xffff, v56, v56;
	v58, _, _ =	vpop (xrf1)  }
0x31f: {  	v59 =	vmin.f32 v25, v26;
	v25 =	vmax.f32 v25, v26;
	(xrf1) =	vsort.dscd.msk.f32 $0xffff, v21, v21;
	v21, _, _ =	vpop (xrf1)  }
0x320: {  	v24 =	vmax.f32 v58, v55;
	v61 =	vmax.f32 v21, v57  }
0x321: {  	(xrf1) =	vsort.ascd.msk.f32 $0xffff, v25, v25;
	v21, _, _ =	vpop (xrf1);
	v27 =	vmax.f32 v61, v24;
	v24 =	vmin.f32 v61, v24  }
0x322: {  	v60 =	vld [tilespmem:s31+$0xFFFFFF80];
	(xrf1) =	vsort.ascd.msk.f32 $0xffff, v59, v59;
	v25, _, _ =	vpop (xrf1)  }
0x323: {  	v62 =	vld [tilespmem:s31+$0xFFFFFF90];
	(xrf1) =	vsort.dscd.msk.f32 $0xffff, v27, v27;
	v37, _, _ =	vpop (xrf1)  }
0x324: {  	v63 =	vld [tilespmem:s31+$0x160];
	(xrf1) =	vsort.dscd.msk.f32 $0xffff, v24, v24;
	v24, _, _ =	vpop (xrf1)  }
0x325: {  	v39 =	vld [tilespmem:s31+$0xFFFFFFA0];
	v38 =	vmin.f32 v52, v31;
	v41, _, _ =	vpop (xrf1)  }
0x326: {  	v40 =	vld [tilespmem:s31+$0x170];
	(xrf1) =	vsort.dscd.msk.f32 $0xffff, v38, v38;
	v42, _, _ =	vpop (xrf1)  }
0x327: {  	(xrf1) =	vsort.dscd.msk.f32 $0xffff, v60, v60;
	v44, _, _ =	vpop (xrf1)  }
0x328: {  	v43 =	vld [tilespmem:s31+$0xFFFFFFD0];
	(xrf1) =	vsort.ascd.msk.f32 $0xffff, v62, v62;
	v45, _, _ =	vpop (xrf1)  }
0x329: {  	v3 =	vmax.f32 v7, v3;
	(xrf1) =	vsort.dscd.msk.f32 $0xffff, v63, v63;
	v46, _, _ =	vpop (xrf1)  }
0x32a: {  	(xrf1) =	vsort.dscd.msk.f32 $0xffff, v39, v39;
	v7, _, _ =	vpop (xrf1)  }
0x32b: {  	(xrf1) =	vsort.ascd.msk.f32 $0xffff, v40, v40;
	v48, _, _ =	vpop (xrf1)  }
0x32c: {  	v47 =	vmin.f32 v20, v23;
	v20 =	vmax.f32 v20, v23;
	(xrf1) =	vsort.ascd.msk.f32 $0xffff, v3, v3;
	v3, _, _ =	vpop (xrf1)  }
0x32d: {  	v12 =	vmax.f32 v45, v12;
	(xrf1) =	vsort.ascd.msk.f32 $0xffff, v43, v43;
	v49 =	vmax.f32 v48, v37;
	v50, _, _ =	vpop (xrf1)  }
0x32e: {  	(xrf1) =	vsort.ascd.msk.f32 $0xffff, v47, v47;
	v51 =	vmax.f32 v12, v49;
	v12 =	vmin.f32 v12, v49;
	v23, _, _ =	vpop (xrf1)  }
0x32f: {  	(xrf1) =	vsort.dscd.msk.f32 $0xffff, v51, v51;
	v3 =	vmax.f32 v50, v3;
	v23 =	vmax.f32 v23, v42  }
0x330: {  	v52, _, _ =	vpop (xrf1);
	(xrf1) =	vsort.dscd.msk.f32 $0xffff, v12, v12;
	v12 =	vmax.f32 v23, v3  }
0x331: {  	v3 =	vmin.f32 v23, v3  }
0x332: {  	(xrf1) =	vsort.ascd.msk.f32 $0xffff, v20, v20;
	v20, _, _ =	vpop (xrf1)  }
0x333: {  	v23 =	vmin.f32 v19, v22;
	v19 =	vmax.f32 v19, v22;
	(xrf1) =	vsort.dscd.msk.f32 $0xffff, v12, v12;
	v12, _, _ =	vpop (xrf1)  }
0x334: {  	(xrf1) =	vsort.dscd.msk.f32 $0xffff, v3, v3;
	v3, _, _ =	vpop (xrf1)  }
0x335: {  	v22 =	vld [tilespmem:s31+$0xFFFFFFE0];
	v12 =	vmax.f32 v12, v20;
	v3 =	vmax.f32 v3, v52  }
0x336: {  	v20 =	vld [tilespmem:s31+$0xFFFFFFF0];
	(xrf1) =	vsort.ascd.msk.f32 $0xffff, v19, v19;
	v19, _, _ =	vpop (xrf1);
	v54 =	vmax.f32 v12, v3;
	v3 =	vmin.f32 v12, v3  }
0x337: {  	v53 =	vld [tilespmem:s31+$0xFFFFFFC0];
	v55, _, _ =	vpop (xrf1);
	(xrf1) =	vsort.ascd.msk.f32 $0xffff, v23, v23  }
0x338: {  	v23, _, _ =	vpop (xrf1);
	(xrf1) =	vsort.dscd.msk.f32 $0xffff, v54, v54  }
0x339: {  	(xrf1) =	vsort.dscd.msk.f32 $0xffff, v3, v3;
	v3, _, _ =	vpop (xrf1)  }
0x33a: {  	v56, _, _ =	vpop (xrf1);
	(xrf1) =	vsort.dscd.msk.f32 $0xffff, v22, v22  }
0x33b: {  	v5 =	vmax.f32 v7, v5;
	v8 =	vmax.f32 v19, v8;
	(xrf1) =	vsort.ascd.msk.f32 $0xffff, v20, v20;
	v19, _, _ =	vpop (xrf1)  }
0x33c: {  	v12 =	vld [tilespmem:s31+$0xFFFFFFB0];
	v7 =	vmax.f32 v5, v8;
	v5 =	vmin.f32 v5, v8;
	(xrf1) =	vsort.dscd.msk.f32 $0xffff, v53, v53;
	v20, _, _ =	vpop (xrf1)  }
0x33d: {  	v22, _, _ =	vpop (xrf1);
	(xrf1) =	vsort.dscd.msk.f32 $0xffff, v7, v7;
	v7 =	vmax.f32 v16, v18  }
0x33e: {  	v8, _, _ =	vpop (xrf1)  }
0x33f: {  	(xrf1) =	vsort.dscd.msk.f32 $0xffff, v5, v5;
	v5, _, _ =	vpop (xrf1)  }
0x340: {  	(xrf1) =	vsort.ascd.msk.f32 $0xffff, v7, v7;
	v7, _, _ =	vpop (xrf1);
	v5 =	vmax.f32 v5, v6  }
0x341: {  	v0 =	vmin.f32 v0, v2;
	v2 =	vmin.f32 v21, v25;
	(xrf1) =	vsort.ascd.msk.f32 $0xffff, v12, v12;
	v6, _, _ =	vpop (xrf1)  }
0x342: {  	(xrf1) =	vsort.ascd.msk.f32 $0xffff, v2, v2;
	v2 =	vmax.f32 v7, v20;
	v7, _, _ =	vpop (xrf1)  }
0x343: {  	v12 =	vmax.f32 v5, v2;
	(xrf1) =	vsort.ascd.msk.f32 $0xffff, v0, v0;
	v2 =	vmin.f32 v5, v2;
	v5, _, _ =	vpop (xrf1)  }
0x344: {  	(xrf1) =	vsort.dscd.msk.f32 $0xffff, v12, v12;
	v57 =	vmax.f32 v7, v8;
	v6 =	vmax.f32 v5, v6  }
0x345: {  	v5, _, _ =	vpop (xrf1);
	(xrf1) =	vsort.dscd.msk.f32 $0xffff, v2, v2;
	v2 =	vmin.f32 v57, v6  }
0x346: {  	v0 =	vmax.f32 v3, v19  }
0x347: {  	v7, _, _ =	vpop (xrf1);
	(xrf1) =	vsort.ascd.msk.f32 $0xffff, v0, v0  }
0x348: {  	v0 =	vmin.f32 v46, v24;
	(xrf1) =	vsort.dscd.msk.f32 $0xffff, v2, v2;
	v2, _, _ =	vpop (xrf1)  }
0x349: {  	v8 =	vmin.f32 v16, v18;
	v12, _, _ =	vpop (xrf1);
	(xrf1) =	vsort.ascd.msk.f32 $0xffff, v0, v0  }
0x34a: {  	v0 =	vmax.f32 v17, v13;
	v58, _, _ =	vpop (xrf1);
	(xrf1) =	vsort.ascd.msk.f32 $0xffff, v8, v8  }
0x34b: {  	v59, _, _ =	vpop (xrf1);
	(xrf1) =	vsort.ascd.msk.f32 $0xffff, v0, v0;
	v0 =	vmax.f32 v2, v7;
	v2 =	vmax.f32 v12, v5  }
0x34c: {  	v60, _, _ =	vpop (xrf1);
	v5 =	vmax.f32 v0, v2  }
0x34d: {  	v61 =	vmax.f32 v11, v15;
	v7 =	vmax.f32 v58, v59;
	v62, _, _ =	vpop (xrf1);
	(xrf1) =	vsort.dscd.msk.f32 $0xffff, v5, v5  }
0x34e: {  	v0 =	vmin.f32 v0, v2;
	v63, _, _ =	vpop (xrf1);
	(xrf1) =	vsort.ascd.msk.f32 $0xffff, v7, v7;
	v7 =	vmin.f32 v60, v22  }
0x34f: {  	v12 =	vmin.f32 v11, v15;
	v20, _, _ =	vpop (xrf1);
	(xrf1) =	vsort.dscd.msk.f32 $0xffff, v0, v0;
	v0 =	vmin.f32 v17, v13  }
0x350: {  	v15 =	vmax.f32 v9, v14;
	v2 =	vmin.f32 v9, v14;
	v9, _, _ =	vpop (xrf1);
	(xrf1) =	vsort.ascd.msk.f32 $0xffff, v7, v7  }
0x351: {  	v8 =	vmax.f32 v55, v23;
	v7, _, _ =	vpop (xrf1);
	(xrf1) =	vsort.ascd.msk.f32 $0xffff, v0, v0;
	v11 =	vmin.f32 v56, v9  }
0x352: {  	v0, _, _ =	vpop (xrf1);
	(xrf1) =	vsort.ascd.msk.f32 $0xffff, v8, v8  }
0x353: {  	v17 =	vmax.f32 v46, v24;
	v14, _, _ =	vpop (xrf1);
	(xrf1) =	vsort.ascd.msk.f32 $0xffff, v11, v11  }
0x354: {  	v11, _, _ =	vpop (xrf1);
	(xrf1) =	vsort.ascd.msk.f32 $0xffff, v17, v17  }
0x355: {  	v16 =	vmax.f32 v41, v44;
	v17 =	vmax.f32 v14, v0;
	v1 =	vmax.f32 v11, v1  }
0x356: {  	v5 =	vmax.f32 v21, v25;
	v0, _, _ =	vpop (xrf1);
	(xrf1) =	vsort.ascd.msk.f32 $0xffff, v2, v2;
	v17 =	vadd.f32 v1, v17  }
0x357: {  	v13 =	vmin.f32 v41, v44;
	v4 =	vmax.f32 v63, v4;
	v18, _, _ =	vpop (xrf1);
	(xrf1) =	vsort.ascd.msk.f32 $0xffff, v61, v61  }
0x358: {  	v9 =	vmax.f32 v56, v9;
	v8 =	vmin.f32 v55, v23;
	v14 =	vmin.f32 v3, v19;
	v2, _, _ =	vpop (xrf1)  }
0x359: {  	s19 =	simm.s32 $0x2;
	v3 =	vmax.f32 v60, v22;
	v11 =	vmax.f32 v57, v6;
	v6 =	vmax.f32 v62, v10;
	v10, _, _ =	vpop (xrf1);
	(xrf2) =	vadd.scan.msk.f32 $0xffff, v17  }
0x35a: {  	s20 =	simm.s32 $0xAF80;
	s17 =	simm.s32 $0xFFFFFFFE;
	s18 =	simm.s32 $0x0;
	v1 =	vmin.f32 v58, v59;
	v6 =	vadd.f32 v4, v6;
	(xrf1) =	vsort.ascd.msk.f32 $0xffff, v13, v13;
	v17, _, _ =	vpop (xrf1)  }
.LBB2_5:
0x35b: {  	v19 =	vld [tilespmem:s20+$0xFFFFFEB0];
	(xrf1) =	vsort.dscd.msk.f32 $0xffff, v11, v11;
	v13, _, _ =	vpop (xrf1);
	s21 =	smov.u32 s19;
	s19 =	sadd.s32 $0x2, s19  }
0x35c: {  	s22 =	sadd.s32 s17, s15;
	s17 =	smov.u32 s18;
	v11 =	vld [tilespmem:s20+$0xFFFFFFD0];
	p0 =	slt.u32 s19, $0x6E;
	v4, _, _ =	vpop (xrf1);
	(xrf2) =	vadd.scan.msk.f32 $0xffff, v6  }
0x35d: {  	v10 =	vmax.f32 v13, v10;
	s23 =	sadd.s32 $0x72, s22;
	s22 =	sadd.s32 $0x73, s22;
	s18 =	smov.u32 s21;
	v21 =	vld [tilespmem:s20+$0x40];
	v6, _, _ =	vpop (xrf1);
	(xrf1) =	vsort.ascd.msk.f32 $0xffff, v15, v15  }
0x35e: {  	v15 =	vld [tilespmem:s20+$0x50];
	v13 =	vmax.f32 v6, v20;
	(xrf1) =	vsort.ascd.msk.f32 $0xffff, v12, v12;
	v6, _, _ =	vpop (xrf1);
	v20 =	vmov s23  }
0x35f: {  	v22 =	vld [tilespmem:s20+$0xFFFFFEE0];
	v23 =	vmax.f32 v10, v13;
	v10 =	vmin.f32 v10, v13;
	(xrf1) =	vsort.ascd.msk.f32 $0xffff, v16, v16;
	v12, _, _ =	vpop (xrf1);
	v25 =	vand.u32 $0xFFFFFFFE, v20  }
0x360: {  	v20 =	vld [tilespmem:s20+$0xFFFFFED0];
	v16, _, _ =	vpop (xrf1);
	(xrf1) =	vsort.dscd.msk.f32 $0xffff, v23, v23;
	v23 =	vbroadcast v25, $0x0  }
0x361: {  	v24 =	vld [tilespmem:s20+$0xFFFFFE80];
	v13, _, _ =	vpop (xrf1);
	(xrf1) =	vsort.dscd.msk.f32 $0xffff, v10, v10  }
0x362: {  	v25 =	vld [tilespmem:s20+$0xFFFFFE90];
	(xrf1) =	vsort.ascd.msk.f32 $0xffff, v19, v19;
	v10, _, _ =	vpop (xrf1)  }
0x363: {  	v19 =	vld [tilespmem:s20+$0x30];
	(xrf1) =	vsort.dscd.msk.f32 $0xffff, v21, v21;
	v21, _, _ =	vpop (xrf2)  }
0x364: {  	v27 =	vmov s22;
	v26 =	vld [tilespmem:s20+$0xFFFFFEC0];
	(xrf1) =	vsort.dscd.msk.f32 $0xffff, v22, v22;
	v22, _, _ =	vpop (xrf1);
	v30 =	vmul.f32 $3.125000000e-02, v21  }
0x365: {  	v28 =	vld [tilespmem:s20+$0xFFFFFEA0];
	(xrf1) =	vsort.ascd.msk.f32 $0xffff, v15, v15;
	v15, _, _ =	vpop (xrf1)  }
0x366: {  	v29 =	vld [tilespmem:s20+$0x10];
	(xrf1) =	vsort.dscd.msk.f32 $0xffff, v24, v24;
	[tilespmem:v23+s12+$0x0] =	vst.idx.msk vm0, v30;
	v21, _, _ =	vpop (xrf2)  }
0x367: {  	v23 =	vld [tilespmem:s20+$0xFFFFFEF0];
	(xrf1) =	vsort.ascd.msk.f32 $0xffff, v20, v20;
	v20 =	vmul.f32 $3.125000000e-02, v21  }
0x368: {  	v21 =	vld [tilespmem:s20+$0x0];
	(xrf1) =	vsort.ascd.msk.f32 $0xffff, v19, v19;
	v30, _, _ =	vpop (xrf1)  }
0x369: {  	v19 =	vld [tilespmem:s20+$0x20];
	(xrf1) =	vsort.ascd.msk.f32 $0xffff, v25, v25;
	v24, _, _ =	vpop (xrf1);
	[tilespmem:v27+s12+$0x0] =	vst.idx.msk vm0, v20  }
0x36a: {  	v20 =	vld [tilespmem:s20+$0x60];
	(xrf1) =	vsort.dscd.msk.f32 $0xffff, v28, v28  }
0x36b: {  	v25 =	vld [tilespmem:s20+$0x70];
	(xrf1) =	vsort.ascd.msk.f32 $0xffff, v29, v29;
	v27, _, _ =	vpop (xrf1)  }
0x36c: {  	(xrf1) =	vsort.ascd.msk.f32 $0xffff, v23, v23;
	v23, _, _ =	vpop (xrf1)  }
0x36d: {  	(xrf1) =	vsort.dscd.msk.f32 $0xffff, v21, v21;
	v21 =	vmax.f32 v24, v23;
	v23, _, _ =	vpop (xrf1)  }
0x36e: {  	v24 =	vld [tilespmem:s20+$0xFFFFFF00];
	(xrf1) =	vsort.dscd.msk.f32 $0xffff, v19, v19;
	v19, _, _ =	vpop (xrf1)  }
0x36f: {  	v15 =	vmax.f32 v18, v15;
	v28 =	vld [tilespmem:s20+$0xFFFFFF10];
	(xrf1) =	vsort.dscd.msk.f32 $0xffff, v20, v20;
	v18 =	vmax.f32 v19, v22;
	v19, _, _ =	vpop (xrf1)  }
0x370: {  	v20 =	vld [tilespmem:s20+$0x80];
	v22, _, _ =	vpop (xrf1);
	(xrf1) =	vsort.ascd.msk.f32 $0xffff, v25, v25;
	v25 =	vmax.f32 v21, v15;
	v27 =	vmax.f32 v19, v27  }
0x371: {  	v32 =	vmin.f32 v21, v15;
	v19 =	vld [tilespmem:s20+$0x90];
	v29, _, _ =	vpop (xrf1);
	v21 =	vmin.f32 v18, v27;
	(xrf1) =	vsort.dscd.msk.f32 $0xffff, v25, v25  }
0x372: {  	v25 =	vld [tilespmem:s20+$0xFFFFFF20];
	v31, _, _ =	vpop (xrf1);
	(xrf1) =	vsort.dscd.msk.f32 $0xffff, v32, v32  }
0x373: {  	(xrf1) =	vsort.dscd.msk.f32 $0xffff, v24, v24;
	v15, _, _ =	vpop (xrf1)  }
0x374: {  	v32 =	vmax.f32 v29, v15;
	v29 =	vmin.f32 v29, v15;
	v15, _, _ =	vpop (xrf1);
	(xrf1) =	vsort.ascd.msk.f32 $0xffff, v28, v28  }
0x375: {  	v33, _, _ =	vpop (xrf1);
	(xrf1) =	vsort.dscd.msk.f32 $0xffff, v20, v20  }
0x376: {  	v24, _, _ =	vpop (xrf1);
	(xrf1) =	vsort.ascd.msk.f32 $0xffff, v19, v19  }
0x377: {  	v19, _, _ =	vpop (xrf1);
	(xrf1) =	vsort.dscd.msk.f32 $0xffff, v25, v25  }
0x378: {  	v20 =	vmax.f32 v15, v19;
	v25, _, _ =	vpop (xrf1);
	(xrf1) =	vsort.dscd.msk.f32 $0xffff, v26, v26  }
0x379: {  	v15 =	vmin.f32 v15, v19;
	v28 =	vmax.f32 v25, v22;
	(xrf1) =	vsort.dscd.msk.f32 $0xffff, v20, v20;
	v26, _, _ =	vpop (xrf1)  }
0x37a: {  	v22 =	vmin.f32 v25, v22;
	(xrf1) =	vsort.ascd.msk.f32 $0xffff, v28, v28;
	v19, _, _ =	vpop (xrf1)  }
0x37b: {  	v20 =	vmax.f32 v31, v19;
	v31 =	vmin.f32 v31, v19;
	(xrf1) =	vsort.ascd.msk.f32 $0xffff, v22, v22;
	v19, _, _ =	vpop (xrf1)  }
0x37c: {  	v22 =	vld [tilespmem:s20+$0xFFFFFF30];
	v34 =	vmax.f32 v19, v26;
	v26 =	vmin.f32 v19, v26;
	(xrf1) =	vsort.dscd.msk.f32 $0xffff, v15, v15;
	v15, _, _ =	vpop (xrf1)  }
0x37d: {  	v19 =	vmin.f32 v15, v24;
	v28 =	vld [tilespmem:s20+$0xA0];
	(xrf1) =	vsort.dscd.msk.f32 $0xffff, v34, v34;
	v25, _, _ =	vpop (xrf1)  }
0x37e: {  	v24 =	vmax.f32 v15, v24;
	(xrf1) =	vsort.ascd.msk.f32 $0xffff, v19, v19;
	v15, _, _ =	vpop (xrf1)  }
0x37f: {  	v19 =	vmax.f32 v25, v15;
	v15 =	vmin.f32 v25, v15;
	(xrf1) =	vsort.ascd.msk.f32 $0xffff, v24, v24;
	v25, _, _ =	vpop (xrf1)  }
0x380: {  	v34 =	vld [tilespmem:s20+$0xB0];
	(xrf1) =	vsort.dscd.msk.f32 $0xffff, v26, v26;
	v26, _, _ =	vpop (xrf1)  }
0x381: {  	v35, _, _ =	vpop (xrf1);
	(xrf1) =	vsort.ascd.msk.f32 $0xffff, v22, v22  }
0x382: {  	v18 =	vmax.f32 v18, v27;
	v22, _, _ =	vpop (xrf1);
	(xrf1) =	vsort.dscd.msk.f32 $0xffff, v28, v28  }
0x383: {  	v24 =	vmax.f32 v35, v22;
	v28 =	vmin.f32 v35, v22;
	v22, _, _ =	vpop (xrf1);
	(xrf1) =	vsort.dscd.msk.f32 $0xffff, v18, v18  }
0x384: {  	v25 =	vmax.f32 v25, v30;
	v30 =	vmax.f32 v26, v23;
	v18 =	vld [tilespmem:s20+$0xFFFFFF40];
	v27, _, _ =	vpop (xrf1);
	(xrf1) =	vsort.dscd.msk.f32 $0xffff, v21, v21  }
0x385: {  	v21 =	vld [tilespmem:s20+$0xFFFFFF50];
	v23 =	vmin.f32 v22, v27;
	v35, _, _ =	vpop (xrf1);
	(xrf1) =	vsort.ascd.msk.f32 $0xffff, v34, v34;
	v34 =	vmax.f32 v25, v30  }
0x386: {  	v26 =	vmax.f32 v22, v27;
	v30 =	vmin.f32 v25, v30;
	v22 =	vld [tilespmem:s20+$0xC0];
	v27, _, _ =	vpop (xrf1);
	(xrf1) =	vsort.dscd.msk.f32 $0xffff, v34, v34  }
0x387: {  	v34 =	vmax.f32 v27, v33;
	v27 =	vmin.f32 v27, v33;
	v33, _, _ =	vpop (xrf1);
	(xrf1) =	vsort.ascd.msk.f32 $0xffff, v14, v14  }
0x388: {  	v14, _, _ =	vpop (xrf1);
	(xrf1) =	vsort.ascd.msk.f32 $0xffff, v34, v34  }
0x389: {  	v25, _, _ =	vpop (xrf1);
	(xrf1) =	vsort.dscd.msk.f32 $0xffff, v18, v18  }
0x38a: {  	v33 =	vmax.f32 v33, v25;
	v25, _, _ =	vpop (xrf1);
	(xrf1) =	vsort.ascd.msk.f32 $0xffff, v21, v21  }
0x38b: {  	v14 =	vmax.f32 v25, v14;
	v21, _, _ =	vpop (xrf1);
	(xrf1) =	vsort.dscd.msk.f32 $0xffff, v22, v22  }
0x38c: {  	v25 =	vmax.f32 v33, v14;
	v33 =	vmin.f32 v33, v14;
	(xrf1) =	vsort.ascd.msk.f32 $0xffff, v27, v27;
	v18, _, _ =	vpop (xrf1)  }
0x38d: {  	(xrf1) =	vsort.dscd.msk.f32 $0xffff, v25, v25;
	v22, _, _ =	vpop (xrf1)  }
0x38e: {  	v27 =	vld [tilespmem:s20+$0xD0];
	(xrf1) =	vsort.dscd.msk.f32 $0xffff, v33, v33;
	v14, _, _ =	vpop (xrf1)  }
0x38f: {  	v21 =	vmax.f32 v21, v18;
	v34 =	vmax.f32 v14, v22;
	v22, _, _ =	vpop (xrf1);
	(xrf1) =	vsort.ascd.msk.f32 $0xffff, v29, v29  }
0x390: {  	v29 =	vmax.f32 v21, v34;
	v33 =	vmin.f32 v21, v34;
	(xrf1) =	vsort.ascd.msk.f32 $0xffff, v32, v32;
	v18, _, _ =	vpop (xrf1)  }
0x391: {  	v21 =	vmax.f32 v35, v22;
	v25 =	vmin.f32 v35, v22;
	(xrf1) =	vsort.dscd.msk.f32 $0xffff, v33, v33;
	v14, _, _ =	vpop (xrf1)  }
0x392: {  	v32 =	vld [tilespmem:s20+$0xE0];
	(xrf1) =	vsort.dscd.msk.f32 $0xffff, v29, v29;
	v29 =	vmax.f32 v14, v12;
	v12, _, _ =	vpop (xrf1)  }
0x393: {  	v33 =	vld [tilespmem:s20+$0xF0];
	v22, _, _ =	vpop (xrf1);
	(xrf1) =	vsort.ascd.msk.f32 $0xffff, v27, v27;
	v27 =	vmax.f32 v12, v17  }
0x394: {  	v14 =	vmin.f32 v18, v22;
	v12 =	vmax.f32 v29, v27;
	v34, _, _ =	vpop (xrf1);
	(xrf1) =	vsort.ascd.msk.f32 $0xffff, v5, v5  }
0x395: {  	v22 =	vmax.f32 v18, v22;
	(xrf1) =	vsort.ascd.msk.f32 $0xffff, v8, v8;
	v18, _, _ =	vpop (xrf1)  }
0x396: {  	v5, _, _ =	vpop (xrf1);
	(xrf1) =	vsort.ascd.msk.f32 $0xffff, v31, v31  }
0x397: {  	v8, _, _ =	vpop (xrf1);
	(xrf1) =	vsort.dscd.msk.f32 $0xffff, v12, v12  }
0x398: {  	v31 =	vld [tilespmem:s20+$0x100];
	v12, _, _ =	vpop (xrf1);
	(xrf1) =	vsort.dscd.msk.f32 $0xffff, v32, v32  }
0x399: {  	v17 =	vmax.f32 v8, v12;
	v12 =	vmin.f32 v8, v12;
	v8 =	vld [tilespmem:s20+$0x110];
	v32, _, _ =	vpop (xrf1);
	(xrf1) =	vsort.ascd.msk.f32 $0xffff, v33, v33  }
0x39a: {  	v33, _, _ =	vpop (xrf1);
	(xrf1) =	vsort.dscd.msk.f32 $0xffff, v30, v30  }
0x39b: {  	v35 =	vmin.f32 v29, v27;
	v30, _, _ =	vpop (xrf1);
	(xrf1) =	vsort.ascd.msk.f32 $0xffff, v20, v20  }
0x39c: {  	v30 =	vmax.f32 v30, v33;
	v29, _, _ =	vpop (xrf1);
	(xrf1) =	vsort.dscd.msk.f32 $0xffff, v35, v35  }
0x39d: {  	v29 =	vmax.f32 v29, v5;
	v20, _, _ =	vpop (xrf1);
	(xrf1) =	vsort.dscd.msk.f32 $0xffff, v31, v31  }
0x39e: {  	v31 =	vmax.f32 v30, v29;
	v30 =	vmin.f32 v30, v29;
	v27, _, _ =	vpop (xrf1);
	(xrf1) =	vsort.ascd.msk.f32 $0xffff, v8, v8  }
0x39f: {  	(xrf1) =	vsort.dscd.msk.f32 $0xffff, v30, v30;
	v5, _, _ =	vpop (xrf1)  }
0x3a0: {  	v8 =	vld [tilespmem:s20+$0x120];
	(xrf1) =	vsort.dscd.msk.f32 $0xffff, v31, v31;
	v29, _, _ =	vpop (xrf1)  }
0x3a1: {  	v35 =	vmax.f32 v5, v27;
	v20 =	vmax.f32 v29, v20;
	v29 =	vld [tilespmem:s20+$0x130];
	(xrf1) =	vsort.ascd.msk.f32 $0xffff, v19, v19;
	v19, _, _ =	vpop (xrf1)  }
0x3a2: {  	v30 =	vmax.f32 v20, v35;
	v33 =	vmin.f32 v20, v35;
	(xrf1) =	vsort.ascd.msk.f32 $0xffff, v15, v15;
	v31, _, _ =	vpop (xrf1)  }
0x3a3: {  	v27 =	vmax.f32 v32, v19;
	v20 =	vmin.f32 v32, v19;
	v32 =	vld [tilespmem:s20+$0x150];
	(xrf1) =	vsort.dscd.msk.f32 $0xffff, v33, v33;
	v5, _, _ =	vpop (xrf1)  }
0x3a4: {  	v33 =	vld [tilespmem:s20+$0xFFFFFF60];
	v35, _, _ =	vpop (xrf1);
	(xrf1) =	vsort.dscd.msk.f32 $0xffff, v30, v30;
	v5 =	vmax.f32 v34, v5  }
0x3a5: {  	v30 =	vld [tilespmem:s20+$0xFFFFFF70];
	(xrf1) =	vsort.dscd.msk.f32 $0xffff, v8, v8;
	v8, _, _ =	vpop (xrf1)  }
0x3a6: {  	v19, _, _ =	vpop (xrf1);
	(xrf1) =	vsort.ascd.msk.f32 $0xffff, v29, v29;
	v7 =	vmax.f32 v8, v7  }
0x3a7: {  	v8, _, _ =	vpop (xrf1);
	(xrf1) =	vsort.ascd.msk.f32 $0xffff, v9, v9  }
0x3a8: {  	v15 =	vmax.f32 v19, v8;
	v19 =	vmin.f32 v19, v8;
	v8 =	vld [tilespmem:s20+$0x140];
	(xrf1) =	vsort.ascd.msk.f32 $0xffff, v32, v32;
	v9, _, _ =	vpop (xrf1)  }
0x3a9: {  	v29, _, _ =	vpop (xrf1);
	(xrf1) =	vsort.dscd.msk.f32 $0xffff, v33, v33  }
0x3aa: {  	v16 =	vmax.f32 v9, v16;
	(xrf1) =	vsort.ascd.msk.f32 $0xffff, v28, v28;
	v9, _, _ =	vpop (xrf1)  }
0x3ab: {  	(xrf1) =	vsort.ascd.msk.f32 $0xffff, v30, v30;
	v28, _, _ =	vpop (xrf1);
	v30 =	vmax.f32 v5, v16;
	v9 =	vmax.f32 v9, v31  }
0x3ac: {  	v31, _, _ =	vpop (xrf1);
	v32 =	vmax.f32 v7, v9;
	v33 =	vmin.f32 v7, v9;
	(xrf1) =	vsort.dscd.msk.f32 $0xffff, v30, v30  }
0x3ad: {  	v9 =	vmax.f32 v28, v31;
	v7 =	vmin.f32 v28, v31;
	v28, _, _ =	vpop (xrf1);
	(xrf1) =	vsort.dscd.msk.f32 $0xffff, v8, v8  }
0x3ae: {  	v5 =	vmin.f32 v5, v16;
	v8 =	vmax.f32 v28, v29;
	v28, _, _ =	vpop (xrf1);
	(xrf1) =	vsort.dscd.msk.f32 $0xffff, v32, v32  }
0x3af: {  	v29 =	vmax.f32 v28, v35;
	v28, _, _ =	vpop (xrf1);
	(xrf1) =	vsort.dscd.msk.f32 $0xffff, v5, v5  }
0x3b0: {  	v30 =	vmax.f32 v29, v8;
	v29 =	vmin.f32 v29, v8;
	(xrf1) =	vsort.ascd.msk.f32 $0xffff, v24, v24;
	v16, _, _ =	vpop (xrf1)  }
0x3b1: {  	(xrf1) =	vsort.dscd.msk.f32 $0xffff, v29, v29;
	v8, _, _ =	vpop (xrf1)  }
0x3b2: {  	v8 =	vmax.f32 v8, v28;
	(xrf1) =	vsort.dscd.msk.f32 $0xffff, v30, v30;
	v5, _, _ =	vpop (xrf1)  }
0x3b3: {  	v24 =	vld [tilespmem:s20+$0xFFFFFF80];
	v5 =	vmax.f32 v5, v16;
	(xrf1) =	vsort.ascd.msk.f32 $0xffff, v26, v26;
	v16, _, _ =	vpop (xrf1)  }
0x3b4: {  	v26 =	vld [tilespmem:s20+$0xFFFFFF90];
	v31 =	vmax.f32 v5, v8;
	v32 =	vmin.f32 v5, v8;
	(xrf1) =	vsort.ascd.msk.f32 $0xffff, v23, v23;
	v23, _, _ =	vpop (xrf1)  }
0x3b5: {  	v5 =	vmax.f32 v16, v23;
	v29 =	vmin.f32 v16, v23;
	v30 =	vld [tilespmem:s20+$0x160];
	(xrf1) =	vsort.dscd.msk.f32 $0xffff, v31, v31;
	v28, _, _ =	vpop (xrf1)  }
0x3b6: {  	v31 =	vld [tilespmem:s20+$0xFFFFFFA0];
	(xrf1) =	vsort.dscd.msk.f32 $0xffff, v32, v32;
	v8, _, _ =	vpop (xrf1)  }
0x3b7: {  	v32 =	vld [tilespmem:s20+$0x170];
	v23, _, _ =	vpop (xrf1);
	(xrf1) =	vsort.dscd.msk.f32 $0xffff, v33, v33  }
0x3b8: {  	v33, _, _ =	vpop (xrf1);
	(xrf1) =	vsort.dscd.msk.f32 $0xffff, v24, v24  }
0x3b9: {  	v24, _, _ =	vpop (xrf1);
	(xrf1) =	vsort.ascd.msk.f32 $0xffff, v26, v26  }
0x3ba: {  	v16 =	vmax.f32 v23, v24;
	v23 =	vmin.f32 v23, v24;
	(xrf1) =	vsort.dscd.msk.f32 $0xffff, v30, v30;
	v26, _, _ =	vpop (xrf1)  }
0x3bb: {  	v30 =	vld [tilespmem:s20+$0xFFFFFFB0];
	(xrf1) =	vsort.dscd.msk.f32 $0xffff, v31, v31;
	v31, _, _ =	vpop (xrf1)  }
0x3bc: {  	(xrf1) =	vsort.ascd.msk.f32 $0xffff, v32, v32;
	v32, _, _ =	vpop (xrf1)  }
0x3bd: {  	v24 =	vmax.f32 v31, v8;
	v31 =	vmin.f32 v31, v8;
	v8, _, _ =	vpop (xrf1);
	(xrf1) =	vsort.ascd.msk.f32 $0xffff, v3, v3  }
0x3be: {  	v3, _, _ =	vpop (xrf1);
	(xrf1) =	vsort.ascd.msk.f32 $0xffff, v11, v11;
	v11 =	vmax.f32 v26, v13;
	v8 =	vmax.f32 v8, v28  }
0x3bf: {  	v13, _, _ =	vpop (xrf1);
	(xrf1) =	vsort.ascd.msk.f32 $0xffff, v25, v25;
	v25 =	vmax.f32 v11, v8  }
0x3c0: {  	v8 =	vmin.f32 v11, v8;
	v3 =	vmax.f32 v13, v3;
	v13, _, _ =	vpop (xrf1);
	(xrf1) =	vsort.dscd.msk.f32 $0xffff, v25, v25  }
0x3c1: {  	v25 =	vmax.f32 v13, v33;
	v13, _, _ =	vpop (xrf1);
	(xrf1) =	vsort.dscd.msk.f32 $0xffff, v8, v8  }
0x3c2: {  	v26 =	vmax.f32 v25, v3;
	v25 =	vmin.f32 v25, v3;
	(xrf1) =	vsort.ascd.msk.f32 $0xffff, v21, v21;
	v11, _, _ =	vpop (xrf1)  }
0x3c3: {  	(xrf1) =	vsort.dscd.msk.f32 $0xffff, v26, v26;
	v8, _, _ =	vpop (xrf1)  }
0x3c4: {  	v21 =	vld [tilespmem:s20+$0xFFFFFFE0];
	v8 =	vmax.f32 v8, v11;
	(xrf1) =	vsort.dscd.msk.f32 $0xffff, v25, v25;
	v3, _, _ =	vpop (xrf1)  }
0x3c5: {  	v11 =	vld [tilespmem:s20+$0xFFFFFFF0];
	v3 =	vmax.f32 v3, v13;
	(xrf1) =	vsort.ascd.msk.f32 $0xffff, v22, v22;
	v13, _, _ =	vpop (xrf1)  }
0x3c6: {  	v22 =	vld [tilespmem:s20+$0xFFFFFFC0];
	v25 =	vmax.f32 v8, v3;
	v28 =	vmin.f32 v8, v3;
	v26, _, _ =	vpop (xrf1);
	(xrf1) =	vsort.ascd.msk.f32 $0xffff, v14, v14  }
0x3c7: {  	v10 =	vmax.f32 v13, v10;
	v14, _, _ =	vpop (xrf1);
	(xrf1) =	vsort.dscd.msk.f32 $0xffff, v25, v25  }
0x3c8: {  	v8 =	vmin.f32 v26, v14;
	(xrf1) =	vsort.dscd.msk.f32 $0xffff, v28, v28;
	v3, _, _ =	vpop (xrf1)  }
0x3c9: {  	v2 =	vmax.f32 v32, v2;
	v13 =	vmax.f32 v26, v14;
	v25, _, _ =	vpop (xrf1);
	(xrf1) =	vsort.dscd.msk.f32 $0xffff, v21, v21  }
0x3ca: {  	v21 =	vmax.f32 v2, v10;
	(xrf1) =	vsort.ascd.msk.f32 $0xffff, v11, v11;
	v11, _, _ =	vpop (xrf1)  }
0x3cb: {  	v26 =	vmax.f32 v3, v11;
	v14 =	vmin.f32 v3, v11;
	(xrf1) =	vsort.dscd.msk.f32 $0xffff, v22, v22;
	v3, _, _ =	vpop (xrf1)  }
0x3cc: {  	v11 =	vmin.f32 v2, v10;
	v22, _, _ =	vpop (xrf1);
	(xrf1) =	vsort.dscd.msk.f32 $0xffff, v21, v21  }
0x3cd: {  	v10, _, _ =	vpop (xrf1);
	(xrf1) =	vsort.dscd.msk.f32 $0xffff, v11, v11  }
0x3ce: {  	(xrf1) =	vsort.ascd.msk.f32 $0xffff, v27, v27;
	v2, _, _ =	vpop (xrf1)  }
0x3cf: {  	(xrf1) =	vsort.ascd.msk.f32 $0xffff, v30, v30;
	v2 =	vmax.f32 v2, v6;
	v6, _, _ =	vpop (xrf1)  }
0x3d0: {  	v11, _, _ =	vpop (xrf1);
	(xrf1) =	vsort.ascd.msk.f32 $0xffff, v29, v29;
	v27 =	vmax.f32 v6, v3  }
0x3d1: {  	v6, _, _ =	vpop (xrf1);
	v21 =	vmax.f32 v2, v27;
	v2 =	vmin.f32 v2, v27;
	(xrf1) =	vsort.ascd.msk.f32 $0xffff, v1, v1  }
0x3d2: {  	v1 =	vmax.f32 v6, v10;
	v3, _, _ =	vpop (xrf1);
	(xrf1) =	vsort.dscd.msk.f32 $0xffff, v21, v21  }
0x3d3: {  	v3 =	vmax.f32 v3, v11;
	v6, _, _ =	vpop (xrf1);
	(xrf1) =	vsort.dscd.msk.f32 $0xffff, v2, v2  }
0x3d4: {  	v11 =	vmax.f32 v1, v3;
	v10 =	vmin.f32 v1, v3;
	v2, _, _ =	vpop (xrf1);
	(xrf1) =	vsort.ascd.msk.f32 $0xffff, v26, v26  }
0x3d5: {  	(xrf1) =	vsort.dscd.msk.f32 $0xffff, v10, v10;
	v1, _, _ =	vpop (xrf1)  }
0x3d6: {  	v3, _, _ =	vpop (xrf1);
	(xrf1) =	vsort.ascd.msk.f32 $0xffff, v31, v31  }
0x3d7: {  	v21 =	vmax.f32 v1, v2;
	v2 =	vmax.f32 v3, v6;
	v3, _, _ =	vpop (xrf1);
	(xrf1) =	vsort.ascd.msk.f32 $0xffff, v20, v20  }
0x3d8: {  	v20 =	vmax.f32 v21, v2;
	v2 =	vmin.f32 v21, v2;
	v1, _, _ =	vpop (xrf1);
	(xrf1) =	vsort.ascd.msk.f32 $0xffff, v9, v9  }
0x3d9: {  	v9 =	vmax.f32 v3, v1;
	v1 =	vmin.f32 v3, v1;
	v10, _, _ =	vpop (xrf1);
	(xrf1) =	vsort.dscd.msk.f32 $0xffff, v20, v20  }
0x3da: {  	v3 =	vmax.f32 v10, v22;
	(xrf1) =	vsort.ascd.msk.f32 $0xffff, v9, v9;
	v6, _, _ =	vpop (xrf1)  }
0x3db: {  	v9 =	vmin.f32 v10, v22;
	(xrf1) =	vsort.dscd.msk.f32 $0xffff, v2, v2;
	v6 =	vmax.f32 v6, v18;
	v2, _, _ =	vpop (xrf1)  }
0x3dc: {  	(xrf1) =	vsort.ascd.msk.f32 $0xffff, v9, v9;
	v20, _, _ =	vpop (xrf1);
	v21 =	vmax.f32 v2, v0  }
0x3dd: {  	v0, _, _ =	vpop (xrf1);
	(xrf1) =	vsort.ascd.msk.f32 $0xffff, v7, v7  }
0x3de: {  	v9 =	vmax.f32 v25, v0;
	v10 =	vmin.f32 v25, v0;
	(xrf1) =	vsort.ascd.msk.f32 $0xffff, v13, v13;
	v7, _, _ =	vpop (xrf1)  }
0x3df: {  	(xrf1) =	vsort.ascd.msk.f32 $0xffff, v10, v10;
	v0, _, _ =	vpop (xrf1)  }
0x3e0: {  	(xrf1) =	vsort.ascd.msk.f32 $0xffff, v24, v24;
	v2, _, _ =	vpop (xrf1)  }
0x3e1: {  	v2 =	vmax.f32 v2, v0;
	v10, _, _ =	vpop (xrf1)  }
.Ltmp1:
0x3e2: {  	(xrf1) =	vsort.ascd.msk.f32 $0xffff, v19, v19;
	v0, _, _ =	vpop (xrf1);
	v4 =	vmax.f32 v10, v4;
	(pc) =	sbr.rel @p0 .LBB2_5-.Ltmp1, $4  }
0x3e3: {  	v18, _, _ =	vpop (xrf1);
	(xrf1) =	vsort.ascd.msk.f32 $0xffff, v17, v17;
	v4 =	vadd.f32 v4, v2  }
0x3e4: {  	v2, _, _ =	vpop (xrf1)  }
0x3e5: {  	v10, _, _ =	vpop (xrf1);
	(xrf2) =	vadd.scan.msk.f32 $0xffff, v4  }
0x3e6: {  	s20 =	sadd.s32 $0x300, s20;
	v6 =	vadd.f32 v21, v6;
	(xrf1) =	vsort.ascd.msk.f32 $0xffff, v23, v23;
	v17, _, _ =	vpop (xrf1)  }
0x3e7: {  	(xrf1) =	vsort.dscd.msk.f32 $0xffff, v11, v11;
	v4, _, _ =	vpop (xrf1)  }
0x3e8: {  	v11, _, _ =	vpop (xrf1);
	(xrf1) =	vsort.ascd.msk.f32 $0xffff, v15, v15  }
0x3e9: {  	v13, _, _ =	vpop (xrf1);
	(xrf1) =	vsort.ascd.msk.f32 $0xffff, v12, v12  }
0x3ea: {  	v4 =	vmax.f32 v4, v10;
	v51 =	vmax.f32 v13, v20  }
0x3eb: {  	(xrf1) =	vsort.ascd.msk.f32 $0xffff, v16, v16;
	v52 =	vmax.f32 v4, v51  }
0x3ec: {  	v4 =	vmin.f32 v4, v51;
	(xrf1) =	vsort.dscd.msk.f32 $0xffff, v52, v52  }
0x3ed: {  	v53, _, _ =	vpop (xrf1);
	(xrf1) =	vsort.dscd.msk.f32 $0xffff, v4, v4  }
0x3ee: {  	v54, _, _ =	vpop (xrf1)  }
0x3ef: {  	v55, _, _ =	vpop (xrf1)  }
0x3f0: {  	v56, _, _ =	vpop (xrf1)  }
0x3f1: {  	v57, _, _ =	vpop (xrf1)  }
0x3f2: {  	v58, _, _ =	vpop (xrf1)  }
0x3f3: {  	v19, _, _ =	vpop (xrf1)  }
0x3f4: {  	v59, _, _ =	vpop (xrf1)  }
0x3f5: {  	v21, _, _ =	vpop (xrf1)  }
0x3f6: {  	v22, _, _ =	vpop (xrf1)  }
0x3f7: {  	v23, _, _ =	vpop (xrf1)  }
0x3f8: {  	v18 =	vmax.f32 v18, v19;
	v21 =	vmax.f32 v21, v23  }
0x3f9: {  	v60, _, _ =	vpop (xrf1);
	v23 =	vmax.f32 v21, v18  }
0x3fa: {  	v18 =	vmin.f32 v21, v18;
	v61, _, _ =	vpop (xrf1);
	(xrf1) =	vsort.dscd.msk.f32 $0xffff, v23, v23  }
0x3fb: {  	v62, _, _ =	vpop (xrf1);
	(xrf1) =	vsort.dscd.msk.f32 $0xffff, v18, v18  }
0x3fc: {  	v16 =	vmax.f32 v61, v58;
	v63 =	vmax.f32 v62, v22  }
0x3fd: {  	v21 =	vmax.f32 v16, v63  }
0x3fe: {  	v16 =	vmin.f32 v16, v63;
	(xrf1) =	vsort.dscd.msk.f32 $0xffff, v21, v21  }
0x3ff: {  	(xrf1) =	vsort.dscd.msk.f32 $0xffff, v16, v16;
	_ =	sdelay $0x8  }
0x400: {  	v22, _, _ =	vpop (xrf1)  }
0x401: {  	v23, _, _ =	vpop (xrf1)  }
0x402: {  	v16 =	vmax.f32 v22, v59;
	v18 =	vmax.f32 v23, v60  }
0x403: {  	v19 =	vmax.f32 v16, v18  }
0x404: {  	(xrf1) =	vsort.dscd.msk.f32 $0xffff, v19, v19;
	v24, _, _ =	vpop (xrf1)  }
0x405: {  	(xrf1) =	vsort.ascd.msk.f32 $0xffff, v14, v14;
	v25, _, _ =	vpop (xrf1)  }
0x406: {  	v4 =	vmax.f32 v24, v54;
	v14 =	vmax.f32 v25, v17;
	(xrf1) =	vsort.ascd.msk.f32 $0xffff, v5, v5  }
0x407: {  	v26 =	vmax.f32 v4, v14;
	(xrf1) =	vsort.ascd.msk.f32 $0xffff, v8, v8  }
0x408: {  	v27 =	vmin.f32 v16, v18;
	(xrf1) =	vsort.dscd.msk.f32 $0xffff, v26, v26  }
0x409: {  	v4 =	vmin.f32 v4, v14;
	(xrf1) =	vsort.dscd.msk.f32 $0xffff, v27, v27  }
0x40a: {  	(xrf1) =	vsort.dscd.msk.f32 $0xffff, v4, v4;
	_ =	sdelay $0x7  }
0x40b: {  	v28, _, _ =	vpop (xrf1)  }
0x40c: {  	v29, _, _ =	vpop (xrf1)  }
0x40d: {  	v30, _, _ =	vpop (xrf1)  }
0x40e: {  	v31, _, _ =	vpop (xrf1)  }
0x40f: {  	v32, _, _ =	vpop (xrf1)  }
0x410: {  	v33, _, _ =	vpop (xrf1)  }
0x411: {  	(xrf1) =	vsort.ascd.msk.f32 $0xffff, v9, v9;
	v4 =	vmax.f32 v28, v31;
	v12 =	vmax.f32 v33, v55;
	v34, _, _ =	vpop (xrf1)  }
0x412: {  	v7 =	vmax.f32 v32, v7;
	v35 =	vmax.f32 v4, v12;
	v8 =	vmax.f32 v34, v30  }
0x413: {  	v14 =	vmax.f32 v7, v8;
	(xrf1) =	vsort.dscd.msk.f32 $0xffff, v35, v35  }
0x414: {  	v4 =	vmin.f32 v4, v12;
	(xrf1) =	vsort.dscd.msk.f32 $0xffff, v14, v14  }
0x415: {  	(xrf1) =	vsort.dscd.msk.f32 $0xffff, v4, v4;
	_ =	sdelay $0xa  }
0x416: {  	v36, _, _ =	vpop (xrf1)  }
0x417: {  	v9, _, _ =	vpop (xrf1)  }
0x418: {  	v37, _, _ =	vpop (xrf1)  }
0x419: {  	v7 =	vmin.f32 v7, v8;
	v38, _, _ =	vpop (xrf1)  }
0x41a: {  	(xrf1) =	vsort.dscd.msk.f32 $0xffff, v7, v7;
	v39 =	vmax.f32 v9, v56;
	v4 =	vmax.f32 v38, v36  }
0x41b: {  	(xrf1) =	vsort.ascd.msk.f32 $0xffff, v3, v3;
	v40 =	vmax.f32 v39, v4  }
0x41c: {  	v4 =	vmin.f32 v39, v4;
	(xrf1) =	vsort.dscd.msk.f32 $0xffff, v40, v40  }
0x41d: {  	(xrf1) =	vsort.dscd.msk.f32 $0xffff, v4, v4;
	_ =	sdelay $0xa  }
0x41e: {  	v41, _, _ =	vpop (xrf1)  }
0x41f: {  	v2 =	vmax.f32 v37, v2;
	v3 =	vmax.f32 v41, v57;
	v42, _, _ =	vpop (xrf1)  }
0x420: {  	v43 =	vmax.f32 v2, v3;
	v44, _, _ =	vpop (xrf1)  }
0x421: {  	v2 =	vmin.f32 v2, v3;
	(xrf1) =	vsort.dscd.msk.f32 $0xffff, v43, v43;
	v45, _, _ =	vpop (xrf1)  }
0x422: {  	(xrf1) =	vsort.dscd.msk.f32 $0xffff, v2, v2;
	v46 =	vmax.f32 v44, v53;
	v3 =	vmax.f32 v45, v42  }
0x423: {  	(xrf1) =	vsort.ascd.msk.f32 $0xffff, v1, v1;
	v4 =	vmax.f32 v46, v3  }
0x424: {  	v47 =	vmin.f32 v46, v3;
	(xrf1) =	vsort.dscd.msk.f32 $0xffff, v4, v4  }
0x425: {  	(xrf1) =	vsort.dscd.msk.f32 $0xffff, v47, v47;
	_ =	sdelay $0x9  }
0x426: {  	v48, _, _ =	vpop (xrf1)  }
0x427: {  	v49, _, _ =	vpop (xrf1)  }
0x428: {  	v50, _, _ =	vpop (xrf1)  }
0x429: {  	v4, _, _ =	vpop (xrf1)  }
0x42a: {  	v51, _, _ =	vpop (xrf1)  }
0x42b: {  	v3 =	vmax.f32 v4, v50;
	v52 =	vmax.f32 v51, v11  }
0x42c: {  	(xrf2) =	vadd.scan.msk.f32 $0xffff, v6;
	v1 =	vmax.f32 v48, v29;
	v0 =	vmax.f32 v49, v0;
	v53 =	vadd.f32 v52, v3  }
0x42d: {  	v0 =	vadd.f32 v0, v1  }
0x42e: {  	(xrf2) =	vadd.scan.msk.f32 $0xffff, v53  }
0x42f: {  	(xrf2) =	vadd.scan.msk.f32 $0xffff, v0  }
0x430: {  	s17 =	sadd.s32 s17, s15  }
0x431: {  	s18 =	sadd.s32 s18, s15;
	s19 =	sadd.s32 $0x72, s17  }
0x432: {  	s30 =	sadd.s32 $0x72, s18;
	v54 =	vmov s19  }
0x433: {  	s17 =	sadd.s32 $0x73, s17;
	v55 =	vmov s30;
	v0 =	vand.u32 $0xFFFFFFFE, v54  }
0x434: {  	v56 =	vmov s17;
	v1 =	vand.u32 $0xFFFFFFFE, v55;
	v0 =	vbroadcast v0, $0x0  }
0x435: {  	v57, _, _ =	vpop (xrf2);
	v1 =	vbroadcast v1, $0x0  }
0x436: {  	s16 =	sadd.s32 $0x1, s16;
	s31 =	sadd.s32 $0x73, s18;
	v58, _, _ =	vpop (xrf2)  }
0x437: {  	p0 =	sne.s32 s16, $0x7;
	v59 =	vmov s31;
	v4 =	vmul.f32 $3.125000000e-02, v58  }
.Ltmp2:
0x438: {  	v3 =	vmul.f32 $3.125000000e-02, v57;
	v60, _, _ =	vpop (xrf2);
	(pc) =	sbr.rel @p0 .LBB2_2-.Ltmp2, $4  }
0x439: {  	[tilespmem:v56+s12+$0x0] =	vst.idx.msk vm0, v4;
	v61 =	vmul.f32 $3.125000000e-02, v60;
	v62, _, _ =	vpop (xrf2)  }
0x43a: {  	[tilespmem:v0+s12+$0x0] =	vst.idx.msk vm0, v3;
	v63 =	vmul.f32 $3.125000000e-02, v62  }
0x43b: {  	[tilespmem:v1+s12+$0x0] =	vst.idx.msk vm0, v61  }
0x43c: {  	s15 =	sadd.s32 $0xE0, s15;
	[tilespmem:v59+s12+$0x0] =	vst.idx.msk vm0, v63  }
0x43d: {  	s14 =	sadd.s32 $0x1, s14  }
0x43e: {  	p0 =	sne.s32 s14, s9  }
.Ltmp3:
0x43f: {  	_ = 	snop;
	(pc) =	sbr.rel @p0 .LBB2_1-.Ltmp3, $4  }
0x440: {  	[hbm4b:s8+s3] =	stream.linear.scatter [tilespmem:s12], [sflag:$0x2], $0x620, $0x38;
	[tilespmem:$0x15620] =	vst v63  }
0x441: {  	_ =	swait.ge [sflag:s13], $0x620  }
0x442: {  	[sflag:s13] =	ssyncset.done $0x0  }
0x443: {  	[sflag:s13] =	ssyncadd.s32 $0xFFFFF9E0  }
0x444: {  	_ =	sfence.sel $0x180000  }
0x445: {  	[bflag:$0x0] =	sbarrier.arrive $0xFFFF  }
0x446: {  	p0 =	sne.s32 s1, $0x0;
	_ =	strace $0x90000047  }
0x447: {  	s0 =	sadd.s32 @!p0 $0x100000, s0;
	[bflag:$0x2] =	sbarrier.arrive $0xFFFF  }
0x448: {  	[sflag:s0] =	ssyncadd.tile.s32 @!p0 $0x1;
	_ =	shalt  }
.Lfunc_end2:
_tile_overlayer_lowered:
.L_overlay_start_2:
0x449: {  	(tag) =	ssettag $0x2  }
0x44a: {  	s0 =	rddreg [dreg:$0x0];
	s2 =	stileid.u32  }
0x44b: {  	s1 =	rddreg [dreg:$0x1];
	p0 =	sne.s32 s2, $0x0  }
0x44c: {  	s3 =	rddreg [dreg:$0x2];
	[bflag:$0x3] =	sbarrier.arrive $0xFFFF;
	s2 =	simm.s32 @!p0 $0x1C02  }
0x44d: {  	[timem:s3], [sflag:s2] =	dma.local @!p0 [hbm:s0], s1  }
0x44e: {  	s0 =	simm.s32 @!p0 $0x2  }
0x44f: {  	_ =	swait.ge @!p0 [sflag:s0], s1  }
0x450: {  	s1 =	ssub.s32 @!p0 $0x0, s1;
	[sflag:s0] =	ssyncset.done @!p0 $0x0  }
0x451: {  	[sflag:s0] =	ssyncadd.s32 @!p0 s1  }
0x452: {  	[bflag:$0x3] =	sbarrier.arrive $0xFFFF  }
0x453: {  	_ =	shalt  }

</sc_bundles>
